<compile_context>
chip_gen: v7x
topology: tpu7x:2x2x1
jax: 0.10.2.dev20260603
libtpu: 0.0.44.dev20260713+nightly
codegen_flags: <defaults>
</compile_context>

<pallas_src>
import functools

import jax
import jax.numpy as jnp
from jax import lax
from jax.experimental import pallas as pl
from jax.experimental.pallas import tpu as pltpu
from jax.experimental.pallas import tpu_sc as plsc

_NUM_CAMS = 16
_D = 2
_S = 200
_B = 16384
_NW = 32
_GB = 4
_UPW = 25


def _sc_lookup():
    mesh = plsc.VectorSubcoreMesh(core_axis_name="c", subcore_axis_name="s")

    @functools.partial(
        pl.kernel,
        mesh=mesh,
        out_type=jax.ShapeDtypeStruct((_S, 2 * 128, 128), jnp.float32),
        compiler_params=pltpu.CompilerParams(needs_layout_passes=False),
        scratch_types=[
            pltpu.VMEM((2 * _NUM_CAMS,), jnp.float32),
            pltpu.VMEM((_UPW, _GB, 8, 128), jnp.int32),
            pltpu.VMEM((3, 8, 2 * _GB, 128), jnp.float32),
            pltpu.SemaphoreType.DMA,
            pltpu.SemaphoreType.DMA,
        ],
    )
    def k(tbl_hbm, idx_hbm, out_hbm, tbl_v, idx_v, out_v, sin, sout):
        w = lax.axis_index("s") * 2 + lax.axis_index("c")
        u0 = w * _UPW
        pltpu.async_copy(idx_hbm.at[pl.ds(u0, 2)], idx_v.at[pl.ds(0, 2)], sin)
        pltpu.async_copy(
            idx_hbm.at[pl.ds(u0 + 2, _UPW - 2)], idx_v.at[pl.ds(2, _UPW - 2)], sin
        )
        pltpu.sync_copy(tbl_hbm, tbl_v)
        tbl0 = tbl_v[pl.ds(0, 16)]
        tbl1 = tbl_v[pl.ds(16, 16)]

        def out_slice(unit):
            st = unit // 32
            b0 = (unit % 32) * _GB
            return out_hbm.at[pl.ds(st * 8, 8), pl.ds(2 * b0, 2 * _GB), :]

        pltpu.make_async_copy(
            idx_hbm.at[pl.ds(u0, 2)], idx_v.at[pl.ds(0, 2)], sin
        ).wait()

        def unit_step(g, _):
            buf = lax.rem(g, 3)

            @pl.when(g == 2)
            def _():
                pltpu.make_async_copy(
                    idx_hbm.at[pl.ds(u0 + 2, _UPW - 2)],
                    idx_v.at[pl.ds(2, _UPW - 2)],
                    sin,
                ).wait()

            @pl.when(g >= 3)
            def _():
                pltpu.make_async_copy(out_v.at[buf], out_slice(u0), sout).wait()

            @plsc.parallel_loop(0, 8, 1, unroll=2)
            def ss_loop(ss):
                for bt in range(_GB):
                    for kk in range(8):
                        iv = idx_v[g, bt, ss, pl.ds(kk * 16, 16)]
                        v0 = jnp.take_along_axis(tbl0, iv, axis=0)
                        v1 = jnp.take_along_axis(tbl1, iv, axis=0)
                        out_v[buf, ss, 2 * bt, pl.ds(kk * 16, 16)] = v0
                        out_v[buf, ss, 2 * bt + 1, pl.ds(kk * 16, 16)] = v1

            pltpu.async_copy(out_v.at[buf], out_slice(u0 + g), sout)
            return 0

        lax.fori_loop(0, _UPW, unit_step, 0)
        pltpu.make_async_copy(out_v.at[0], out_slice(u0), sout).wait()
        pltpu.make_async_copy(out_v.at[0], out_slice(u0), sout).wait()
        pltpu.make_async_copy(out_v.at[0], out_slice(u0), sout).wait()

    return k


_lookup = _sc_lookup()


@jax.jit
def kernel(i, param):
    tbl = jnp.concatenate([param[:, 0], param[:, 1]]).astype(jnp.float32)
    idx4 = i.astype(jnp.int32).reshape(128, 128, 25, 8).transpose(2, 0, 3, 1)
    idx_u = idx4.reshape(800, _GB, 8, 128)
    out3 = _lookup(tbl, idx_u)
    out = out3.reshape(_S, 128, _D, 128).transpose(1, 3, 0, 2)
    return out.reshape(_B, _S, _D)

# --- scband reference (transcript-rebuilt; emitter-appended) ---
"""Pipeline reference for scband-learn-focal-62680752718174 (READ-ONLY COPY).

The authoritative reference and input builder live on the scoring server;
editing this copy changes nothing except your own understanding.
"""

import jax, jax.numpy as jnp
import numpy as np

NUM_CAMS = 16
INTRINSIC_DIM = 2
IDX_SHAPE = (16384, 200)

def setup_inputs(seed: int = 0) -> dict:
    key = jax.random.key(seed)
    k_i, k_p = jax.random.split(key)
    i = jax.random.randint(k_i, IDX_SHAPE, 0, NUM_CAMS, dtype=jnp.int64) if jax.config.jax_enable_x64 else jax.random.randint(k_i, IDX_SHAPE, 0, NUM_CAMS, dtype=jnp.int32)
    # learned parameter: initialized from intrinsic_init (ones here, matching init_kwargs)
    param = jnp.ones((NUM_CAMS, INTRINSIC_DIM), dtype=jnp.float32)
    return {"i": i, "param": param}

def reference(i, param):
    # LearnFocal.forward: return self.param[i]  (pure gather / embedding lookup)
    return jnp.take(param, i, axis=0)

if __name__ == "__main__":
    import jax
    _d = setup_inputs()
    print(jax.jit(kernel)(*tuple(_d.values())))

</pallas_src>

<mosaic_0001>
#map = affine_map<(d0, d1) -> (0)>
#map1 = affine_map<(d0, d1) -> (0, 0, 0, 0)>
#map2 = affine_map<(d0, d1) -> (0, 0, 0)>
module attributes {stable_mosaic.version = 14 : i64} {
  func.func @k(%arg0: i32, %arg1: i32, %arg2: memref<32xf32, #tpu.memory_space<hbm>>, %arg3: memref<800x4x8x128xi32, #tpu.memory_space<hbm>>, %arg4: memref<200x256x128xf32, #tpu.memory_space<hbm>>, %arg5: memref<32xf32, #tpu.memory_space<vmem>>, %arg6: memref<25x4x8x128xi32, #tpu.memory_space<vmem>>, %arg7: memref<3x8x8x128xf32, #tpu.memory_space<vmem>>, %arg8: memref<!tpu.dma_semaphore, #tpu.memory_space<semaphore_mem>>, %arg9: memref<!tpu.dma_semaphore, #tpu.memory_space<semaphore_mem>>) attributes {dimension_semantics = [#tpu.dimension_semantics<core_parallel>, #tpu.dimension_semantics<subcore_parallel>], iteration_bounds = array<i64: 2, 16>, scalar_prefetch = 0 : i64, scratch_operands = 5 : i64, tpu.core_type = #tpu.core_type<sc_vector_subcore>, window_params = [{transform_indices = #map}, {transform_indices = #map1}, {transform_indices = #map2}]} {
    %mul3A = arith.constant 2 : i32
    %mul3A_0 = arith.muli %arg1, %mul3A : i32
    %add3A = arith.addi %mul3A_0, %arg0 : i32
    %mul3A_1 = arith.constant 25 : i32
    %mul3A_2 = arith.muli %add3A, %mul3A_1 : i32
    %dma_start3A = arith.constant 0 : i32
    %dma_start3A_3 = arith.constant 0 : i32
    %dma_start3A_4 = arith.constant 0 : i32
    %dma_start3A_5 = arith.constant 0 : i32
    %dma_start3A_6 = tpu.memref_slice %arg6[%dma_start3A, %dma_start3A_3, %dma_start3A_4, %dma_start3A_5] : memref<25x4x8x128xi32, #tpu.memory_space<vmem>> -> memref<2x4x8x128xi32, #tpu.memory_space<vmem>>
    %dma_start3A_7 = arith.constant 0 : i32
    %dma_start3A_8 = arith.constant 0 : i32
    %dma_start3A_9 = arith.constant 0 : i32
    %dma_start3A_10 = tpu.memref_slice %arg3[%mul3A_2, %dma_start3A_7, %dma_start3A_8, %dma_start3A_9] : memref<800x4x8x128xi32, #tpu.memory_space<hbm>> -> memref<2x4x8x128xi32, #tpu.memory_space<hbm>>
    %dma_start3A_11 = arith.constant 0 : i32
    %dma_start3A_12 = arith.constant 0 : i32
    %dma_start3A_13 = arith.constant 0 : i32
    %dma_start3A_14 = arith.constant 0 : i32
    %dma_start3A_15 = tpu.memref_slice %arg6[%dma_start3A_11, %dma_start3A_12, %dma_start3A_13, %dma_start3A_14] : memref<25x4x8x128xi32, #tpu.memory_space<vmem>> -> memref<2x4x8x128xi32, #tpu.memory_space<vmem>>
    %dma_start3A_16 = arith.constant 0 : i32
    %dma_start3A_17 = arith.constant 0 : i32
    %dma_start3A_18 = arith.constant 0 : i32
    %dma_start3A_19 = tpu.memref_slice %arg3[%mul3A_2, %dma_start3A_16, %dma_start3A_17, %dma_start3A_18] : memref<800x4x8x128xi32, #tpu.memory_space<hbm>> -> memref<2x4x8x128xi32, #tpu.memory_space<hbm>>
    tpu.enqueue_dma source(%dma_start3A_19 : memref<2x4x8x128xi32, #tpu.memory_space<hbm>>) target(%dma_start3A_15 : memref<2x4x8x128xi32, #tpu.memory_space<vmem>>) target_semaphore(%arg8 : memref<!tpu.dma_semaphore, #tpu.memory_space<semaphore_mem>>)
    %add3A_20 = arith.constant 2 : i32
    %add3A_21 = arith.addi %mul3A_2, %add3A_20 : i32
    %dma_start3A_22 = arith.constant 2 : i32
    %dma_start3A_23 = arith.constant 0 : i32
    %dma_start3A_24 = arith.constant 0 : i32
    %dma_start3A_25 = arith.constant 0 : i32
    %dma_start3A_26 = tpu.memref_slice %arg6[%dma_start3A_22, %dma_start3A_23, %dma_start3A_24, %dma_start3A_25] : memref<25x4x8x128xi32, #tpu.memory_space<vmem>> -> memref<23x4x8x128xi32, #tpu.memory_space<vmem>>
    %dma_start3A_27 = arith.constant 0 : i32
    %dma_start3A_28 = arith.constant 0 : i32
    %dma_start3A_29 = arith.constant 0 : i32
    %dma_start3A_30 = tpu.memref_slice %arg3[%add3A_21, %dma_start3A_27, %dma_start3A_28, %dma_start3A_29] : memref<800x4x8x128xi32, #tpu.memory_space<hbm>> -> memref<23x4x8x128xi32, #tpu.memory_space<hbm>>
    %dma_start3A_31 = arith.constant 2 : i32
    %dma_start3A_32 = arith.constant 0 : i32
    %dma_start3A_33 = arith.constant 0 : i32
    %dma_start3A_34 = arith.constant 0 : i32
    %dma_start3A_35 = tpu.memref_slice %arg6[%dma_start3A_31, %dma_start3A_32, %dma_start3A_33, %dma_start3A_34] : memref<25x4x8x128xi32, #tpu.memory_space<vmem>> -> memref<23x4x8x128xi32, #tpu.memory_space<vmem>>
    %dma_start3A_36 = arith.constant 0 : i32
    %dma_start3A_37 = arith.constant 0 : i32
    %dma_start3A_38 = arith.constant 0 : i32
    %dma_start3A_39 = tpu.memref_slice %arg3[%add3A_21, %dma_start3A_36, %dma_start3A_37, %dma_start3A_38] : memref<800x4x8x128xi32, #tpu.memory_space<hbm>> -> memref<23x4x8x128xi32, #tpu.memory_space<hbm>>
    tpu.enqueue_dma source(%dma_start3A_39 : memref<23x4x8x128xi32, #tpu.memory_space<hbm>>) target(%dma_start3A_35 : memref<23x4x8x128xi32, #tpu.memory_space<vmem>>) target_semaphore(%arg8 : memref<!tpu.dma_semaphore, #tpu.memory_space<semaphore_mem>>)
    "tpu.region"() ({
      %run_scoped3A = tpu.sem_alloc : memref<!tpu.dma_semaphore, #tpu.memory_space<semaphore_mem>>
      tpu.enqueue_dma source(%arg2 : memref<32xf32, #tpu.memory_space<hbm>>) target(%arg5 : memref<32xf32, #tpu.memory_space<vmem>>) target_semaphore(%run_scoped3A : memref<!tpu.dma_semaphore, #tpu.memory_space<semaphore_mem>>)
      tpu.wait_dma2 semaphore(%run_scoped3A : memref<!tpu.dma_semaphore, #tpu.memory_space<semaphore_mem>>) src(%arg2 : memref<32xf32, #tpu.memory_space<hbm>>) dst(%arg5 : memref<32xf32, #tpu.memory_space<vmem>>)
      tpu.yield
    }) : () -> ()
    %get3A = arith.constant 0 : index
    %get3A_40 = tpu.vector_load %arg5[%get3A] {strides = array<i32>} : memref<32xf32, #tpu.memory_space<vmem>>, vector<16xf32>,
    %get3A_41 = arith.constant 16 : index
    %get3A_42 = tpu.vector_load %arg5[%get3A_41] {strides = array<i32>} : memref<32xf32, #tpu.memory_space<vmem>>, vector<16xf32>,
    %dma_wait3A = arith.constant 0 : i32
    %dma_wait3A_43 = arith.constant 0 : i32
    %dma_wait3A_44 = arith.constant 0 : i32
    %dma_wait3A_45 = arith.constant 0 : i32
    %dma_wait3A_46 = tpu.memref_slice %arg6[%dma_wait3A, %dma_wait3A_43, %dma_wait3A_44, %dma_wait3A_45] : memref<25x4x8x128xi32, #tpu.memory_space<vmem>> -> memref<2x4x8x128xi32, #tpu.memory_space<vmem>>
    %dma_wait3A_47 = arith.constant 0 : i32
    %dma_wait3A_48 = arith.constant 0 : i32
    %dma_wait3A_49 = arith.constant 0 : i32
    %dma_wait3A_50 = tpu.memref_slice %arg3[%mul3A_2, %dma_wait3A_47, %dma_wait3A_48, %dma_wait3A_49] : memref<800x4x8x128xi32, #tpu.memory_space<hbm>> -> memref<2x4x8x128xi32, #tpu.memory_space<hbm>>
    %dma_wait3A_51 = arith.constant 0 : i32
    %dma_wait3A_52 = arith.constant 0 : i32
    %dma_wait3A_53 = arith.constant 0 : i32
    %dma_wait3A_54 = arith.constant 0 : i32
    %dma_wait3A_55 = tpu.memref_slice %arg6[%dma_wait3A_51, %dma_wait3A_52, %dma_wait3A_53, %dma_wait3A_54] : memref<25x4x8x128xi32, #tpu.memory_space<vmem>> -> memref<2x4x8x128xi32, #tpu.memory_space<vmem>>
    %dma_wait3A_56 = arith.constant 0 : i32
    %dma_wait3A_57 = arith.constant 0 : i32
    %dma_wait3A_58 = arith.constant 0 : i32
    %dma_wait3A_59 = tpu.memref_slice %arg3[%mul3A_2, %dma_wait3A_56, %dma_wait3A_57, %dma_wait3A_58] : memref<800x4x8x128xi32, #tpu.memory_space<hbm>> -> memref<2x4x8x128xi32, #tpu.memory_space<hbm>>
    tpu.wait_dma2 semaphore(%arg8 : memref<!tpu.dma_semaphore, #tpu.memory_space<semaphore_mem>>) src(%dma_wait3A_59 : memref<2x4x8x128xi32, #tpu.memory_space<hbm>>) dst(%dma_wait3A_55 : memref<2x4x8x128xi32, #tpu.memory_space<vmem>>)
    %scan3A = arith.constant 0 : i32
    %scan3A_60 = arith.constant 0 : i32
    %scan3A_61 = arith.constant 25 : i32
    %scan3A_62 = arith.addi %scan3A_60, %scan3A_61 : i32
    %scan3A_63 = arith.constant 1 : i32
    %scan3A_64 = scf.for %scan3A_239 = %scan3A_60 to %scan3A_62 step %scan3A_63 iter_args(%scan3A_240 = %scan3A) -> (i32)  : i32 {
      %rem3A_241 = arith.constant 3 : i32
      %rem3A_242 = arith.remsi %scan3A_239, %rem3A_241 : i32
      %eq3A_243 = arith.constant 2 : i32
      %eq3A_244 = arith.cmpi eq, %scan3A_239, %eq3A_243 : i32
      %convert_element_type3A = arith.extui %eq3A_244 : i1 to i32
      %cond3A = arith.constant 0 : i32
      %cond3A_245 = arith.cmpi ne, %convert_element_type3A, %cond3A : i32
      scf.if %cond3A_245 {
        %add3A_314 = arith.constant 2 : i32
        %add3A_315 = arith.addi %mul3A_2, %add3A_314 : i32
        %dma_wait3A_316 = arith.constant 2 : i32
        %dma_wait3A_317 = arith.constant 0 : i32
        %dma_wait3A_318 = arith.constant 0 : i32
        %dma_wait3A_319 = arith.constant 0 : i32
        %dma_wait3A_320 = tpu.memref_slice %arg6[%dma_wait3A_316, %dma_wait3A_317, %dma_wait3A_318, %dma_wait3A_319] : memref<25x4x8x128xi32, #tpu.memory_space<vmem>> -> memref<23x4x8x128xi32, #tpu.memory_space<vmem>>
        %dma_wait3A_321 = arith.constant 0 : i32
        %dma_wait3A_322 = arith.constant 0 : i32
        %dma_wait3A_323 = arith.constant 0 : i32
        %dma_wait3A_324 = tpu.memref_slice %arg3[%add3A_315, %dma_wait3A_321, %dma_wait3A_322, %dma_wait3A_323] : memref<800x4x8x128xi32, #tpu.memory_space<hbm>> -> memref<23x4x8x128xi32, #tpu.memory_space<hbm>>
        %dma_wait3A_325 = arith.constant 2 : i32
        %dma_wait3A_326 = arith.constant 0 : i32
        %dma_wait3A_327 = arith.constant 0 : i32
        %dma_wait3A_328 = arith.constant 0 : i32
        %dma_wait3A_329 = tpu.memref_slice %arg6[%dma_wait3A_325, %dma_wait3A_326, %dma_wait3A_327, %dma_wait3A_328] : memref<25x4x8x128xi32, #tpu.memory_space<vmem>> -> memref<23x4x8x128xi32, #tpu.memory_space<vmem>>
        %dma_wait3A_330 = arith.constant 0 : i32
        %dma_wait3A_331 = arith.constant 0 : i32
        %dma_wait3A_332 = arith.constant 0 : i32
        %dma_wait3A_333 = tpu.memref_slice %arg3[%add3A_315, %dma_wait3A_330, %dma_wait3A_331, %dma_wait3A_332] : memref<800x4x8x128xi32, #tpu.memory_space<hbm>> -> memref<23x4x8x128xi32, #tpu.memory_space<hbm>>
        tpu.wait_dma2 semaphore(%arg8 : memref<!tpu.dma_semaphore, #tpu.memory_space<semaphore_mem>>) src(%dma_wait3A_333 : memref<23x4x8x128xi32, #tpu.memory_space<hbm>>) dst(%dma_wait3A_329 : memref<23x4x8x128xi32, #tpu.memory_space<vmem>>)
      } else {
      }
      %ge3A = arith.constant 3 : i32
      %ge3A_246 = arith.cmpi sge, %scan3A_239, %ge3A : i32
      %convert_element_type3A_247 = arith.extui %ge3A_246 : i1 to i32
      %cond3A_248 = arith.constant 0 : i32
      %cond3A_249 = arith.cmpi ne, %convert_element_type3A_247, %cond3A_248 : i32
      scf.if %cond3A_249 {
        %jit3A_314 = arith.constant 32 : i32
        %div3A_315 = arith.divsi %mul3A_2, %jit3A_314 : i32
        %sign3A_316 = arith.constant 0 : i32
        %sign3A_317 = arith.cmpi sgt, %mul3A_2, %sign3A_316 : i32
        %sign3A_318 = arith.extui %sign3A_317 : i1 to i32
        %sign3A_319 = arith.constant 0 : i32
        %sign3A_320 = arith.cmpi slt, %mul3A_2, %sign3A_319 : i32
        %sign3A_321 = arith.extui %sign3A_320 : i1 to i32
        %sign3A_322 = arith.subi %sign3A_318, %sign3A_321 : i32
        %sign3A_323 = arith.constant 0 : i32
        %sign3A_324 = arith.cmpi sgt, %jit3A_314, %sign3A_323 : i32
        %sign3A_325 = arith.extui %sign3A_324 : i1 to i32
        %sign3A_326 = arith.constant 0 : i32
        %sign3A_327 = arith.cmpi slt, %jit3A_314, %sign3A_326 : i32
        %sign3A_328 = arith.extui %sign3A_327 : i1 to i32
        %sign3A_329 = arith.subi %sign3A_325, %sign3A_328 : i32
        %ne3A_330 = arith.cmpi ne, %sign3A_322, %sign3A_329 : i32
        %rem3A_331 = arith.remsi %mul3A_2, %jit3A_314 : i32
        %ne3A_332 = arith.constant 0 : i32
        %ne3A_333 = arith.cmpi ne, %rem3A_331, %ne3A_332 : i32
        %and3A_334 = arith.andi %ne3A_330, %ne3A_333 : i1
        %sub3A_335 = arith.constant 1 : i32
        %sub3A_336 = arith.subi %div3A_315, %sub3A_335 : i32
        %select_n3A_337 = arith.select %and3A_334, %sub3A_336, %div3A_315 : i32
        %jit3A_338 = arith.constant 32 : i32
        %eq3A_339 = arith.constant 0 : i32
        %eq3A_340 = arith.cmpi eq, %jit3A_338, %eq3A_339 : i32
        %jit3A_341 = arith.constant 1 : i32
        %select_n3A_342 = arith.select %eq3A_340, %jit3A_341, %jit3A_338 : i32
        %rem3A_343 = arith.remsi %mul3A_2, %select_n3A_342 : i32
        %ne3A_344 = arith.constant 0 : i32
        %ne3A_345 = arith.cmpi ne, %rem3A_343, %ne3A_344 : i32
        %lt3A_346 = arith.constant 0 : i32
        %lt3A_347 = arith.cmpi slt, %rem3A_343, %lt3A_346 : i32
        %lt3A_348 = arith.constant 0 : i32
        %lt3A_349 = arith.cmpi slt, %select_n3A_342, %lt3A_348 : i32
        %ne3A_350 = arith.xori %lt3A_347, %lt3A_349 : i1
        %and3A_351 = arith.andi %ne3A_350, %ne3A_345 : i1
        %add3A_352 = arith.addi %rem3A_343, %select_n3A_342 : i32
        %select_n3A_353 = arith.select %and3A_351, %add3A_352, %rem3A_343 : i32
        %mul3A_354 = arith.constant 4 : i32
        %mul3A_355 = arith.muli %select_n3A_353, %mul3A_354 : i32
        %mul3A_356 = arith.constant 8 : i32
        %mul3A_357 = arith.muli %select_n3A_337, %mul3A_356 : i32
        %mul3A_358 = arith.constant 2 : i32
        %mul3A_359 = arith.muli %mul3A_358, %mul3A_355 : i32
        %dma_wait3A_360 = arith.constant 0 : i32
        %dma_wait3A_361 = arith.constant 0 : i32
        %dma_wait3A_362 = arith.constant 0 : i32
        %dma_wait3A_363 = tpu.memref_slice %arg7[%rem3A_242, %dma_wait3A_360, %dma_wait3A_361, %dma_wait3A_362] : memref<3x8x8x128xf32, #tpu.memory_space<vmem>> -> memref<1x8x8x128xf32, #tpu.memory_space<vmem>>
        %dma_wait3A_364 = tpu.memref_squeeze %dma_wait3A_363 : memref<1x8x8x128xf32, #tpu.memory_space<vmem>> -> memref<8x8x128xf32, #tpu.memory_space<vmem>>
        %dma_wait3A_365 = arith.constant 0 : i32
        %dma_wait3A_366 = tpu.memref_slice %arg4[%mul3A_357, %mul3A_359, %dma_wait3A_365] : memref<200x256x128xf32, #tpu.memory_space<hbm>> -> memref<8x8x128xf32, #tpu.memory_space<hbm>>
        %dma_wait3A_367 = arith.constant 0 : i32
        %dma_wait3A_368 = tpu.memref_slice %arg4[%mul3A_357, %mul3A_359, %dma_wait3A_367] : memref<200x256x128xf32, #tpu.memory_space<hbm>> -> memref<8x8x128xf32, #tpu.memory_space<hbm>>
        %dma_wait3A_369 = arith.constant 0 : i32
        %dma_wait3A_370 = arith.constant 0 : i32
        %dma_wait3A_371 = arith.constant 0 : i32
        %dma_wait3A_372 = tpu.memref_slice %arg7[%rem3A_242, %dma_wait3A_369, %dma_wait3A_370, %dma_wait3A_371] : memref<3x8x8x128xf32, #tpu.memory_space<vmem>> -> memref<1x8x8x128xf32, #tpu.memory_space<vmem>>
        %dma_wait3A_373 = tpu.memref_squeeze %dma_wait3A_372 : memref<1x8x8x128xf32, #tpu.memory_space<vmem>> -> memref<8x8x128xf32, #tpu.memory_space<vmem>>
        tpu.wait_dma2 semaphore(%arg9 : memref<!tpu.dma_semaphore, #tpu.memory_space<semaphore_mem>>) src(%dma_wait3A_373 : memref<8x8x128xf32, #tpu.memory_space<vmem>>) dst(%dma_wait3A_368 : memref<8x8x128xf32, #tpu.memory_space<hbm>>)
      } else {
      }
      %parallel_loop3A = arith.constant 0 : i32
      %parallel_loop3A_250 = arith.constant 8 : i32
      %parallel_loop3A_251 = arith.constant 1 : i32
      scf.for %parallel_loop3A_314 = %parallel_loop3A to %parallel_loop3A_250 step %parallel_loop3A_251  : i32 {
        %parallel_loop3A_315 = arith.constant 0 : i32
        %parallel_loop3A_316 = arith.index_cast %scan3A_239 : i32 to index
        %parallel_loop3A_317 = arith.index_cast %parallel_loop3A_315 : i32 to index
        %parallel_loop3A_318 = arith.index_cast %parallel_loop3A_314 : i32 to index
        %parallel_loop3A_319 = arith.constant 0 : index
        %parallel_loop3A_320 = tpu.vector_load %arg6[%parallel_loop3A_316, %parallel_loop3A_317, %parallel_loop3A_318, %parallel_loop3A_319] {strides = array<i32>} : memref<25x4x8x128xi32, #tpu.memory_space<vmem>>, vector<16xi32>,
        %parallel_loop3A_321 = arith.constant 0 : i32
        %parallel_loop3A_322 = vector.broadcast %parallel_loop3A_321 : i32 to vector<16xi32>
        %parallel_loop3A_323 = arith.cmpi slt, %parallel_loop3A_320, %parallel_loop3A_322 : vector<16xi32>
        %parallel_loop3A_324 = arith.constant 16 : i32
        %parallel_loop3A_325 = vector.broadcast %parallel_loop3A_324 : i32 to vector<16xi32>
        %parallel_loop3A_326 = arith.addi %parallel_loop3A_320, %parallel_loop3A_325 : vector<16xi32>
        %parallel_loop3A_327 = arith.select %parallel_loop3A_323, %parallel_loop3A_326, %parallel_loop3A_320 : vector<16xi1>, vector<16xi32>
        %parallel_loop3A_328 = vector.shape_cast %parallel_loop3A_327 : vector<16xi32> to vector<16x1xi32>
        %parallel_loop3A_329 = vector.shape_cast %parallel_loop3A_328 : vector<16x1xi32> to vector<16xi32>
        %parallel_loop3A_330 = tpu.dynamic_gather %get3A_40[%parallel_loop3A_329] in [0] : vector<16xf32>, vector<16xi32> -> vector<16xf32>
        %parallel_loop3A_331 = arith.constant 0 : i32
        %parallel_loop3A_332 = vector.broadcast %parallel_loop3A_331 : i32 to vector<16xi32>
        %parallel_loop3A_333 = arith.cmpi slt, %parallel_loop3A_320, %parallel_loop3A_332 : vector<16xi32>
        %parallel_loop3A_334 = arith.constant 16 : i32
        %parallel_loop3A_335 = vector.broadcast %parallel_loop3A_334 : i32 to vector<16xi32>
        %parallel_loop3A_336 = arith.addi %parallel_loop3A_320, %parallel_loop3A_335 : vector<16xi32>
        %parallel_loop3A_337 = arith.select %parallel_loop3A_333, %parallel_loop3A_336, %parallel_loop3A_320 : vector<16xi1>, vector<16xi32>
        %parallel_loop3A_338 = vector.shape_cast %parallel_loop3A_337 : vector<16xi32> to vector<16x1xi32>
        %parallel_loop3A_339 = vector.shape_cast %parallel_loop3A_338 : vector<16x1xi32> to vector<16xi32>
        %parallel_loop3A_340 = tpu.dynamic_gather %get3A_42[%parallel_loop3A_339] in [0] : vector<16xf32>, vector<16xi32> -> vector<16xf32>
        %parallel_loop3A_341 = arith.constant 0 : i32
        %parallel_loop3A_342 = arith.index_cast %rem3A_242 : i32 to index
        %parallel_loop3A_343 = arith.index_cast %parallel_loop3A_314 : i32 to index
        %parallel_loop3A_344 = arith.index_cast %parallel_loop3A_341 : i32 to index
        %parallel_loop3A_345 = arith.constant 0 : index
        %parallel_loop3A_346 = tpu.vector_load %arg7[%parallel_loop3A_342, %parallel_loop3A_343, %parallel_loop3A_344, %parallel_loop3A_345] {strides = array<i32>} : memref<3x8x8x128xf32, #tpu.memory_space<vmem>>, vector<16xf32>,
        tpu.vector_store %arg7[%parallel_loop3A_342, %parallel_loop3A_343, %parallel_loop3A_344, %parallel_loop3A_345], %parallel_loop3A_330 {strides = array<i32>} : memref<3x8x8x128xf32, #tpu.memory_space<vmem>>, vector<16xf32>,
        %parallel_loop3A_347 = arith.constant 1 : i32
        %parallel_loop3A_348 = arith.index_cast %rem3A_242 : i32 to index
        %parallel_loop3A_349 = arith.index_cast %parallel_loop3A_314 : i32 to index
        %parallel_loop3A_350 = arith.index_cast %parallel_loop3A_347 : i32 to index
        %parallel_loop3A_351 = arith.constant 0 : index
        %parallel_loop3A_352 = tpu.vector_load %arg7[%parallel_loop3A_348, %parallel_loop3A_349, %parallel_loop3A_350, %parallel_loop3A_351] {strides = array<i32>} : memref<3x8x8x128xf32, #tpu.memory_space<vmem>>, vector<16xf32>,
        tpu.vector_store %arg7[%parallel_loop3A_348, %parallel_loop3A_349, %parallel_loop3A_350, %parallel_loop3A_351], %parallel_loop3A_340 {strides = array<i32>} : memref<3x8x8x128xf32, #tpu.memory_space<vmem>>, vector<16xf32>,
        %parallel_loop3A_353 = arith.constant 0 : i32
        %parallel_loop3A_354 = arith.index_cast %scan3A_239 : i32 to index
        %parallel_loop3A_355 = arith.index_cast %parallel_loop3A_353 : i32 to index
        %parallel_loop3A_356 = arith.index_cast %parallel_loop3A_314 : i32 to index
        %parallel_loop3A_357 = arith.constant 16 : index
        %parallel_loop3A_358 = tpu.vector_load %arg6[%parallel_loop3A_354, %parallel_loop3A_355, %parallel_loop3A_356, %parallel_loop3A_357] {strides = array<i32>} : memref<25x4x8x128xi32, #tpu.memory_space<vmem>>, vector<16xi32>,
        %parallel_loop3A_359 = arith.constant 0 : i32
        %parallel_loop3A_360 = vector.broadcast %parallel_loop3A_359 : i32 to vector<16xi32>
        %parallel_loop3A_361 = arith.cmpi slt, %parallel_loop3A_358, %parallel_loop3A_360 : vector<16xi32>
        %parallel_loop3A_362 = arith.constant 16 : i32
        %parallel_loop3A_363 = vector.broadcast %parallel_loop3A_362 : i32 to vector<16xi32>
        %parallel_loop3A_364 = arith.addi %parallel_loop3A_358, %parallel_loop3A_363 : vector<16xi32>
        %parallel_loop3A_365 = arith.select %parallel_loop3A_361, %parallel_loop3A_364, %parallel_loop3A_358 : vector<16xi1>, vector<16xi32>
        %parallel_loop3A_366 = vector.shape_cast %parallel_loop3A_365 : vector<16xi32> to vector<16x1xi32>
        %parallel_loop3A_367 = vector.shape_cast %parallel_loop3A_366 : vector<16x1xi32> to vector<16xi32>
        %parallel_loop3A_368 = tpu.dynamic_gather %get3A_40[%parallel_loop3A_367] in [0] : vector<16xf32>, vector<16xi32> -> vector<16xf32>
        %parallel_loop3A_369 = arith.constant 0 : i32
        %parallel_loop3A_370 = vector.broadcast %parallel_loop3A_369 : i32 to vector<16xi32>
        %parallel_loop3A_371 = arith.cmpi slt, %parallel_loop3A_358, %parallel_loop3A_370 : vector<16xi32>
        %parallel_loop3A_372 = arith.constant 16 : i32
        %parallel_loop3A_373 = vector.broadcast %parallel_loop3A_372 : i32 to vector<16xi32>
        %parallel_loop3A_374 = arith.addi %parallel_loop3A_358, %parallel_loop3A_373 : vector<16xi32>
        %parallel_loop3A_375 = arith.select %parallel_loop3A_371, %parallel_loop3A_374, %parallel_loop3A_358 : vector<16xi1>, vector<16xi32>
        %parallel_loop3A_376 = vector.shape_cast %parallel_loop3A_375 : vector<16xi32> to vector<16x1xi32>
        %parallel_loop3A_377 = vector.shape_cast %parallel_loop3A_376 : vector<16x1xi32> to vector<16xi32>
        %parallel_loop3A_378 = tpu.dynamic_gather %get3A_42[%parallel_loop3A_377] in [0] : vector<16xf32>, vector<16xi32> -> vector<16xf32>
        %parallel_loop3A_379 = arith.constant 0 : i32
        %parallel_loop3A_380 = arith.index_cast %rem3A_242 : i32 to index
        %parallel_loop3A_381 = arith.index_cast %parallel_loop3A_314 : i32 to index
        %parallel_loop3A_382 = arith.index_cast %parallel_loop3A_379 : i32 to index
        %parallel_loop3A_383 = arith.constant 16 : index
        %parallel_loop3A_384 = tpu.vector_load %arg7[%parallel_loop3A_380, %parallel_loop3A_381, %parallel_loop3A_382, %parallel_loop3A_383] {strides = array<i32>} : memref<3x8x8x128xf32, #tpu.memory_space<vmem>>, vector<16xf32>,
        tpu.vector_store %arg7[%parallel_loop3A_380, %parallel_loop3A_381, %parallel_loop3A_382, %parallel_loop3A_383], %parallel_loop3A_368 {strides = array<i32>} : memref<3x8x8x128xf32, #tpu.memory_space<vmem>>, vector<16xf32>,
        %parallel_loop3A_385 = arith.constant 1 : i32
        %parallel_loop3A_386 = arith.index_cast %rem3A_242 : i32 to index
        %parallel_loop3A_387 = arith.index_cast %parallel_loop3A_314 : i32 to index
        %parallel_loop3A_388 = arith.index_cast %parallel_loop3A_385 : i32 to index
        %parallel_loop3A_389 = arith.constant 16 : index
        %parallel_loop3A_390 = tpu.vector_load %arg7[%parallel_loop3A_386, %parallel_loop3A_387, %parallel_loop3A_388, %parallel_loop3A_389] {strides = array<i32>} : memref<3x8x8x128xf32, #tpu.memory_space<vmem>>, vector<16xf32>,
        tpu.vector_store %arg7[%parallel_loop3A_386, %parallel_loop3A_387, %parallel_loop3A_388, %parallel_loop3A_389], %parallel_loop3A_378 {strides = array<i32>} : memref<3x8x8x128xf32, #tpu.memory_space<vmem>>, vector<16xf32>,
        %parallel_loop3A_391 = arith.constant 0 : i32
        %parallel_loop3A_392 = arith.index_cast %scan3A_239 : i32 to index
        %parallel_loop3A_393 = arith.index_cast %parallel_loop3A_391 : i32 to index
        %parallel_loop3A_394 = arith.index_cast %parallel_loop3A_314 : i32 to index
        %parallel_loop3A_395 = arith.constant 32 : index
        %parallel_loop3A_396 = tpu.vector_load %arg6[%parallel_loop3A_392, %parallel_loop3A_393, %parallel_loop3A_394, %parallel_loop3A_395] {strides = array<i32>} : memref<25x4x8x128xi32, #tpu.memory_space<vmem>>, vector<16xi32>,
        %parallel_loop3A_397 = arith.constant 0 : i32
        %parallel_loop3A_398 = vector.broadcast %parallel_loop3A_397 : i32 to vector<16xi32>
        %parallel_loop3A_399 = arith.cmpi slt, %parallel_loop3A_396, %parallel_loop3A_398 : vector<16xi32>
        %parallel_loop3A_400 = arith.constant 16 : i32
        %parallel_loop3A_401 = vector.broadcast %parallel_loop3A_400 : i32 to vector<16xi32>
        %parallel_loop3A_402 = arith.addi %parallel_loop3A_396, %parallel_loop3A_401 : vector<16xi32>
        %parallel_loop3A_403 = arith.select %parallel_loop3A_399, %parallel_loop3A_402, %parallel_loop3A_396 : vector<16xi1>, vector<16xi32>
        %parallel_loop3A_404 = vector.shape_cast %parallel_loop3A_403 : vector<16xi32> to vector<16x1xi32>
        %parallel_loop3A_405 = vector.shape_cast %parallel_loop3A_404 : vector<16x1xi32> to vector<16xi32>
        %parallel_loop3A_406 = tpu.dynamic_gather %get3A_40[%parallel_loop3A_405] in [0] : vector<16xf32>, vector<16xi32> -> vector<16xf32>
        %parallel_loop3A_407 = arith.constant 0 : i32
        %parallel_loop3A_408 = vector.broadcast %parallel_loop3A_407 : i32 to vector<16xi32>
        %parallel_loop3A_409 = arith.cmpi slt, %parallel_loop3A_396, %parallel_loop3A_408 : vector<16xi32>
        %parallel_loop3A_410 = arith.constant 16 : i32
        %parallel_loop3A_411 = vector.broadcast %parallel_loop3A_410 : i32 to vector<16xi32>
        %parallel_loop3A_412 = arith.addi %parallel_loop3A_396, %parallel_loop3A_411 : vector<16xi32>
        %parallel_loop3A_413 = arith.select %parallel_loop3A_409, %parallel_loop3A_412, %parallel_loop3A_396 : vector<16xi1>, vector<16xi32>
        %parallel_loop3A_414 = vector.shape_cast %parallel_loop3A_413 : vector<16xi32> to vector<16x1xi32>
        %parallel_loop3A_415 = vector.shape_cast %parallel_loop3A_414 : vector<16x1xi32> to vector<16xi32>
        %parallel_loop3A_416 = tpu.dynamic_gather %get3A_42[%parallel_loop3A_415] in [0] : vector<16xf32>, vector<16xi32> -> vector<16xf32>
        %parallel_loop3A_417 = arith.constant 0 : i32
        %parallel_loop3A_418 = arith.index_cast %rem3A_242 : i32 to index
        %parallel_loop3A_419 = arith.index_cast %parallel_loop3A_314 : i32 to index
        %parallel_loop3A_420 = arith.index_cast %parallel_loop3A_417 : i32 to index
        %parallel_loop3A_421 = arith.constant 32 : index
        %parallel_loop3A_422 = tpu.vector_load %arg7[%parallel_loop3A_418, %parallel_loop3A_419, %parallel_loop3A_420, %parallel_loop3A_421] {strides = array<i32>} : memref<3x8x8x128xf32, #tpu.memory_space<vmem>>, vector<16xf32>,
        tpu.vector_store %arg7[%parallel_loop3A_418, %parallel_loop3A_419, %parallel_loop3A_420, %parallel_loop3A_421], %parallel_loop3A_406 {strides = array<i32>} : memref<3x8x8x128xf32, #tpu.memory_space<vmem>>, vector<16xf32>,
        %parallel_loop3A_423 = arith.constant 1 : i32
        %parallel_loop3A_424 = arith.index_cast %rem3A_242 : i32 to index
        %parallel_loop3A_425 = arith.index_cast %parallel_loop3A_314 : i32 to index
        %parallel_loop3A_426 = arith.index_cast %parallel_loop3A_423 : i32 to index
        %parallel_loop3A_427 = arith.constant 32 : index
        %parallel_loop3A_428 = tpu.vector_load %arg7[%parallel_loop3A_424, %parallel_loop3A_425, %parallel_loop3A_426, %parallel_loop3A_427] {strides = array<i32>} : memref<3x8x8x128xf32, #tpu.memory_space<vmem>>, vector<16xf32>,
        tpu.vector_store %arg7[%parallel_loop3A_424, %parallel_loop3A_425, %parallel_loop3A_426, %parallel_loop3A_427], %parallel_loop3A_416 {strides = array<i32>} : memref<3x8x8x128xf32, #tpu.memory_space<vmem>>, vector<16xf32>,
        %parallel_loop3A_429 = arith.constant 0 : i32
        %parallel_loop3A_430 = arith.index_cast %scan3A_239 : i32 to index
        %parallel_loop3A_431 = arith.index_cast %parallel_loop3A_429 : i32 to index
        %parallel_loop3A_432 = arith.index_cast %parallel_loop3A_314 : i32 to index
        %parallel_loop3A_433 = arith.constant 48 : index
        %parallel_loop3A_434 = tpu.vector_load %arg6[%parallel_loop3A_430, %parallel_loop3A_431, %parallel_loop3A_432, %parallel_loop3A_433] {strides = array<i32>} : memref<25x4x8x128xi32, #tpu.memory_space<vmem>>, vector<16xi32>,
        %parallel_loop3A_435 = arith.constant 0 : i32
        %parallel_loop3A_436 = vector.broadcast %parallel_loop3A_435 : i32 to vector<16xi32>
        %parallel_loop3A_437 = arith.cmpi slt, %parallel_loop3A_434, %parallel_loop3A_436 : vector<16xi32>
        %parallel_loop3A_438 = arith.constant 16 : i32
        %parallel_loop3A_439 = vector.broadcast %parallel_loop3A_438 : i32 to vector<16xi32>
        %parallel_loop3A_440 = arith.addi %parallel_loop3A_434, %parallel_loop3A_439 : vector<16xi32>
        %parallel_loop3A_441 = arith.select %parallel_loop3A_437, %parallel_loop3A_440, %parallel_loop3A_434 : vector<16xi1>, vector<16xi32>
        %parallel_loop3A_442 = vector.shape_cast %parallel_loop3A_441 : vector<16xi32> to vector<16x1xi32>
        %parallel_loop3A_443 = vector.shape_cast %parallel_loop3A_442 : vector<16x1xi32> to vector<16xi32>
        %parallel_loop3A_444 = tpu.dynamic_gather %get3A_40[%parallel_loop3A_443] in [0] : vector<16xf32>, vector<16xi32> -> vector<16xf32>
        %parallel_loop3A_445 = arith.constant 0 : i32
        %parallel_loop3A_446 = vector.broadcast %parallel_loop3A_445 : i32 to vector<16xi32>
        %parallel_loop3A_447 = arith.cmpi slt, %parallel_loop3A_434, %parallel_loop3A_446 : vector<16xi32>
        %parallel_loop3A_448 = arith.constant 16 : i32
        %parallel_loop3A_449 = vector.broadcast %parallel_loop3A_448 : i32 to vector<16xi32>
        %parallel_loop3A_450 = arith.addi %parallel_loop3A_434, %parallel_loop3A_449 : vector<16xi32>
        %parallel_loop3A_451 = arith.select %parallel_loop3A_447, %parallel_loop3A_450, %parallel_loop3A_434 : vector<16xi1>, vector<16xi32>
        %parallel_loop3A_452 = vector.shape_cast %parallel_loop3A_451 : vector<16xi32> to vector<16x1xi32>
        %parallel_loop3A_453 = vector.shape_cast %parallel_loop3A_452 : vector<16x1xi32> to vector<16xi32>
        %parallel_loop3A_454 = tpu.dynamic_gather %get3A_42[%parallel_loop3A_453] in [0] : vector<16xf32>, vector<16xi32> -> vector<16xf32>
        %parallel_loop3A_455 = arith.constant 0 : i32
        %parallel_loop3A_456 = arith.index_cast %rem3A_242 : i32 to index
        %parallel_loop3A_457 = arith.index_cast %parallel_loop3A_314 : i32 to index
        %parallel_loop3A_458 = arith.index_cast %parallel_loop3A_455 : i32 to index
        %parallel_loop3A_459 = arith.constant 48 : index
        %parallel_loop3A_460 = tpu.vector_load %arg7[%parallel_loop3A_456, %parallel_loop3A_457, %parallel_loop3A_458, %parallel_loop3A_459] {strides = array<i32>} : memref<3x8x8x128xf32, #tpu.memory_space<vmem>>, vector<16xf32>,
        tpu.vector_store %arg7[%parallel_loop3A_456, %parallel_loop3A_457, %parallel_loop3A_458, %parallel_loop3A_459], %parallel_loop3A_444 {strides = array<i32>} : memref<3x8x8x128xf32, #tpu.memory_space<vmem>>, vector<16xf32>,
        %parallel_loop3A_461 = arith.constant 1 : i32
        %parallel_loop3A_462 = arith.index_cast %rem3A_242 : i32 to index
        %parallel_loop3A_463 = arith.index_cast %parallel_loop3A_314 : i32 to index
        %parallel_loop3A_464 = arith.index_cast %parallel_loop3A_461 : i32 to index
        %parallel_loop3A_465 = arith.constant 48 : index
        %parallel_loop3A_466 = tpu.vector_load %arg7[%parallel_loop3A_462, %parallel_loop3A_463, %parallel_loop3A_464, %parallel_loop3A_465] {strides = array<i32>} : memref<3x8x8x128xf32, #tpu.memory_space<vmem>>, vector<16xf32>,
        tpu.vector_store %arg7[%parallel_loop3A_462, %parallel_loop3A_463, %parallel_loop3A_464, %parallel_loop3A_465], %parallel_loop3A_454 {strides = array<i32>} : memref<3x8x8x128xf32, #tpu.memory_space<vmem>>, vector<16xf32>,
        %parallel_loop3A_467 = arith.constant 0 : i32
        %parallel_loop3A_468 = arith.index_cast %scan3A_239 : i32 to index
        %parallel_loop3A_469 = arith.index_cast %parallel_loop3A_467 : i32 to index
        %parallel_loop3A_470 = arith.index_cast %parallel_loop3A_314 : i32 to index
        %parallel_loop3A_471 = arith.constant 64 : index
        %parallel_loop3A_472 = tpu.vector_load %arg6[%parallel_loop3A_468, %parallel_loop3A_469, %parallel_loop3A_470, %parallel_loop3A_471] {strides = array<i32>} : memref<25x4x8x128xi32, #tpu.memory_space<vmem>>, vector<16xi32>,
        %parallel_loop3A_473 = arith.constant 0 : i32
        %parallel_loop3A_474 = vector.broadcast %parallel_loop3A_473 : i32 to vector<16xi32>
        %parallel_loop3A_475 = arith.cmpi slt, %parallel_loop3A_472, %parallel_loop3A_474 : vector<16xi32>
        %parallel_loop3A_476 = arith.constant 16 : i32
        %parallel_loop3A_477 = vector.broadcast %parallel_loop3A_476 : i32 to vector<16xi32>
        %parallel_loop3A_478 = arith.addi %parallel_loop3A_472, %parallel_loop3A_477 : vector<16xi32>
        %parallel_loop3A_479 = arith.select %parallel_loop3A_475, %parallel_loop3A_478, %parallel_loop3A_472 : vector<16xi1>, vector<16xi32>
        %parallel_loop3A_480 = vector.shape_cast %parallel_loop3A_479 : vector<16xi32> to vector<16x1xi32>
        %parallel_loop3A_481 = vector.shape_cast %parallel_loop3A_480 : vector<16x1xi32> to vector<16xi32>
        %parallel_loop3A_482 = tpu.dynamic_gather %get3A_40[%parallel_loop3A_481] in [0] : vector<16xf32>, vector<16xi32> -> vector<16xf32>
        %parallel_loop3A_483 = arith.constant 0 : i32
        %parallel_loop3A_484 = vector.broadcast %parallel_loop3A_483 : i32 to vector<16xi32>
        %parallel_loop3A_485 = arith.cmpi slt, %parallel_loop3A_472, %parallel_loop3A_484 : vector<16xi32>
        %parallel_loop3A_486 = arith.constant 16 : i32
        %parallel_loop3A_487 = vector.broadcast %parallel_loop3A_486 : i32 to vector<16xi32>
        %parallel_loop3A_488 = arith.addi %parallel_loop3A_472, %parallel_loop3A_487 : vector<16xi32>
        %parallel_loop3A_489 = arith.select %parallel_loop3A_485, %parallel_loop3A_488, %parallel_loop3A_472 : vector<16xi1>, vector<16xi32>
        %parallel_loop3A_490 = vector.shape_cast %parallel_loop3A_489 : vector<16xi32> to vector<16x1xi32>
        %parallel_loop3A_491 = vector.shape_cast %parallel_loop3A_490 : vector<16x1xi32> to vector<16xi32>
        %parallel_loop3A_492 = tpu.dynamic_gather %get3A_42[%parallel_loop3A_491] in [0] : vector<16xf32>, vector<16xi32> -> vector<16xf32>
        %parallel_loop3A_493 = arith.constant 0 : i32
        %parallel_loop3A_494 = arith.index_cast %rem3A_242 : i32 to index
        %parallel_loop3A_495 = arith.index_cast %parallel_loop3A_314 : i32 to index
        %parallel_loop3A_496 = arith.index_cast %parallel_loop3A_493 : i32 to index
        %parallel_loop3A_497 = arith.constant 64 : index
        %parallel_loop3A_498 = tpu.vector_load %arg7[%parallel_loop3A_494, %parallel_loop3A_495, %parallel_loop3A_496, %parallel_loop3A_497] {strides = array<i32>} : memref<3x8x8x128xf32, #tpu.memory_space<vmem>>, vector<16xf32>,
        tpu.vector_store %arg7[%parallel_loop3A_494, %parallel_loop3A_495, %parallel_loop3A_496, %parallel_loop3A_497], %parallel_loop3A_482 {strides = array<i32>} : memref<3x8x8x128xf32, #tpu.memory_space<vmem>>, vector<16xf32>,
        %parallel_loop3A_499 = arith.constant 1 : i32
        %parallel_loop3A_500 = arith.index_cast %rem3A_242 : i32 to index
        %parallel_loop3A_501 = arith.index_cast %parallel_loop3A_314 : i32 to index
        %parallel_loop3A_502 = arith.index_cast %parallel_loop3A_499 : i32 to index
        %parallel_loop3A_503 = arith.constant 64 : index
        %parallel_loop3A_504 = tpu.vector_load %arg7[%parallel_loop3A_500, %parallel_loop3A_501, %parallel_loop3A_502, %parallel_loop3A_503] {strides = array<i32>} : memref<3x8x8x128xf32, #tpu.memory_space<vmem>>, vector<16xf32>,
        tpu.vector_store %arg7[%parallel_loop3A_500, %parallel_loop3A_501, %parallel_loop3A_502, %parallel_loop3A_503], %parallel_loop3A_492 {strides = array<i32>} : memref<3x8x8x128xf32, #tpu.memory_space<vmem>>, vector<16xf32>,
        %parallel_loop3A_505 = arith.constant 0 : i32
        %parallel_loop3A_506 = arith.index_cast %scan3A_239 : i32 to index
        %parallel_loop3A_507 = arith.index_cast %parallel_loop3A_505 : i32 to index
        %parallel_loop3A_508 = arith.index_cast %parallel_loop3A_314 : i32 to index
        %parallel_loop3A_509 = arith.constant 80 : index
        %parallel_loop3A_510 = tpu.vector_load %arg6[%parallel_loop3A_506, %parallel_loop3A_507, %parallel_loop3A_508, %parallel_loop3A_509] {strides = array<i32>} : memref<25x4x8x128xi32, #tpu.memory_space<vmem>>, vector<16xi32>,
        %parallel_loop3A_511 = arith.constant 0 : i32
        %parallel_loop3A_512 = vector.broadcast %parallel_loop3A_511 : i32 to vector<16xi32>
        %parallel_loop3A_513 = arith.cmpi slt, %parallel_loop3A_510, %parallel_loop3A_512 : vector<16xi32>
        %parallel_loop3A_514 = arith.constant 16 : i32
        %parallel_loop3A_515 = vector.broadcast %parallel_loop3A_514 : i32 to vector<16xi32>
        %parallel_loop3A_516 = arith.addi %parallel_loop3A_510, %parallel_loop3A_515 : vector<16xi32>
        %parallel_loop3A_517 = arith.select %parallel_loop3A_513, %parallel_loop3A_516, %parallel_loop3A_510 : vector<16xi1>, vector<16xi32>
        %parallel_loop3A_518 = vector.shape_cast %parallel_loop3A_517 : vector<16xi32> to vector<16x1xi32>
        %parallel_loop3A_519 = vector.shape_cast %parallel_loop3A_518 : vector<16x1xi32> to vector<16xi32>
        %parallel_loop3A_520 = tpu.dynamic_gather %get3A_40[%parallel_loop3A_519] in [0] : vector<16xf32>, vector<16xi32> -> vector<16xf32>
        %parallel_loop3A_521 = arith.constant 0 : i32
        %parallel_loop3A_522 = vector.broadcast %parallel_loop3A_521 : i32 to vector<16xi32>
        %parallel_loop3A_523 = arith.cmpi slt, %parallel_loop3A_510, %parallel_loop3A_522 : vector<16xi32>
        %parallel_loop3A_524 = arith.constant 16 : i32
        %parallel_loop3A_525 = vector.broadcast %parallel_loop3A_524 : i32 to vector<16xi32>
        %parallel_loop3A_526 = arith.addi %parallel_loop3A_510, %parallel_loop3A_525 : vector<16xi32>
        %parallel_loop3A_527 = arith.select %parallel_loop3A_523, %parallel_loop3A_526, %parallel_loop3A_510 : vector<16xi1>, vector<16xi32>
        %parallel_loop3A_528 = vector.shape_cast %parallel_loop3A_527 : vector<16xi32> to vector<16x1xi32>
        %parallel_loop3A_529 = vector.shape_cast %parallel_loop3A_528 : vector<16x1xi32> to vector<16xi32>
        %parallel_loop3A_530 = tpu.dynamic_gather %get3A_42[%parallel_loop3A_529] in [0] : vector<16xf32>, vector<16xi32> -> vector<16xf32>
        %parallel_loop3A_531 = arith.constant 0 : i32
        %parallel_loop3A_532 = arith.index_cast %rem3A_242 : i32 to index
        %parallel_loop3A_533 = arith.index_cast %parallel_loop3A_314 : i32 to index
        %parallel_loop3A_534 = arith.index_cast %parallel_loop3A_531 : i32 to index
        %parallel_loop3A_535 = arith.constant 80 : index
        %parallel_loop3A_536 = tpu.vector_load %arg7[%parallel_loop3A_532, %parallel_loop3A_533, %parallel_loop3A_534, %parallel_loop3A_535] {strides = array<i32>} : memref<3x8x8x128xf32, #tpu.memory_space<vmem>>, vector<16xf32>,
        tpu.vector_store %arg7[%parallel_loop3A_532, %parallel_loop3A_533, %parallel_loop3A_534, %parallel_loop3A_535], %parallel_loop3A_520 {strides = array<i32>} : memref<3x8x8x128xf32, #tpu.memory_space<vmem>>, vector<16xf32>,
        %parallel_loop3A_537 = arith.constant 1 : i32
        %parallel_loop3A_538 = arith.index_cast %rem3A_242 : i32 to index
        %parallel_loop3A_539 = arith.index_cast %parallel_loop3A_314 : i32 to index
        %parallel_loop3A_540 = arith.index_cast %parallel_loop3A_537 : i32 to index
        %parallel_loop3A_541 = arith.constant 80 : index
        %parallel_loop3A_542 = tpu.vector_load %arg7[%parallel_loop3A_538, %parallel_loop3A_539, %parallel_loop3A_540, %parallel_loop3A_541] {strides = array<i32>} : memref<3x8x8x128xf32, #tpu.memory_space<vmem>>, vector<16xf32>,
        tpu.vector_store %arg7[%parallel_loop3A_538, %parallel_loop3A_539, %parallel_loop3A_540, %parallel_loop3A_541], %parallel_loop3A_530 {strides = array<i32>} : memref<3x8x8x128xf32, #tpu.memory_space<vmem>>, vector<16xf32>,
        %parallel_loop3A_543 = arith.constant 0 : i32
        %parallel_loop3A_544 = arith.index_cast %scan3A_239 : i32 to index
        %parallel_loop3A_545 = arith.index_cast %parallel_loop3A_543 : i32 to index
        %parallel_loop3A_546 = arith.index_cast %parallel_loop3A_314 : i32 to index
        %parallel_loop3A_547 = arith.constant 96 : index
        %parallel_loop3A_548 = tpu.vector_load %arg6[%parallel_loop3A_544, %parallel_loop3A_545, %parallel_loop3A_546, %parallel_loop3A_547] {strides = array<i32>} : memref<25x4x8x128xi32, #tpu.memory_space<vmem>>, vector<16xi32>,
        %parallel_loop3A_549 = arith.constant 0 : i32
        %parallel_loop3A_550 = vector.broadcast %parallel_loop3A_549 : i32 to vector<16xi32>
        %parallel_loop3A_551 = arith.cmpi slt, %parallel_loop3A_548, %parallel_loop3A_550 : vector<16xi32>
        %parallel_loop3A_552 = arith.constant 16 : i32
        %parallel_loop3A_553 = vector.broadcast %parallel_loop3A_552 : i32 to vector<16xi32>
        %parallel_loop3A_554 = arith.addi %parallel_loop3A_548, %parallel_loop3A_553 : vector<16xi32>
        %parallel_loop3A_555 = arith.select %parallel_loop3A_551, %parallel_loop3A_554, %parallel_loop3A_548 : vector<16xi1>, vector<16xi32>
        %parallel_loop3A_556 = vector.shape_cast %parallel_loop3A_555 : vector<16xi32> to vector<16x1xi32>
        %parallel_loop3A_557 = vector.shape_cast %parallel_loop3A_556 : vector<16x1xi32> to vector<16xi32>
        %parallel_loop3A_558 = tpu.dynamic_gather %get3A_40[%parallel_loop3A_557] in [0] : vector<16xf32>, vector<16xi32> -> vector<16xf32>
        %parallel_loop3A_559 = arith.constant 0 : i32
        %parallel_loop3A_560 = vector.broadcast %parallel_loop3A_559 : i32 to vector<16xi32>
        %parallel_loop3A_561 = arith.cmpi slt, %parallel_loop3A_548, %parallel_loop3A_560 : vector<16xi32>
        %parallel_loop3A_562 = arith.constant 16 : i32
        %parallel_loop3A_563 = vector.broadcast %parallel_loop3A_562 : i32 to vector<16xi32>
        %parallel_loop3A_564 = arith.addi %parallel_loop3A_548, %parallel_loop3A_563 : vector<16xi32>
        %parallel_loop3A_565 = arith.select %parallel_loop3A_561, %parallel_loop3A_564, %parallel_loop3A_548 : vector<16xi1>, vector<16xi32>
        %parallel_loop3A_566 = vector.shape_cast %parallel_loop3A_565 : vector<16xi32> to vector<16x1xi32>
        %parallel_loop3A_567 = vector.shape_cast %parallel_loop3A_566 : vector<16x1xi32> to vector<16xi32>
        %parallel_loop3A_568 = tpu.dynamic_gather %get3A_42[%parallel_loop3A_567] in [0] : vector<16xf32>, vector<16xi32> -> vector<16xf32>
        %parallel_loop3A_569 = arith.constant 0 : i32
        %parallel_loop3A_570 = arith.index_cast %rem3A_242 : i32 to index
        %parallel_loop3A_571 = arith.index_cast %parallel_loop3A_314 : i32 to index
        %parallel_loop3A_572 = arith.index_cast %parallel_loop3A_569 : i32 to index
        %parallel_loop3A_573 = arith.constant 96 : index
        %parallel_loop3A_574 = tpu.vector_load %arg7[%parallel_loop3A_570, %parallel_loop3A_571, %parallel_loop3A_572, %parallel_loop3A_573] {strides = array<i32>} : memref<3x8x8x128xf32, #tpu.memory_space<vmem>>, vector<16xf32>,
        tpu.vector_store %arg7[%parallel_loop3A_570, %parallel_loop3A_571, %parallel_loop3A_572, %parallel_loop3A_573], %parallel_loop3A_558 {strides = array<i32>} : memref<3x8x8x128xf32, #tpu.memory_space<vmem>>, vector<16xf32>,
        %parallel_loop3A_575 = arith.constant 1 : i32
        %parallel_loop3A_576 = arith.index_cast %rem3A_242 : i32 to index
        %parallel_loop3A_577 = arith.index_cast %parallel_loop3A_314 : i32 to index
        %parallel_loop3A_578 = arith.index_cast %parallel_loop3A_575 : i32 to index
        %parallel_loop3A_579 = arith.constant 96 : index
        %parallel_loop3A_580 = tpu.vector_load %arg7[%parallel_loop3A_576, %parallel_loop3A_577, %parallel_loop3A_578, %parallel_loop3A_579] {strides = array<i32>} : memref<3x8x8x128xf32, #tpu.memory_space<vmem>>, vector<16xf32>,
        tpu.vector_store %arg7[%parallel_loop3A_576, %parallel_loop3A_577, %parallel_loop3A_578, %parallel_loop3A_579], %parallel_loop3A_568 {strides = array<i32>} : memref<3x8x8x128xf32, #tpu.memory_space<vmem>>, vector<16xf32>,
        %parallel_loop3A_581 = arith.constant 0 : i32
        %parallel_loop3A_582 = arith.index_cast %scan3A_239 : i32 to index
        %parallel_loop3A_583 = arith.index_cast %parallel_loop3A_581 : i32 to index
        %parallel_loop3A_584 = arith.index_cast %parallel_loop3A_314 : i32 to index
        %parallel_loop3A_585 = arith.constant 112 : index
        %parallel_loop3A_586 = tpu.vector_load %arg6[%parallel_loop3A_582, %parallel_loop3A_583, %parallel_loop3A_584, %parallel_loop3A_585] {strides = array<i32>} : memref<25x4x8x128xi32, #tpu.memory_space<vmem>>, vector<16xi32>,
        %parallel_loop3A_587 = arith.constant 0 : i32
        %parallel_loop3A_588 = vector.broadcast %parallel_loop3A_587 : i32 to vector<16xi32>
        %parallel_loop3A_589 = arith.cmpi slt, %parallel_loop3A_586, %parallel_loop3A_588 : vector<16xi32>
        %parallel_loop3A_590 = arith.constant 16 : i32
        %parallel_loop3A_591 = vector.broadcast %parallel_loop3A_590 : i32 to vector<16xi32>
        %parallel_loop3A_592 = arith.addi %parallel_loop3A_586, %parallel_loop3A_591 : vector<16xi32>
        %parallel_loop3A_593 = arith.select %parallel_loop3A_589, %parallel_loop3A_592, %parallel_loop3A_586 : vector<16xi1>, vector<16xi32>
        %parallel_loop3A_594 = vector.shape_cast %parallel_loop3A_593 : vector<16xi32> to vector<16x1xi32>
        %parallel_loop3A_595 = vector.shape_cast %parallel_loop3A_594 : vector<16x1xi32> to vector<16xi32>
        %parallel_loop3A_596 = tpu.dynamic_gather %get3A_40[%parallel_loop3A_595] in [0] : vector<16xf32>, vector<16xi32> -> vector<16xf32>
        %parallel_loop3A_597 = arith.constant 0 : i32
        %parallel_loop3A_598 = vector.broadcast %parallel_loop3A_597 : i32 to vector<16xi32>
        %parallel_loop3A_599 = arith.cmpi slt, %parallel_loop3A_586, %parallel_loop3A_598 : vector<16xi32>
        %parallel_loop3A_600 = arith.constant 16 : i32
        %parallel_loop3A_601 = vector.broadcast %parallel_loop3A_600 : i32 to vector<16xi32>
        %parallel_loop3A_602 = arith.addi %parallel_loop3A_586, %parallel_loop3A_601 : vector<16xi32>
        %parallel_loop3A_603 = arith.select %parallel_loop3A_599, %parallel_loop3A_602, %parallel_loop3A_586 : vector<16xi1>, vector<16xi32>
        %parallel_loop3A_604 = vector.shape_cast %parallel_loop3A_603 : vector<16xi32> to vector<16x1xi32>
        %parallel_loop3A_605 = vector.shape_cast %parallel_loop3A_604 : vector<16x1xi32> to vector<16xi32>
        %parallel_loop3A_606 = tpu.dynamic_gather %get3A_42[%parallel_loop3A_605] in [0] : vector<16xf32>, vector<16xi32> -> vector<16xf32>
        %parallel_loop3A_607 = arith.constant 0 : i32
        %parallel_loop3A_608 = arith.index_cast %rem3A_242 : i32 to index
        %parallel_loop3A_609 = arith.index_cast %parallel_loop3A_314 : i32 to index
        %parallel_loop3A_610 = arith.index_cast %parallel_loop3A_607 : i32 to index
        %parallel_loop3A_611 = arith.constant 112 : index
        %parallel_loop3A_612 = tpu.vector_load %arg7[%parallel_loop3A_608, %parallel_loop3A_609, %parallel_loop3A_610, %parallel_loop3A_611] {strides = array<i32>} : memref<3x8x8x128xf32, #tpu.memory_space<vmem>>, vector<16xf32>,
        tpu.vector_store %arg7[%parallel_loop3A_608, %parallel_loop3A_609, %parallel_loop3A_610, %parallel_loop3A_611], %parallel_loop3A_596 {strides = array<i32>} : memref<3x8x8x128xf32, #tpu.memory_space<vmem>>, vector<16xf32>,
        %parallel_loop3A_613 = arith.constant 1 : i32
        %parallel_loop3A_614 = arith.index_cast %rem3A_242 : i32 to index
        %parallel_loop3A_615 = arith.index_cast %parallel_loop3A_314 : i32 to index
        %parallel_loop3A_616 = arith.index_cast %parallel_loop3A_613 : i32 to index
        %parallel_loop3A_617 = arith.constant 112 : index
        %parallel_loop3A_618 = tpu.vector_load %arg7[%parallel_loop3A_614, %parallel_loop3A_615, %parallel_loop3A_616, %parallel_loop3A_617] {strides = array<i32>} : memref<3x8x8x128xf32, #tpu.memory_space<vmem>>, vector<16xf32>,
        tpu.vector_store %arg7[%parallel_loop3A_614, %parallel_loop3A_615, %parallel_loop3A_616, %parallel_loop3A_617], %parallel_loop3A_606 {strides = array<i32>} : memref<3x8x8x128xf32, #tpu.memory_space<vmem>>, vector<16xf32>,
        %parallel_loop3A_619 = arith.constant 1 : i32
        %parallel_loop3A_620 = arith.index_cast %scan3A_239 : i32 to index
        %parallel_loop3A_621 = arith.index_cast %parallel_loop3A_619 : i32 to index
        %parallel_loop3A_622 = arith.index_cast %parallel_loop3A_314 : i32 to index
        %parallel_loop3A_623 = arith.constant 0 : index
        %parallel_loop3A_624 = tpu.vector_load %arg6[%parallel_loop3A_620, %parallel_loop3A_621, %parallel_loop3A_622, %parallel_loop3A_623] {strides = array<i32>} : memref<25x4x8x128xi32, #tpu.memory_space<vmem>>, vector<16xi32>,
        %parallel_loop3A_625 = arith.constant 0 : i32
        %parallel_loop3A_626 = vector.broadcast %parallel_loop3A_625 : i32 to vector<16xi32>
        %parallel_loop3A_627 = arith.cmpi slt, %parallel_loop3A_624, %parallel_loop3A_626 : vector<16xi32>
        %parallel_loop3A_628 = arith.constant 16 : i32
        %parallel_loop3A_629 = vector.broadcast %parallel_loop3A_628 : i32 to vector<16xi32>
        %parallel_loop3A_630 = arith.addi %parallel_loop3A_624, %parallel_loop3A_629 : vector<16xi32>
        %parallel_loop3A_631 = arith.select %parallel_loop3A_627, %parallel_loop3A_630, %parallel_loop3A_624 : vector<16xi1>, vector<16xi32>
        %parallel_loop3A_632 = vector.shape_cast %parallel_loop3A_631 : vector<16xi32> to vector<16x1xi32>
        %parallel_loop3A_633 = vector.shape_cast %parallel_loop3A_632 : vector<16x1xi32> to vector<16xi32>
        %parallel_loop3A_634 = tpu.dynamic_gather %get3A_40[%parallel_loop3A_633] in [0] : vector<16xf32>, vector<16xi32> -> vector<16xf32>
        %parallel_loop3A_635 = arith.constant 0 : i32
        %parallel_loop3A_636 = vector.broadcast %parallel_loop3A_635 : i32 to vector<16xi32>
        %parallel_loop3A_637 = arith.cmpi slt, %parallel_loop3A_624, %parallel_loop3A_636 : vector<16xi32>
        %parallel_loop3A_638 = arith.constant 16 : i32
        %parallel_loop3A_639 = vector.broadcast %parallel_loop3A_638 : i32 to vector<16xi32>
        %parallel_loop3A_640 = arith.addi %parallel_loop3A_624, %parallel_loop3A_639 : vector<16xi32>
        %parallel_loop3A_641 = arith.select %parallel_loop3A_637, %parallel_loop3A_640, %parallel_loop3A_624 : vector<16xi1>, vector<16xi32>
        %parallel_loop3A_642 = vector.shape_cast %parallel_loop3A_641 : vector<16xi32> to vector<16x1xi32>
        %parallel_loop3A_643 = vector.shape_cast %parallel_loop3A_642 : vector<16x1xi32> to vector<16xi32>
        %parallel_loop3A_644 = tpu.dynamic_gather %get3A_42[%parallel_loop3A_643] in [0] : vector<16xf32>, vector<16xi32> -> vector<16xf32>
        %parallel_loop3A_645 = arith.constant 2 : i32
        %parallel_loop3A_646 = arith.index_cast %rem3A_242 : i32 to index
        %parallel_loop3A_647 = arith.index_cast %parallel_loop3A_314 : i32 to index
        %parallel_loop3A_648 = arith.index_cast %parallel_loop3A_645 : i32 to index
        %parallel_loop3A_649 = arith.constant 0 : index
        %parallel_loop3A_650 = tpu.vector_load %arg7[%parallel_loop3A_646, %parallel_loop3A_647, %parallel_loop3A_648, %parallel_loop3A_649] {strides = array<i32>} : memref<3x8x8x128xf32, #tpu.memory_space<vmem>>, vector<16xf32>,
        tpu.vector_store %arg7[%parallel_loop3A_646, %parallel_loop3A_647, %parallel_loop3A_648, %parallel_loop3A_649], %parallel_loop3A_634 {strides = array<i32>} : memref<3x8x8x128xf32, #tpu.memory_space<vmem>>, vector<16xf32>,
        %parallel_loop3A_651 = arith.constant 3 : i32
        %parallel_loop3A_652 = arith.index_cast %rem3A_242 : i32 to index
        %parallel_loop3A_653 = arith.index_cast %parallel_loop3A_314 : i32 to index
        %parallel_loop3A_654 = arith.index_cast %parallel_loop3A_651 : i32 to index
        %parallel_loop3A_655 = arith.constant 0 : index
        %parallel_loop3A_656 = tpu.vector_load %arg7[%parallel_loop3A_652, %parallel_loop3A_653, %parallel_loop3A_654, %parallel_loop3A_655] {strides = array<i32>} : memref<3x8x8x128xf32, #tpu.memory_space<vmem>>, vector<16xf32>,
        tpu.vector_store %arg7[%parallel_loop3A_652, %parallel_loop3A_653, %parallel_loop3A_654, %parallel_loop3A_655], %parallel_loop3A_644 {strides = array<i32>} : memref<3x8x8x128xf32, #tpu.memory_space<vmem>>, vector<16xf32>,
        %parallel_loop3A_657 = arith.constant 1 : i32
        %parallel_loop3A_658 = arith.index_cast %scan3A_239 : i32 to index
        %parallel_loop3A_659 = arith.index_cast %parallel_loop3A_657 : i32 to index
        %parallel_loop3A_660 = arith.index_cast %parallel_loop3A_314 : i32 to index
        %parallel_loop3A_661 = arith.constant 16 : index
        %parallel_loop3A_662 = tpu.vector_load %arg6[%parallel_loop3A_658, %parallel_loop3A_659, %parallel_loop3A_660, %parallel_loop3A_661] {strides = array<i32>} : memref<25x4x8x128xi32, #tpu.memory_space<vmem>>, vector<16xi32>,
        %parallel_loop3A_663 = arith.constant 0 : i32
        %parallel_loop3A_664 = vector.broadcast %parallel_loop3A_663 : i32 to vector<16xi32>
        %parallel_loop3A_665 = arith.cmpi slt, %parallel_loop3A_662, %parallel_loop3A_664 : vector<16xi32>
        %parallel_loop3A_666 = arith.constant 16 : i32
        %parallel_loop3A_667 = vector.broadcast %parallel_loop3A_666 : i32 to vector<16xi32>
        %parallel_loop3A_668 = arith.addi %parallel_loop3A_662, %parallel_loop3A_667 : vector<16xi32>
        %parallel_loop3A_669 = arith.select %parallel_loop3A_665, %parallel_loop3A_668, %parallel_loop3A_662 : vector<16xi1>, vector<16xi32>
        %parallel_loop3A_670 = vector.shape_cast %parallel_loop3A_669 : vector<16xi32> to vector<16x1xi32>
        %parallel_loop3A_671 = vector.shape_cast %parallel_loop3A_670 : vector<16x1xi32> to vector<16xi32>
        %parallel_loop3A_672 = tpu.dynamic_gather %get3A_40[%parallel_loop3A_671] in [0] : vector<16xf32>, vector<16xi32> -> vector<16xf32>
        %parallel_loop3A_673 = arith.constant 0 : i32
        %parallel_loop3A_674 = vector.broadcast %parallel_loop3A_673 : i32 to vector<16xi32>
        %parallel_loop3A_675 = arith.cmpi slt, %parallel_loop3A_662, %parallel_loop3A_674 : vector<16xi32>
        %parallel_loop3A_676 = arith.constant 16 : i32
        %parallel_loop3A_677 = vector.broadcast %parallel_loop3A_676 : i32 to vector<16xi32>
        %parallel_loop3A_678 = arith.addi %parallel_loop3A_662, %parallel_loop3A_677 : vector<16xi32>
        %parallel_loop3A_679 = arith.select %parallel_loop3A_675, %parallel_loop3A_678, %parallel_loop3A_662 : vector<16xi1>, vector<16xi32>
        %parallel_loop3A_680 = vector.shape_cast %parallel_loop3A_679 : vector<16xi32> to vector<16x1xi32>
        %parallel_loop3A_681 = vector.shape_cast %parallel_loop3A_680 : vector<16x1xi32> to vector<16xi32>
        %parallel_loop3A_682 = tpu.dynamic_gather %get3A_42[%parallel_loop3A_681] in [0] : vector<16xf32>, vector<16xi32> -> vector<16xf32>
        %parallel_loop3A_683 = arith.constant 2 : i32
        %parallel_loop3A_684 = arith.index_cast %rem3A_242 : i32 to index
        %parallel_loop3A_685 = arith.index_cast %parallel_loop3A_314 : i32 to index
        %parallel_loop3A_686 = arith.index_cast %parallel_loop3A_683 : i32 to index
        %parallel_loop3A_687 = arith.constant 16 : index
        %parallel_loop3A_688 = tpu.vector_load %arg7[%parallel_loop3A_684, %parallel_loop3A_685, %parallel_loop3A_686, %parallel_loop3A_687] {strides = array<i32>} : memref<3x8x8x128xf32, #tpu.memory_space<vmem>>, vector<16xf32>,
        tpu.vector_store %arg7[%parallel_loop3A_684, %parallel_loop3A_685, %parallel_loop3A_686, %parallel_loop3A_687], %parallel_loop3A_672 {strides = array<i32>} : memref<3x8x8x128xf32, #tpu.memory_space<vmem>>, vector<16xf32>,
        %parallel_loop3A_689 = arith.constant 3 : i32
        %parallel_loop3A_690 = arith.index_cast %rem3A_242 : i32 to index
        %parallel_loop3A_691 = arith.index_cast %parallel_loop3A_314 : i32 to index
        %parallel_loop3A_692 = arith.index_cast %parallel_loop3A_689 : i32 to index
        %parallel_loop3A_693 = arith.constant 16 : index
        %parallel_loop3A_694 = tpu.vector_load %arg7[%parallel_loop3A_690, %parallel_loop3A_691, %parallel_loop3A_692, %parallel_loop3A_693] {strides = array<i32>} : memref<3x8x8x128xf32, #tpu.memory_space<vmem>>, vector<16xf32>,
        tpu.vector_store %arg7[%parallel_loop3A_690, %parallel_loop3A_691, %parallel_loop3A_692, %parallel_loop3A_693], %parallel_loop3A_682 {strides = array<i32>} : memref<3x8x8x128xf32, #tpu.memory_space<vmem>>, vector<16xf32>,
        %parallel_loop3A_695 = arith.constant 1 : i32
        %parallel_loop3A_696 = arith.index_cast %scan3A_239 : i32 to index
        %parallel_loop3A_697 = arith.index_cast %parallel_loop3A_695 : i32 to index
        %parallel_loop3A_698 = arith.index_cast %parallel_loop3A_314 : i32 to index
        %parallel_loop3A_699 = arith.constant 32 : index
        %parallel_loop3A_700 = tpu.vector_load %arg6[%parallel_loop3A_696, %parallel_loop3A_697, %parallel_loop3A_698, %parallel_loop3A_699] {strides = array<i32>} : memref<25x4x8x128xi32, #tpu.memory_space<vmem>>, vector<16xi32>,
        %parallel_loop3A_701 = arith.constant 0 : i32
        %parallel_loop3A_702 = vector.broadcast %parallel_loop3A_701 : i32 to vector<16xi32>
        %parallel_loop3A_703 = arith.cmpi slt, %parallel_loop3A_700, %parallel_loop3A_702 : vector<16xi32>
        %parallel_loop3A_704 = arith.constant 16 : i32
        %parallel_loop3A_705 = vector.broadcast %parallel_loop3A_704 : i32 to vector<16xi32>
        %parallel_loop3A_706 = arith.addi %parallel_loop3A_700, %parallel_loop3A_705 : vector<16xi32>
        %parallel_loop3A_707 = arith.select %parallel_loop3A_703, %parallel_loop3A_706, %parallel_loop3A_700 : vector<16xi1>, vector<16xi32>
        %parallel_loop3A_708 = vector.shape_cast %parallel_loop3A_707 : vector<16xi32> to vector<16x1xi32>
        %parallel_loop3A_709 = vector.shape_cast %parallel_loop3A_708 : vector<16x1xi32> to vector<16xi32>
        %parallel_loop3A_710 = tpu.dynamic_gather %get3A_40[%parallel_loop3A_709] in [0] : vector<16xf32>, vector<16xi32> -> vector<16xf32>
        %parallel_loop3A_711 = arith.constant 0 : i32
        %parallel_loop3A_712 = vector.broadcast %parallel_loop3A_711 : i32 to vector<16xi32>
        %parallel_loop3A_713 = arith.cmpi slt, %parallel_loop3A_700, %parallel_loop3A_712 : vector<16xi32>
        %parallel_loop3A_714 = arith.constant 16 : i32
        %parallel_loop3A_715 = vector.broadcast %parallel_loop3A_714 : i32 to vector<16xi32>
        %parallel_loop3A_716 = arith.addi %parallel_loop3A_700, %parallel_loop3A_715 : vector<16xi32>
        %parallel_loop3A_717 = arith.select %parallel_loop3A_713, %parallel_loop3A_716, %parallel_loop3A_700 : vector<16xi1>, vector<16xi32>
        %parallel_loop3A_718 = vector.shape_cast %parallel_loop3A_717 : vector<16xi32> to vector<16x1xi32>
        %parallel_loop3A_719 = vector.shape_cast %parallel_loop3A_718 : vector<16x1xi32> to vector<16xi32>
        %parallel_loop3A_720 = tpu.dynamic_gather %get3A_42[%parallel_loop3A_719] in [0] : vector<16xf32>, vector<16xi32> -> vector<16xf32>
        %parallel_loop3A_721 = arith.constant 2 : i32
        %parallel_loop3A_722 = arith.index_cast %rem3A_242 : i32 to index
        %parallel_loop3A_723 = arith.index_cast %parallel_loop3A_314 : i32 to index
        %parallel_loop3A_724 = arith.index_cast %parallel_loop3A_721 : i32 to index
        %parallel_loop3A_725 = arith.constant 32 : index
        %parallel_loop3A_726 = tpu.vector_load %arg7[%parallel_loop3A_722, %parallel_loop3A_723, %parallel_loop3A_724, %parallel_loop3A_725] {strides = array<i32>} : memref<3x8x8x128xf32, #tpu.memory_space<vmem>>, vector<16xf32>,
        tpu.vector_store %arg7[%parallel_loop3A_722, %parallel_loop3A_723, %parallel_loop3A_724, %parallel_loop3A_725], %parallel_loop3A_710 {strides = array<i32>} : memref<3x8x8x128xf32, #tpu.memory_space<vmem>>, vector<16xf32>,
        %parallel_loop3A_727 = arith.constant 3 : i32
        %parallel_loop3A_728 = arith.index_cast %rem3A_242 : i32 to index
        %parallel_loop3A_729 = arith.index_cast %parallel_loop3A_314 : i32 to index
        %parallel_loop3A_730 = arith.index_cast %parallel_loop3A_727 : i32 to index
        %parallel_loop3A_731 = arith.constant 32 : index
        %parallel_loop3A_732 = tpu.vector_load %arg7[%parallel_loop3A_728, %parallel_loop3A_729, %parallel_loop3A_730, %parallel_loop3A_731] {strides = array<i32>} : memref<3x8x8x128xf32, #tpu.memory_space<vmem>>, vector<16xf32>,
        tpu.vector_store %arg7[%parallel_loop3A_728, %parallel_loop3A_729, %parallel_loop3A_730, %parallel_loop3A_731], %parallel_loop3A_720 {strides = array<i32>} : memref<3x8x8x128xf32, #tpu.memory_space<vmem>>, vector<16xf32>,
        %parallel_loop3A_733 = arith.constant 1 : i32
        %parallel_loop3A_734 = arith.index_cast %scan3A_239 : i32 to index
        %parallel_loop3A_735 = arith.index_cast %parallel_loop3A_733 : i32 to index
        %parallel_loop3A_736 = arith.index_cast %parallel_loop3A_314 : i32 to index
        %parallel_loop3A_737 = arith.constant 48 : index
        %parallel_loop3A_738 = tpu.vector_load %arg6[%parallel_loop3A_734, %parallel_loop3A_735, %parallel_loop3A_736, %parallel_loop3A_737] {strides = array<i32>} : memref<25x4x8x128xi32, #tpu.memory_space<vmem>>, vector<16xi32>,
        %parallel_loop3A_739 = arith.constant 0 : i32
        %parallel_loop3A_740 = vector.broadcast %parallel_loop3A_739 : i32 to vector<16xi32>
        %parallel_loop3A_741 = arith.cmpi slt, %parallel_loop3A_738, %parallel_loop3A_740 : vector<16xi32>
        %parallel_loop3A_742 = arith.constant 16 : i32
        %parallel_loop3A_743 = vector.broadcast %parallel_loop3A_742 : i32 to vector<16xi32>
        %parallel_loop3A_744 = arith.addi %parallel_loop3A_738, %parallel_loop3A_743 : vector<16xi32>
        %parallel_loop3A_745 = arith.select %parallel_loop3A_741, %parallel_loop3A_744, %parallel_loop3A_738 : vector<16xi1>, vector<16xi32>
        %parallel_loop3A_746 = vector.shape_cast %parallel_loop3A_745 : vector<16xi32> to vector<16x1xi32>
        %parallel_loop3A_747 = vector.shape_cast %parallel_loop3A_746 : vector<16x1xi32> to vector<16xi32>
        %parallel_loop3A_748 = tpu.dynamic_gather %get3A_40[%parallel_loop3A_747] in [0] : vector<16xf32>, vector<16xi32> -> vector<16xf32>
        %parallel_loop3A_749 = arith.constant 0 : i32
        %parallel_loop3A_750 = vector.broadcast %parallel_loop3A_749 : i32 to vector<16xi32>
        %parallel_loop3A_751 = arith.cmpi slt, %parallel_loop3A_738, %parallel_loop3A_750 : vector<16xi32>
        %parallel_loop3A_752 = arith.constant 16 : i32
        %parallel_loop3A_753 = vector.broadcast %parallel_loop3A_752 : i32 to vector<16xi32>
        %parallel_loop3A_754 = arith.addi %parallel_loop3A_738, %parallel_loop3A_753 : vector<16xi32>
        %parallel_loop3A_755 = arith.select %parallel_loop3A_751, %parallel_loop3A_754, %parallel_loop3A_738 : vector<16xi1>, vector<16xi32>
        %parallel_loop3A_756 = vector.shape_cast %parallel_loop3A_755 : vector<16xi32> to vector<16x1xi32>
        %parallel_loop3A_757 = vector.shape_cast %parallel_loop3A_756 : vector<16x1xi32> to vector<16xi32>
        %parallel_loop3A_758 = tpu.dynamic_gather %get3A_42[%parallel_loop3A_757] in [0] : vector<16xf32>, vector<16xi32> -> vector<16xf32>
        %parallel_loop3A_759 = arith.constant 2 : i32
        %parallel_loop3A_760 = arith.index_cast %rem3A_242 : i32 to index
        %parallel_loop3A_761 = arith.index_cast %parallel_loop3A_314 : i32 to index
        %parallel_loop3A_762 = arith.index_cast %parallel_loop3A_759 : i32 to index
        %parallel_loop3A_763 = arith.constant 48 : index
        %parallel_loop3A_764 = tpu.vector_load %arg7[%parallel_loop3A_760, %parallel_loop3A_761, %parallel_loop3A_762, %parallel_loop3A_763] {strides = array<i32>} : memref<3x8x8x128xf32, #tpu.memory_space<vmem>>, vector<16xf32>,
        tpu.vector_store %arg7[%parallel_loop3A_760, %parallel_loop3A_761, %parallel_loop3A_762, %parallel_loop3A_763], %parallel_loop3A_748 {strides = array<i32>} : memref<3x8x8x128xf32, #tpu.memory_space<vmem>>, vector<16xf32>,
        %parallel_loop3A_765 = arith.constant 3 : i32
        %parallel_loop3A_766 = arith.index_cast %rem3A_242 : i32 to index
        %parallel_loop3A_767 = arith.index_cast %parallel_loop3A_314 : i32 to index
        %parallel_loop3A_768 = arith.index_cast %parallel_loop3A_765 : i32 to index
        %parallel_loop3A_769 = arith.constant 48 : index
        %parallel_loop3A_770 = tpu.vector_load %arg7[%parallel_loop3A_766, %parallel_loop3A_767, %parallel_loop3A_768, %parallel_loop3A_769] {strides = array<i32>} : memref<3x8x8x128xf32, #tpu.memory_space<vmem>>, vector<16xf32>,
        tpu.vector_store %arg7[%parallel_loop3A_766, %parallel_loop3A_767, %parallel_loop3A_768, %parallel_loop3A_769], %parallel_loop3A_758 {strides = array<i32>} : memref<3x8x8x128xf32, #tpu.memory_space<vmem>>, vector<16xf32>,
        %parallel_loop3A_771 = arith.constant 1 : i32
        %parallel_loop3A_772 = arith.index_cast %scan3A_239 : i32 to index
        %parallel_loop3A_773 = arith.index_cast %parallel_loop3A_771 : i32 to index
        %parallel_loop3A_774 = arith.index_cast %parallel_loop3A_314 : i32 to index
        %parallel_loop3A_775 = arith.constant 64 : index
        %parallel_loop3A_776 = tpu.vector_load %arg6[%parallel_loop3A_772, %parallel_loop3A_773, %parallel_loop3A_774, %parallel_loop3A_775] {strides = array<i32>} : memref<25x4x8x128xi32, #tpu.memory_space<vmem>>, vector<16xi32>,
        %parallel_loop3A_777 = arith.constant 0 : i32
        %parallel_loop3A_778 = vector.broadcast %parallel_loop3A_777 : i32 to vector<16xi32>
        %parallel_loop3A_779 = arith.cmpi slt, %parallel_loop3A_776, %parallel_loop3A_778 : vector<16xi32>
        %parallel_loop3A_780 = arith.constant 16 : i32
        %parallel_loop3A_781 = vector.broadcast %parallel_loop3A_780 : i32 to vector<16xi32>
        %parallel_loop3A_782 = arith.addi %parallel_loop3A_776, %parallel_loop3A_781 : vector<16xi32>
        %parallel_loop3A_783 = arith.select %parallel_loop3A_779, %parallel_loop3A_782, %parallel_loop3A_776 : vector<16xi1>, vector<16xi32>
        %parallel_loop3A_784 = vector.shape_cast %parallel_loop3A_783 : vector<16xi32> to vector<16x1xi32>
        %parallel_loop3A_785 = vector.shape_cast %parallel_loop3A_784 : vector<16x1xi32> to vector<16xi32>
        %parallel_loop3A_786 = tpu.dynamic_gather %get3A_40[%parallel_loop3A_785] in [0] : vector<16xf32>, vector<16xi32> -> vector<16xf32>
        %parallel_loop3A_787 = arith.constant 0 : i32
        %parallel_loop3A_788 = vector.broadcast %parallel_loop3A_787 : i32 to vector<16xi32>
        %parallel_loop3A_789 = arith.cmpi slt, %parallel_loop3A_776, %parallel_loop3A_788 : vector<16xi32>
        %parallel_loop3A_790 = arith.constant 16 : i32
        %parallel_loop3A_791 = vector.broadcast %parallel_loop3A_790 : i32 to vector<16xi32>
        %parallel_loop3A_792 = arith.addi %parallel_loop3A_776, %parallel_loop3A_791 : vector<16xi32>
        %parallel_loop3A_793 = arith.select %parallel_loop3A_789, %parallel_loop3A_792, %parallel_loop3A_776 : vector<16xi1>, vector<16xi32>
        %parallel_loop3A_794 = vector.shape_cast %parallel_loop3A_793 : vector<16xi32> to vector<16x1xi32>
        %parallel_loop3A_795 = vector.shape_cast %parallel_loop3A_794 : vector<16x1xi32> to vector<16xi32>
        %parallel_loop3A_796 = tpu.dynamic_gather %get3A_42[%parallel_loop3A_795] in [0] : vector<16xf32>, vector<16xi32> -> vector<16xf32>
        %parallel_loop3A_797 = arith.constant 2 : i32
        %parallel_loop3A_798 = arith.index_cast %rem3A_242 : i32 to index
        %parallel_loop3A_799 = arith.index_cast %parallel_loop3A_314 : i32 to index
        %parallel_loop3A_800 = arith.index_cast %parallel_loop3A_797 : i32 to index
        %parallel_loop3A_801 = arith.constant 64 : index
        %parallel_loop3A_802 = tpu.vector_load %arg7[%parallel_loop3A_798, %parallel_loop3A_799, %parallel_loop3A_800, %parallel_loop3A_801] {strides = array<i32>} : memref<3x8x8x128xf32, #tpu.memory_space<vmem>>, vector<16xf32>,
        tpu.vector_store %arg7[%parallel_loop3A_798, %parallel_loop3A_799, %parallel_loop3A_800, %parallel_loop3A_801], %parallel_loop3A_786 {strides = array<i32>} : memref<3x8x8x128xf32, #tpu.memory_space<vmem>>, vector<16xf32>,
        %parallel_loop3A_803 = arith.constant 3 : i32
        %parallel_loop3A_804 = arith.index_cast %rem3A_242 : i32 to index
        %parallel_loop3A_805 = arith.index_cast %parallel_loop3A_314 : i32 to index
        %parallel_loop3A_806 = arith.index_cast %parallel_loop3A_803 : i32 to index
        %parallel_loop3A_807 = arith.constant 64 : index
        %parallel_loop3A_808 = tpu.vector_load %arg7[%parallel_loop3A_804, %parallel_loop3A_805, %parallel_loop3A_806, %parallel_loop3A_807] {strides = array<i32>} : memref<3x8x8x128xf32, #tpu.memory_space<vmem>>, vector<16xf32>,
        tpu.vector_store %arg7[%parallel_loop3A_804, %parallel_loop3A_805, %parallel_loop3A_806, %parallel_loop3A_807], %parallel_loop3A_796 {strides = array<i32>} : memref<3x8x8x128xf32, #tpu.memory_space<vmem>>, vector<16xf32>,
        %parallel_loop3A_809 = arith.constant 1 : i32
        %parallel_loop3A_810 = arith.index_cast %scan3A_239 : i32 to index
        %parallel_loop3A_811 = arith.index_cast %parallel_loop3A_809 : i32 to index
        %parallel_loop3A_812 = arith.index_cast %parallel_loop3A_314 : i32 to index
        %parallel_loop3A_813 = arith.constant 80 : index
        %parallel_loop3A_814 = tpu.vector_load %arg6[%parallel_loop3A_810, %parallel_loop3A_811, %parallel_loop3A_812, %parallel_loop3A_813] {strides = array<i32>} : memref<25x4x8x128xi32, #tpu.memory_space<vmem>>, vector<16xi32>,
        %parallel_loop3A_815 = arith.constant 0 : i32
        %parallel_loop3A_816 = vector.broadcast %parallel_loop3A_815 : i32 to vector<16xi32>
        %parallel_loop3A_817 = arith.cmpi slt, %parallel_loop3A_814, %parallel_loop3A_816 : vector<16xi32>
        %parallel_loop3A_818 = arith.constant 16 : i32
        %parallel_loop3A_819 = vector.broadcast %parallel_loop3A_818 : i32 to vector<16xi32>
        %parallel_loop3A_820 = arith.addi %parallel_loop3A_814, %parallel_loop3A_819 : vector<16xi32>
        %parallel_loop3A_821 = arith.select %parallel_loop3A_817, %parallel_loop3A_820, %parallel_loop3A_814 : vector<16xi1>, vector<16xi32>
        %parallel_loop3A_822 = vector.shape_cast %parallel_loop3A_821 : vector<16xi32> to vector<16x1xi32>
        %parallel_loop3A_823 = vector.shape_cast %parallel_loop3A_822 : vector<16x1xi32> to vector<16xi32>
        %parallel_loop3A_824 = tpu.dynamic_gather %get3A_40[%parallel_loop3A_823] in [0] : vector<16xf32>, vector<16xi32> -> vector<16xf32>
        %parallel_loop3A_825 = arith.constant 0 : i32
        %parallel_loop3A_826 = vector.broadcast %parallel_loop3A_825 : i32 to vector<16xi32>
        %parallel_loop3A_827 = arith.cmpi slt, %parallel_loop3A_814, %parallel_loop3A_826 : vector<16xi32>
        %parallel_loop3A_828 = arith.constant 16 : i32
        %parallel_loop3A_829 = vector.broadcast %parallel_loop3A_828 : i32 to vector<16xi32>
        %parallel_loop3A_830 = arith.addi %parallel_loop3A_814, %parallel_loop3A_829 : vector<16xi32>
        %parallel_loop3A_831 = arith.select %parallel_loop3A_827, %parallel_loop3A_830, %parallel_loop3A_814 : vector<16xi1>, vector<16xi32>
        %parallel_loop3A_832 = vector.shape_cast %parallel_loop3A_831 : vector<16xi32> to vector<16x1xi32>
        %parallel_loop3A_833 = vector.shape_cast %parallel_loop3A_832 : vector<16x1xi32> to vector<16xi32>
        %parallel_loop3A_834 = tpu.dynamic_gather %get3A_42[%parallel_loop3A_833] in [0] : vector<16xf32>, vector<16xi32> -> vector<16xf32>
        %parallel_loop3A_835 = arith.constant 2 : i32
        %parallel_loop3A_836 = arith.index_cast %rem3A_242 : i32 to index
        %parallel_loop3A_837 = arith.index_cast %parallel_loop3A_314 : i32 to index
        %parallel_loop3A_838 = arith.index_cast %parallel_loop3A_835 : i32 to index
        %parallel_loop3A_839 = arith.constant 80 : index
        %parallel_loop3A_840 = tpu.vector_load %arg7[%parallel_loop3A_836, %parallel_loop3A_837, %parallel_loop3A_838, %parallel_loop3A_839] {strides = array<i32>} : memref<3x8x8x128xf32, #tpu.memory_space<vmem>>, vector<16xf32>,
        tpu.vector_store %arg7[%parallel_loop3A_836, %parallel_loop3A_837, %parallel_loop3A_838, %parallel_loop3A_839], %parallel_loop3A_824 {strides = array<i32>} : memref<3x8x8x128xf32, #tpu.memory_space<vmem>>, vector<16xf32>,
        %parallel_loop3A_841 = arith.constant 3 : i32
        %parallel_loop3A_842 = arith.index_cast %rem3A_242 : i32 to index
        %parallel_loop3A_843 = arith.index_cast %parallel_loop3A_314 : i32 to index
        %parallel_loop3A_844 = arith.index_cast %parallel_loop3A_841 : i32 to index
        %parallel_loop3A_845 = arith.constant 80 : index
        %parallel_loop3A_846 = tpu.vector_load %arg7[%parallel_loop3A_842, %parallel_loop3A_843, %parallel_loop3A_844, %parallel_loop3A_845] {strides = array<i32>} : memref<3x8x8x128xf32, #tpu.memory_space<vmem>>, vector<16xf32>,
        tpu.vector_store %arg7[%parallel_loop3A_842, %parallel_loop3A_843, %parallel_loop3A_844, %parallel_loop3A_845], %parallel_loop3A_834 {strides = array<i32>} : memref<3x8x8x128xf32, #tpu.memory_space<vmem>>, vector<16xf32>,
        %parallel_loop3A_847 = arith.constant 1 : i32
        %parallel_loop3A_848 = arith.index_cast %scan3A_239 : i32 to index
        %parallel_loop3A_849 = arith.index_cast %parallel_loop3A_847 : i32 to index
        %parallel_loop3A_850 = arith.index_cast %parallel_loop3A_314 : i32 to index
        %parallel_loop3A_851 = arith.constant 96 : index
        %parallel_loop3A_852 = tpu.vector_load %arg6[%parallel_loop3A_848, %parallel_loop3A_849, %parallel_loop3A_850, %parallel_loop3A_851] {strides = array<i32>} : memref<25x4x8x128xi32, #tpu.memory_space<vmem>>, vector<16xi32>,
        %parallel_loop3A_853 = arith.constant 0 : i32
        %parallel_loop3A_854 = vector.broadcast %parallel_loop3A_853 : i32 to vector<16xi32>
        %parallel_loop3A_855 = arith.cmpi slt, %parallel_loop3A_852, %parallel_loop3A_854 : vector<16xi32>
        %parallel_loop3A_856 = arith.constant 16 : i32
        %parallel_loop3A_857 = vector.broadcast %parallel_loop3A_856 : i32 to vector<16xi32>
        %parallel_loop3A_858 = arith.addi %parallel_loop3A_852, %parallel_loop3A_857 : vector<16xi32>
        %parallel_loop3A_859 = arith.select %parallel_loop3A_855, %parallel_loop3A_858, %parallel_loop3A_852 : vector<16xi1>, vector<16xi32>
        %parallel_loop3A_860 = vector.shape_cast %parallel_loop3A_859 : vector<16xi32> to vector<16x1xi32>
        %parallel_loop3A_861 = vector.shape_cast %parallel_loop3A_860 : vector<16x1xi32> to vector<16xi32>
        %parallel_loop3A_862 = tpu.dynamic_gather %get3A_40[%parallel_loop3A_861] in [0] : vector<16xf32>, vector<16xi32> -> vector<16xf32>
        %parallel_loop3A_863 = arith.constant 0 : i32
        %parallel_loop3A_864 = vector.broadcast %parallel_loop3A_863 : i32 to vector<16xi32>
        %parallel_loop3A_865 = arith.cmpi slt, %parallel_loop3A_852, %parallel_loop3A_864 : vector<16xi32>
        %parallel_loop3A_866 = arith.constant 16 : i32
        %parallel_loop3A_867 = vector.broadcast %parallel_loop3A_866 : i32 to vector<16xi32>
        %parallel_loop3A_868 = arith.addi %parallel_loop3A_852, %parallel_loop3A_867 : vector<16xi32>
        %parallel_loop3A_869 = arith.select %parallel_loop3A_865, %parallel_loop3A_868, %parallel_loop3A_852 : vector<16xi1>, vector<16xi32>
        %parallel_loop3A_870 = vector.shape_cast %parallel_loop3A_869 : vector<16xi32> to vector<16x1xi32>
        %parallel_loop3A_871 = vector.shape_cast %parallel_loop3A_870 : vector<16x1xi32> to vector<16xi32>
        %parallel_loop3A_872 = tpu.dynamic_gather %get3A_42[%parallel_loop3A_871] in [0] : vector<16xf32>, vector<16xi32> -> vector<16xf32>
        %parallel_loop3A_873 = arith.constant 2 : i32
        %parallel_loop3A_874 = arith.index_cast %rem3A_242 : i32 to index
        %parallel_loop3A_875 = arith.index_cast %parallel_loop3A_314 : i32 to index
        %parallel_loop3A_876 = arith.index_cast %parallel_loop3A_873 : i32 to index
        %parallel_loop3A_877 = arith.constant 96 : index
        %parallel_loop3A_878 = tpu.vector_load %arg7[%parallel_loop3A_874, %parallel_loop3A_875, %parallel_loop3A_876, %parallel_loop3A_877] {strides = array<i32>} : memref<3x8x8x128xf32, #tpu.memory_space<vmem>>, vector<16xf32>,
        tpu.vector_store %arg7[%parallel_loop3A_874, %parallel_loop3A_875, %parallel_loop3A_876, %parallel_loop3A_877], %parallel_loop3A_862 {strides = array<i32>} : memref<3x8x8x128xf32, #tpu.memory_space<vmem>>, vector<16xf32>,
        %parallel_loop3A_879 = arith.constant 3 : i32
        %parallel_loop3A_880 = arith.index_cast %rem3A_242 : i32 to index
        %parallel_loop3A_881 = arith.index_cast %parallel_loop3A_314 : i32 to index
        %parallel_loop3A_882 = arith.index_cast %parallel_loop3A_879 : i32 to index
        %parallel_loop3A_883 = arith.constant 96 : index
        %parallel_loop3A_884 = tpu.vector_load %arg7[%parallel_loop3A_880, %parallel_loop3A_881, %parallel_loop3A_882, %parallel_loop3A_883] {strides = array<i32>} : memref<3x8x8x128xf32, #tpu.memory_space<vmem>>, vector<16xf32>,
        tpu.vector_store %arg7[%parallel_loop3A_880, %parallel_loop3A_881, %parallel_loop3A_882, %parallel_loop3A_883], %parallel_loop3A_872 {strides = array<i32>} : memref<3x8x8x128xf32, #tpu.memory_space<vmem>>, vector<16xf32>,
        %parallel_loop3A_885 = arith.constant 1 : i32
        %parallel_loop3A_886 = arith.index_cast %scan3A_239 : i32 to index
        %parallel_loop3A_887 = arith.index_cast %parallel_loop3A_885 : i32 to index
        %parallel_loop3A_888 = arith.index_cast %parallel_loop3A_314 : i32 to index
        %parallel_loop3A_889 = arith.constant 112 : index
        %parallel_loop3A_890 = tpu.vector_load %arg6[%parallel_loop3A_886, %parallel_loop3A_887, %parallel_loop3A_888, %parallel_loop3A_889] {strides = array<i32>} : memref<25x4x8x128xi32, #tpu.memory_space<vmem>>, vector<16xi32>,
        %parallel_loop3A_891 = arith.constant 0 : i32
        %parallel_loop3A_892 = vector.broadcast %parallel_loop3A_891 : i32 to vector<16xi32>
        %parallel_loop3A_893 = arith.cmpi slt, %parallel_loop3A_890, %parallel_loop3A_892 : vector<16xi32>
        %parallel_loop3A_894 = arith.constant 16 : i32
        %parallel_loop3A_895 = vector.broadcast %parallel_loop3A_894 : i32 to vector<16xi32>
        %parallel_loop3A_896 = arith.addi %parallel_loop3A_890, %parallel_loop3A_895 : vector<16xi32>
        %parallel_loop3A_897 = arith.select %parallel_loop3A_893, %parallel_loop3A_896, %parallel_loop3A_890 : vector<16xi1>, vector<16xi32>
        %parallel_loop3A_898 = vector.shape_cast %parallel_loop3A_897 : vector<16xi32> to vector<16x1xi32>
        %parallel_loop3A_899 = vector.shape_cast %parallel_loop3A_898 : vector<16x1xi32> to vector<16xi32>
        %parallel_loop3A_900 = tpu.dynamic_gather %get3A_40[%parallel_loop3A_899] in [0] : vector<16xf32>, vector<16xi32> -> vector<16xf32>
        %parallel_loop3A_901 = arith.constant 0 : i32
        %parallel_loop3A_902 = vector.broadcast %parallel_loop3A_901 : i32 to vector<16xi32>
        %parallel_loop3A_903 = arith.cmpi slt, %parallel_loop3A_890, %parallel_loop3A_902 : vector<16xi32>
        %parallel_loop3A_904 = arith.constant 16 : i32
        %parallel_loop3A_905 = vector.broadcast %parallel_loop3A_904 : i32 to vector<16xi32>
        %parallel_loop3A_906 = arith.addi %parallel_loop3A_890, %parallel_loop3A_905 : vector<16xi32>
        %parallel_loop3A_907 = arith.select %parallel_loop3A_903, %parallel_loop3A_906, %parallel_loop3A_890 : vector<16xi1>, vector<16xi32>
        %parallel_loop3A_908 = vector.shape_cast %parallel_loop3A_907 : vector<16xi32> to vector<16x1xi32>
        %parallel_loop3A_909 = vector.shape_cast %parallel_loop3A_908 : vector<16x1xi32> to vector<16xi32>
        %parallel_loop3A_910 = tpu.dynamic_gather %get3A_42[%parallel_loop3A_909] in [0] : vector<16xf32>, vector<16xi32> -> vector<16xf32>
        %parallel_loop3A_911 = arith.constant 2 : i32
        %parallel_loop3A_912 = arith.index_cast %rem3A_242 : i32 to index
        %parallel_loop3A_913 = arith.index_cast %parallel_loop3A_314 : i32 to index
        %parallel_loop3A_914 = arith.index_cast %parallel_loop3A_911 : i32 to index
        %parallel_loop3A_915 = arith.constant 112 : index
        %parallel_loop3A_916 = tpu.vector_load %arg7[%parallel_loop3A_912, %parallel_loop3A_913, %parallel_loop3A_914, %parallel_loop3A_915] {strides = array<i32>} : memref<3x8x8x128xf32, #tpu.memory_space<vmem>>, vector<16xf32>,
        tpu.vector_store %arg7[%parallel_loop3A_912, %parallel_loop3A_913, %parallel_loop3A_914, %parallel_loop3A_915], %parallel_loop3A_900 {strides = array<i32>} : memref<3x8x8x128xf32, #tpu.memory_space<vmem>>, vector<16xf32>,
        %parallel_loop3A_917 = arith.constant 3 : i32
        %parallel_loop3A_918 = arith.index_cast %rem3A_242 : i32 to index
        %parallel_loop3A_919 = arith.index_cast %parallel_loop3A_314 : i32 to index
        %parallel_loop3A_920 = arith.index_cast %parallel_loop3A_917 : i32 to index
        %parallel_loop3A_921 = arith.constant 112 : index
        %parallel_loop3A_922 = tpu.vector_load %arg7[%parallel_loop3A_918, %parallel_loop3A_919, %parallel_loop3A_920, %parallel_loop3A_921] {strides = array<i32>} : memref<3x8x8x128xf32, #tpu.memory_space<vmem>>, vector<16xf32>,
        tpu.vector_store %arg7[%parallel_loop3A_918, %parallel_loop3A_919, %parallel_loop3A_920, %parallel_loop3A_921], %parallel_loop3A_910 {strides = array<i32>} : memref<3x8x8x128xf32, #tpu.memory_space<vmem>>, vector<16xf32>,
        %parallel_loop3A_923 = arith.constant 2 : i32
        %parallel_loop3A_924 = arith.index_cast %scan3A_239 : i32 to index
        %parallel_loop3A_925 = arith.index_cast %parallel_loop3A_923 : i32 to index
        %parallel_loop3A_926 = arith.index_cast %parallel_loop3A_314 : i32 to index
        %parallel_loop3A_927 = arith.constant 0 : index
        %parallel_loop3A_928 = tpu.vector_load %arg6[%parallel_loop3A_924, %parallel_loop3A_925, %parallel_loop3A_926, %parallel_loop3A_927] {strides = array<i32>} : memref<25x4x8x128xi32, #tpu.memory_space<vmem>>, vector<16xi32>,
        %parallel_loop3A_929 = arith.constant 0 : i32
        %parallel_loop3A_930 = vector.broadcast %parallel_loop3A_929 : i32 to vector<16xi32>
        %parallel_loop3A_931 = arith.cmpi slt, %parallel_loop3A_928, %parallel_loop3A_930 : vector<16xi32>
        %parallel_loop3A_932 = arith.constant 16 : i32
        %parallel_loop3A_933 = vector.broadcast %parallel_loop3A_932 : i32 to vector<16xi32>
        %parallel_loop3A_934 = arith.addi %parallel_loop3A_928, %parallel_loop3A_933 : vector<16xi32>
        %parallel_loop3A_935 = arith.select %parallel_loop3A_931, %parallel_loop3A_934, %parallel_loop3A_928 : vector<16xi1>, vector<16xi32>
        %parallel_loop3A_936 = vector.shape_cast %parallel_loop3A_935 : vector<16xi32> to vector<16x1xi32>
        %parallel_loop3A_937 = vector.shape_cast %parallel_loop3A_936 : vector<16x1xi32> to vector<16xi32>
        %parallel_loop3A_938 = tpu.dynamic_gather %get3A_40[%parallel_loop3A_937] in [0] : vector<16xf32>, vector<16xi32> -> vector<16xf32>
        %parallel_loop3A_939 = arith.constant 0 : i32
        %parallel_loop3A_940 = vector.broadcast %parallel_loop3A_939 : i32 to vector<16xi32>
        %parallel_loop3A_941 = arith.cmpi slt, %parallel_loop3A_928, %parallel_loop3A_940 : vector<16xi32>
        %parallel_loop3A_942 = arith.constant 16 : i32
        %parallel_loop3A_943 = vector.broadcast %parallel_loop3A_942 : i32 to vector<16xi32>
        %parallel_loop3A_944 = arith.addi %parallel_loop3A_928, %parallel_loop3A_943 : vector<16xi32>
        %parallel_loop3A_945 = arith.select %parallel_loop3A_941, %parallel_loop3A_944, %parallel_loop3A_928 : vector<16xi1>, vector<16xi32>
        %parallel_loop3A_946 = vector.shape_cast %parallel_loop3A_945 : vector<16xi32> to vector<16x1xi32>
        %parallel_loop3A_947 = vector.shape_cast %parallel_loop3A_946 : vector<16x1xi32> to vector<16xi32>
        %parallel_loop3A_948 = tpu.dynamic_gather %get3A_42[%parallel_loop3A_947] in [0] : vector<16xf32>, vector<16xi32> -> vector<16xf32>
        %parallel_loop3A_949 = arith.constant 4 : i32
        %parallel_loop3A_950 = arith.index_cast %rem3A_242 : i32 to index
        %parallel_loop3A_951 = arith.index_cast %parallel_loop3A_314 : i32 to index
        %parallel_loop3A_952 = arith.index_cast %parallel_loop3A_949 : i32 to index
        %parallel_loop3A_953 = arith.constant 0 : index
        %parallel_loop3A_954 = tpu.vector_load %arg7[%parallel_loop3A_950, %parallel_loop3A_951, %parallel_loop3A_952, %parallel_loop3A_953] {strides = array<i32>} : memref<3x8x8x128xf32, #tpu.memory_space<vmem>>, vector<16xf32>,
        tpu.vector_store %arg7[%parallel_loop3A_950, %parallel_loop3A_951, %parallel_loop3A_952, %parallel_loop3A_953], %parallel_loop3A_938 {strides = array<i32>} : memref<3x8x8x128xf32, #tpu.memory_space<vmem>>, vector<16xf32>,
        %parallel_loop3A_955 = arith.constant 5 : i32
        %parallel_loop3A_956 = arith.index_cast %rem3A_242 : i32 to index
        %parallel_loop3A_957 = arith.index_cast %parallel_loop3A_314 : i32 to index
        %parallel_loop3A_958 = arith.index_cast %parallel_loop3A_955 : i32 to index
        %parallel_loop3A_959 = arith.constant 0 : index
        %parallel_loop3A_960 = tpu.vector_load %arg7[%parallel_loop3A_956, %parallel_loop3A_957, %parallel_loop3A_958, %parallel_loop3A_959] {strides = array<i32>} : memref<3x8x8x128xf32, #tpu.memory_space<vmem>>, vector<16xf32>,
        tpu.vector_store %arg7[%parallel_loop3A_956, %parallel_loop3A_957, %parallel_loop3A_958, %parallel_loop3A_959], %parallel_loop3A_948 {strides = array<i32>} : memref<3x8x8x128xf32, #tpu.memory_space<vmem>>, vector<16xf32>,
        %parallel_loop3A_961 = arith.constant 2 : i32
        %parallel_loop3A_962 = arith.index_cast %scan3A_239 : i32 to index
        %parallel_loop3A_963 = arith.index_cast %parallel_loop3A_961 : i32 to index
        %parallel_loop3A_964 = arith.index_cast %parallel_loop3A_314 : i32 to index
        %parallel_loop3A_965 = arith.constant 16 : index
        %parallel_loop3A_966 = tpu.vector_load %arg6[%parallel_loop3A_962, %parallel_loop3A_963, %parallel_loop3A_964, %parallel_loop3A_965] {strides = array<i32>} : memref<25x4x8x128xi32, #tpu.memory_space<vmem>>, vector<16xi32>,
        %parallel_loop3A_967 = arith.constant 0 : i32
        %parallel_loop3A_968 = vector.broadcast %parallel_loop3A_967 : i32 to vector<16xi32>
        %parallel_loop3A_969 = arith.cmpi slt, %parallel_loop3A_966, %parallel_loop3A_968 : vector<16xi32>
        %parallel_loop3A_970 = arith.constant 16 : i32
        %parallel_loop3A_971 = vector.broadcast %parallel_loop3A_970 : i32 to vector<16xi32>
        %parallel_loop3A_972 = arith.addi %parallel_loop3A_966, %parallel_loop3A_971 : vector<16xi32>
        %parallel_loop3A_973 = arith.select %parallel_loop3A_969, %parallel_loop3A_972, %parallel_loop3A_966 : vector<16xi1>, vector<16xi32>
        %parallel_loop3A_974 = vector.shape_cast %parallel_loop3A_973 : vector<16xi32> to vector<16x1xi32>
        %parallel_loop3A_975 = vector.shape_cast %parallel_loop3A_974 : vector<16x1xi32> to vector<16xi32>
        %parallel_loop3A_976 = tpu.dynamic_gather %get3A_40[%parallel_loop3A_975] in [0] : vector<16xf32>, vector<16xi32> -> vector<16xf32>
        %parallel_loop3A_977 = arith.constant 0 : i32
        %parallel_loop3A_978 = vector.broadcast %parallel_loop3A_977 : i32 to vector<16xi32>
        %parallel_loop3A_979 = arith.cmpi slt, %parallel_loop3A_966, %parallel_loop3A_978 : vector<16xi32>
        %parallel_loop3A_980 = arith.constant 16 : i32
        %parallel_loop3A_981 = vector.broadcast %parallel_loop3A_980 : i32 to vector<16xi32>
        %parallel_loop3A_982 = arith.addi %parallel_loop3A_966, %parallel_loop3A_981 : vector<16xi32>
        %parallel_loop3A_983 = arith.select %parallel_loop3A_979, %parallel_loop3A_982, %parallel_loop3A_966 : vector<16xi1>, vector<16xi32>
        %parallel_loop3A_984 = vector.shape_cast %parallel_loop3A_983 : vector<16xi32> to vector<16x1xi32>
        %parallel_loop3A_985 = vector.shape_cast %parallel_loop3A_984 : vector<16x1xi32> to vector<16xi32>
        %parallel_loop3A_986 = tpu.dynamic_gather %get3A_42[%parallel_loop3A_985] in [0] : vector<16xf32>, vector<16xi32> -> vector<16xf32>
        %parallel_loop3A_987 = arith.constant 4 : i32
        %parallel_loop3A_988 = arith.index_cast %rem3A_242 : i32 to index
        %parallel_loop3A_989 = arith.index_cast %parallel_loop3A_314 : i32 to index
        %parallel_loop3A_990 = arith.index_cast %parallel_loop3A_987 : i32 to index
        %parallel_loop3A_991 = arith.constant 16 : index
        %parallel_loop3A_992 = tpu.vector_load %arg7[%parallel_loop3A_988, %parallel_loop3A_989, %parallel_loop3A_990, %parallel_loop3A_991] {strides = array<i32>} : memref<3x8x8x128xf32, #tpu.memory_space<vmem>>, vector<16xf32>,
        tpu.vector_store %arg7[%parallel_loop3A_988, %parallel_loop3A_989, %parallel_loop3A_990, %parallel_loop3A_991], %parallel_loop3A_976 {strides = array<i32>} : memref<3x8x8x128xf32, #tpu.memory_space<vmem>>, vector<16xf32>,
        %parallel_loop3A_993 = arith.constant 5 : i32
        %parallel_loop3A_994 = arith.index_cast %rem3A_242 : i32 to index
        %parallel_loop3A_995 = arith.index_cast %parallel_loop3A_314 : i32 to index
        %parallel_loop3A_996 = arith.index_cast %parallel_loop3A_993 : i32 to index
        %parallel_loop3A_997 = arith.constant 16 : index
        %parallel_loop3A_998 = tpu.vector_load %arg7[%parallel_loop3A_994, %parallel_loop3A_995, %parallel_loop3A_996, %parallel_loop3A_997] {strides = array<i32>} : memref<3x8x8x128xf32, #tpu.memory_space<vmem>>, vector<16xf32>,
        tpu.vector_store %arg7[%parallel_loop3A_994, %parallel_loop3A_995, %parallel_loop3A_996, %parallel_loop3A_997], %parallel_loop3A_986 {strides = array<i32>} : memref<3x8x8x128xf32, #tpu.memory_space<vmem>>, vector<16xf32>,
        %parallel_loop3A_999 = arith.constant 2 : i32
        %parallel_loop3A_1000 = arith.index_cast %scan3A_239 : i32 to index
        %parallel_loop3A_1001 = arith.index_cast %parallel_loop3A_999 : i32 to index
        %parallel_loop3A_1002 = arith.index_cast %parallel_loop3A_314 : i32 to index
        %parallel_loop3A_1003 = arith.constant 32 : index
        %parallel_loop3A_1004 = tpu.vector_load %arg6[%parallel_loop3A_1000, %parallel_loop3A_1001, %parallel_loop3A_1002, %parallel_loop3A_1003] {strides = array<i32>} : memref<25x4x8x128xi32, #tpu.memory_space<vmem>>, vector<16xi32>,
        %parallel_loop3A_1005 = arith.constant 0 : i32
        %parallel_loop3A_1006 = vector.broadcast %parallel_loop3A_1005 : i32 to vector<16xi32>
        %parallel_loop3A_1007 = arith.cmpi slt, %parallel_loop3A_1004, %parallel_loop3A_1006 : vector<16xi32>
        %parallel_loop3A_1008 = arith.constant 16 : i32
        %parallel_loop3A_1009 = vector.broadcast %parallel_loop3A_1008 : i32 to vector<16xi32>
        %parallel_loop3A_1010 = arith.addi %parallel_loop3A_1004, %parallel_loop3A_1009 : vector<16xi32>
        %parallel_loop3A_1011 = arith.select %parallel_loop3A_1007, %parallel_loop3A_1010, %parallel_loop3A_1004 : vector<16xi1>, vector<16xi32>
        %parallel_loop3A_1012 = vector.shape_cast %parallel_loop3A_1011 : vector<16xi32> to vector<16x1xi32>
        %parallel_loop3A_1013 = vector.shape_cast %parallel_loop3A_1012 : vector<16x1xi32> to vector<16xi32>
        %parallel_loop3A_1014 = tpu.dynamic_gather %get3A_40[%parallel_loop3A_1013] in [0] : vector<16xf32>, vector<16xi32> -> vector<16xf32>
        %parallel_loop3A_1015 = arith.constant 0 : i32
        %parallel_loop3A_1016 = vector.broadcast %parallel_loop3A_1015 : i32 to vector<16xi32>
        %parallel_loop3A_1017 = arith.cmpi slt, %parallel_loop3A_1004, %parallel_loop3A_1016 : vector<16xi32>
        %parallel_loop3A_1018 = arith.constant 16 : i32
        %parallel_loop3A_1019 = vector.broadcast %parallel_loop3A_1018 : i32 to vector<16xi32>
        %parallel_loop3A_1020 = arith.addi %parallel_loop3A_1004, %parallel_loop3A_1019 : vector<16xi32>
        %parallel_loop3A_1021 = arith.select %parallel_loop3A_1017, %parallel_loop3A_1020, %parallel_loop3A_1004 : vector<16xi1>, vector<16xi32>
        %parallel_loop3A_1022 = vector.shape_cast %parallel_loop3A_1021 : vector<16xi32> to vector<16x1xi32>
        %parallel_loop3A_1023 = vector.shape_cast %parallel_loop3A_1022 : vector<16x1xi32> to vector<16xi32>
        %parallel_loop3A_1024 = tpu.dynamic_gather %get3A_42[%parallel_loop3A_1023] in [0] : vector<16xf32>, vector<16xi32> -> vector<16xf32>
        %parallel_loop3A_1025 = arith.constant 4 : i32
        %parallel_loop3A_1026 = arith.index_cast %rem3A_242 : i32 to index
        %parallel_loop3A_1027 = arith.index_cast %parallel_loop3A_314 : i32 to index
        %parallel_loop3A_1028 = arith.index_cast %parallel_loop3A_1025 : i32 to index
        %parallel_loop3A_1029 = arith.constant 32 : index
        %parallel_loop3A_1030 = tpu.vector_load %arg7[%parallel_loop3A_1026, %parallel_loop3A_1027, %parallel_loop3A_1028, %parallel_loop3A_1029] {strides = array<i32>} : memref<3x8x8x128xf32, #tpu.memory_space<vmem>>, vector<16xf32>,
        tpu.vector_store %arg7[%parallel_loop3A_1026, %parallel_loop3A_1027, %parallel_loop3A_1028, %parallel_loop3A_1029], %parallel_loop3A_1014 {strides = array<i32>} : memref<3x8x8x128xf32, #tpu.memory_space<vmem>>, vector<16xf32>,
        %parallel_loop3A_1031 = arith.constant 5 : i32
        %parallel_loop3A_1032 = arith.index_cast %rem3A_242 : i32 to index
        %parallel_loop3A_1033 = arith.index_cast %parallel_loop3A_314 : i32 to index
        %parallel_loop3A_1034 = arith.index_cast %parallel_loop3A_1031 : i32 to index
        %parallel_loop3A_1035 = arith.constant 32 : index
        %parallel_loop3A_1036 = tpu.vector_load %arg7[%parallel_loop3A_1032, %parallel_loop3A_1033, %parallel_loop3A_1034, %parallel_loop3A_1035] {strides = array<i32>} : memref<3x8x8x128xf32, #tpu.memory_space<vmem>>, vector<16xf32>,
        tpu.vector_store %arg7[%parallel_loop3A_1032, %parallel_loop3A_1033, %parallel_loop3A_1034, %parallel_loop3A_1035], %parallel_loop3A_1024 {strides = array<i32>} : memref<3x8x8x128xf32, #tpu.memory_space<vmem>>, vector<16xf32>,
        %parallel_loop3A_1037 = arith.constant 2 : i32
        %parallel_loop3A_1038 = arith.index_cast %scan3A_239 : i32 to index
        %parallel_loop3A_1039 = arith.index_cast %parallel_loop3A_1037 : i32 to index
        %parallel_loop3A_1040 = arith.index_cast %parallel_loop3A_314 : i32 to index
        %parallel_loop3A_1041 = arith.constant 48 : index
        %parallel_loop3A_1042 = tpu.vector_load %arg6[%parallel_loop3A_1038, %parallel_loop3A_1039, %parallel_loop3A_1040, %parallel_loop3A_1041] {strides = array<i32>} : memref<25x4x8x128xi32, #tpu.memory_space<vmem>>, vector<16xi32>,
        %parallel_loop3A_1043 = arith.constant 0 : i32
        %parallel_loop3A_1044 = vector.broadcast %parallel_loop3A_1043 : i32 to vector<16xi32>
        %parallel_loop3A_1045 = arith.cmpi slt, %parallel_loop3A_1042, %parallel_loop3A_1044 : vector<16xi32>
        %parallel_loop3A_1046 = arith.constant 16 : i32
        %parallel_loop3A_1047 = vector.broadcast %parallel_loop3A_1046 : i32 to vector<16xi32>
        %parallel_loop3A_1048 = arith.addi %parallel_loop3A_1042, %parallel_loop3A_1047 : vector<16xi32>
        %parallel_loop3A_1049 = arith.select %parallel_loop3A_1045, %parallel_loop3A_1048, %parallel_loop3A_1042 : vector<16xi1>, vector<16xi32>
        %parallel_loop3A_1050 = vector.shape_cast %parallel_loop3A_1049 : vector<16xi32> to vector<16x1xi32>
        %parallel_loop3A_1051 = vector.shape_cast %parallel_loop3A_1050 : vector<16x1xi32> to vector<16xi32>
        %parallel_loop3A_1052 = tpu.dynamic_gather %get3A_40[%parallel_loop3A_1051] in [0] : vector<16xf32>, vector<16xi32> -> vector<16xf32>
        %parallel_loop3A_1053 = arith.constant 0 : i32
        %parallel_loop3A_1054 = vector.broadcast %parallel_loop3A_1053 : i32 to vector<16xi32>
        %parallel_loop3A_1055 = arith.cmpi slt, %parallel_loop3A_1042, %parallel_loop3A_1054 : vector<16xi32>
        %parallel_loop3A_1056 = arith.constant 16 : i32
        %parallel_loop3A_1057 = vector.broadcast %parallel_loop3A_1056 : i32 to vector<16xi32>
        %parallel_loop3A_1058 = arith.addi %parallel_loop3A_1042, %parallel_loop3A_1057 : vector<16xi32>
        %parallel_loop3A_1059 = arith.select %parallel_loop3A_1055, %parallel_loop3A_1058, %parallel_loop3A_1042 : vector<16xi1>, vector<16xi32>
        %parallel_loop3A_1060 = vector.shape_cast %parallel_loop3A_1059 : vector<16xi32> to vector<16x1xi32>
        %parallel_loop3A_1061 = vector.shape_cast %parallel_loop3A_1060 : vector<16x1xi32> to vector<16xi32>
        %parallel_loop3A_1062 = tpu.dynamic_gather %get3A_42[%parallel_loop3A_1061] in [0] : vector<16xf32>, vector<16xi32> -> vector<16xf32>
        %parallel_loop3A_1063 = arith.constant 4 : i32
        %parallel_loop3A_1064 = arith.index_cast %rem3A_242 : i32 to index
        %parallel_loop3A_1065 = arith.index_cast %parallel_loop3A_314 : i32 to index
        %parallel_loop3A_1066 = arith.index_cast %parallel_loop3A_1063 : i32 to index
        %parallel_loop3A_1067 = arith.constant 48 : index
        %parallel_loop3A_1068 = tpu.vector_load %arg7[%parallel_loop3A_1064, %parallel_loop3A_1065, %parallel_loop3A_1066, %parallel_loop3A_1067] {strides = array<i32>} : memref<3x8x8x128xf32, #tpu.memory_space<vmem>>, vector<16xf32>,
        tpu.vector_store %arg7[%parallel_loop3A_1064, %parallel_loop3A_1065, %parallel_loop3A_1066, %parallel_loop3A_1067], %parallel_loop3A_1052 {strides = array<i32>} : memref<3x8x8x128xf32, #tpu.memory_space<vmem>>, vector<16xf32>,
        %parallel_loop3A_1069 = arith.constant 5 : i32
        %parallel_loop3A_1070 = arith.index_cast %rem3A_242 : i32 to index
        %parallel_loop3A_1071 = arith.index_cast %parallel_loop3A_314 : i32 to index
        %parallel_loop3A_1072 = arith.index_cast %parallel_loop3A_1069 : i32 to index
        %parallel_loop3A_1073 = arith.constant 48 : index
        %parallel_loop3A_1074 = tpu.vector_load %arg7[%parallel_loop3A_1070, %parallel_loop3A_1071, %parallel_loop3A_1072, %parallel_loop3A_1073] {strides = array<i32>} : memref<3x8x8x128xf32, #tpu.memory_space<vmem>>, vector<16xf32>,
        tpu.vector_store %arg7[%parallel_loop3A_1070, %parallel_loop3A_1071, %parallel_loop3A_1072, %parallel_loop3A_1073], %parallel_loop3A_1062 {strides = array<i32>} : memref<3x8x8x128xf32, #tpu.memory_space<vmem>>, vector<16xf32>,
        %parallel_loop3A_1075 = arith.constant 2 : i32
        %parallel_loop3A_1076 = arith.index_cast %scan3A_239 : i32 to index
        %parallel_loop3A_1077 = arith.index_cast %parallel_loop3A_1075 : i32 to index
        %parallel_loop3A_1078 = arith.index_cast %parallel_loop3A_314 : i32 to index
        %parallel_loop3A_1079 = arith.constant 64 : index
        %parallel_loop3A_1080 = tpu.vector_load %arg6[%parallel_loop3A_1076, %parallel_loop3A_1077, %parallel_loop3A_1078, %parallel_loop3A_1079] {strides = array<i32>} : memref<25x4x8x128xi32, #tpu.memory_space<vmem>>, vector<16xi32>,
        %parallel_loop3A_1081 = arith.constant 0 : i32
        %parallel_loop3A_1082 = vector.broadcast %parallel_loop3A_1081 : i32 to vector<16xi32>
        %parallel_loop3A_1083 = arith.cmpi slt, %parallel_loop3A_1080, %parallel_loop3A_1082 : vector<16xi32>
        %parallel_loop3A_1084 = arith.constant 16 : i32
        %parallel_loop3A_1085 = vector.broadcast %parallel_loop3A_1084 : i32 to vector<16xi32>
        %parallel_loop3A_1086 = arith.addi %parallel_loop3A_1080, %parallel_loop3A_1085 : vector<16xi32>
        %parallel_loop3A_1087 = arith.select %parallel_loop3A_1083, %parallel_loop3A_1086, %parallel_loop3A_1080 : vector<16xi1>, vector<16xi32>
        %parallel_loop3A_1088 = vector.shape_cast %parallel_loop3A_1087 : vector<16xi32> to vector<16x1xi32>
        %parallel_loop3A_1089 = vector.shape_cast %parallel_loop3A_1088 : vector<16x1xi32> to vector<16xi32>
        %parallel_loop3A_1090 = tpu.dynamic_gather %get3A_40[%parallel_loop3A_1089] in [0] : vector<16xf32>, vector<16xi32> -> vector<16xf32>
        %parallel_loop3A_1091 = arith.constant 0 : i32
        %parallel_loop3A_1092 = vector.broadcast %parallel_loop3A_1091 : i32 to vector<16xi32>
        %parallel_loop3A_1093 = arith.cmpi slt, %parallel_loop3A_1080, %parallel_loop3A_1092 : vector<16xi32>
        %parallel_loop3A_1094 = arith.constant 16 : i32
        %parallel_loop3A_1095 = vector.broadcast %parallel_loop3A_1094 : i32 to vector<16xi32>
        %parallel_loop3A_1096 = arith.addi %parallel_loop3A_1080, %parallel_loop3A_1095 : vector<16xi32>
        %parallel_loop3A_1097 = arith.select %parallel_loop3A_1093, %parallel_loop3A_1096, %parallel_loop3A_1080 : vector<16xi1>, vector<16xi32>
        %parallel_loop3A_1098 = vector.shape_cast %parallel_loop3A_1097 : vector<16xi32> to vector<16x1xi32>
        %parallel_loop3A_1099 = vector.shape_cast %parallel_loop3A_1098 : vector<16x1xi32> to vector<16xi32>
        %parallel_loop3A_1100 = tpu.dynamic_gather %get3A_42[%parallel_loop3A_1099] in [0] : vector<16xf32>, vector<16xi32> -> vector<16xf32>
        %parallel_loop3A_1101 = arith.constant 4 : i32
        %parallel_loop3A_1102 = arith.index_cast %rem3A_242 : i32 to index
        %parallel_loop3A_1103 = arith.index_cast %parallel_loop3A_314 : i32 to index
        %parallel_loop3A_1104 = arith.index_cast %parallel_loop3A_1101 : i32 to index
        %parallel_loop3A_1105 = arith.constant 64 : index
        %parallel_loop3A_1106 = tpu.vector_load %arg7[%parallel_loop3A_1102, %parallel_loop3A_1103, %parallel_loop3A_1104, %parallel_loop3A_1105] {strides = array<i32>} : memref<3x8x8x128xf32, #tpu.memory_space<vmem>>, vector<16xf32>,
        tpu.vector_store %arg7[%parallel_loop3A_1102, %parallel_loop3A_1103, %parallel_loop3A_1104, %parallel_loop3A_1105], %parallel_loop3A_1090 {strides = array<i32>} : memref<3x8x8x128xf32, #tpu.memory_space<vmem>>, vector<16xf32>,
        %parallel_loop3A_1107 = arith.constant 5 : i32
        %parallel_loop3A_1108 = arith.index_cast %rem3A_242 : i32 to index
        %parallel_loop3A_1109 = arith.index_cast %parallel_loop3A_314 : i32 to index
        %parallel_loop3A_1110 = arith.index_cast %parallel_loop3A_1107 : i32 to index
        %parallel_loop3A_1111 = arith.constant 64 : index
        %parallel_loop3A_1112 = tpu.vector_load %arg7[%parallel_loop3A_1108, %parallel_loop3A_1109, %parallel_loop3A_1110, %parallel_loop3A_1111] {strides = array<i32>} : memref<3x8x8x128xf32, #tpu.memory_space<vmem>>, vector<16xf32>,
        tpu.vector_store %arg7[%parallel_loop3A_1108, %parallel_loop3A_1109, %parallel_loop3A_1110, %parallel_loop3A_1111], %parallel_loop3A_1100 {strides = array<i32>} : memref<3x8x8x128xf32, #tpu.memory_space<vmem>>, vector<16xf32>,
        %parallel_loop3A_1113 = arith.constant 2 : i32
        %parallel_loop3A_1114 = arith.index_cast %scan3A_239 : i32 to index
        %parallel_loop3A_1115 = arith.index_cast %parallel_loop3A_1113 : i32 to index
        %parallel_loop3A_1116 = arith.index_cast %parallel_loop3A_314 : i32 to index
        %parallel_loop3A_1117 = arith.constant 80 : index
        %parallel_loop3A_1118 = tpu.vector_load %arg6[%parallel_loop3A_1114, %parallel_loop3A_1115, %parallel_loop3A_1116, %parallel_loop3A_1117] {strides = array<i32>} : memref<25x4x8x128xi32, #tpu.memory_space<vmem>>, vector<16xi32>,
        %parallel_loop3A_1119 = arith.constant 0 : i32
        %parallel_loop3A_1120 = vector.broadcast %parallel_loop3A_1119 : i32 to vector<16xi32>
        %parallel_loop3A_1121 = arith.cmpi slt, %parallel_loop3A_1118, %parallel_loop3A_1120 : vector<16xi32>
        %parallel_loop3A_1122 = arith.constant 16 : i32
        %parallel_loop3A_1123 = vector.broadcast %parallel_loop3A_1122 : i32 to vector<16xi32>
        %parallel_loop3A_1124 = arith.addi %parallel_loop3A_1118, %parallel_loop3A_1123 : vector<16xi32>
        %parallel_loop3A_1125 = arith.select %parallel_loop3A_1121, %parallel_loop3A_1124, %parallel_loop3A_1118 : vector<16xi1>, vector<16xi32>
        %parallel_loop3A_1126 = vector.shape_cast %parallel_loop3A_1125 : vector<16xi32> to vector<16x1xi32>
        %parallel_loop3A_1127 = vector.shape_cast %parallel_loop3A_1126 : vector<16x1xi32> to vector<16xi32>
        %parallel_loop3A_1128 = tpu.dynamic_gather %get3A_40[%parallel_loop3A_1127] in [0] : vector<16xf32>, vector<16xi32> -> vector<16xf32>
        %parallel_loop3A_1129 = arith.constant 0 : i32
        %parallel_loop3A_1130 = vector.broadcast %parallel_loop3A_1129 : i32 to vector<16xi32>
        %parallel_loop3A_1131 = arith.cmpi slt, %parallel_loop3A_1118, %parallel_loop3A_1130 : vector<16xi32>
        %parallel_loop3A_1132 = arith.constant 16 : i32
        %parallel_loop3A_1133 = vector.broadcast %parallel_loop3A_1132 : i32 to vector<16xi32>
        %parallel_loop3A_1134 = arith.addi %parallel_loop3A_1118, %parallel_loop3A_1133 : vector<16xi32>
        %parallel_loop3A_1135 = arith.select %parallel_loop3A_1131, %parallel_loop3A_1134, %parallel_loop3A_1118 : vector<16xi1>, vector<16xi32>
        %parallel_loop3A_1136 = vector.shape_cast %parallel_loop3A_1135 : vector<16xi32> to vector<16x1xi32>
        %parallel_loop3A_1137 = vector.shape_cast %parallel_loop3A_1136 : vector<16x1xi32> to vector<16xi32>
        %parallel_loop3A_1138 = tpu.dynamic_gather %get3A_42[%parallel_loop3A_1137] in [0] : vector<16xf32>, vector<16xi32> -> vector<16xf32>
        %parallel_loop3A_1139 = arith.constant 4 : i32
        %parallel_loop3A_1140 = arith.index_cast %rem3A_242 : i32 to index
        %parallel_loop3A_1141 = arith.index_cast %parallel_loop3A_314 : i32 to index
        %parallel_loop3A_1142 = arith.index_cast %parallel_loop3A_1139 : i32 to index
        %parallel_loop3A_1143 = arith.constant 80 : index
        %parallel_loop3A_1144 = tpu.vector_load %arg7[%parallel_loop3A_1140, %parallel_loop3A_1141, %parallel_loop3A_1142, %parallel_loop3A_1143] {strides = array<i32>} : memref<3x8x8x128xf32, #tpu.memory_space<vmem>>, vector<16xf32>,
        tpu.vector_store %arg7[%parallel_loop3A_1140, %parallel_loop3A_1141, %parallel_loop3A_1142, %parallel_loop3A_1143], %parallel_loop3A_1128 {strides = array<i32>} : memref<3x8x8x128xf32, #tpu.memory_space<vmem>>, vector<16xf32>,
        %parallel_loop3A_1145 = arith.constant 5 : i32
        %parallel_loop3A_1146 = arith.index_cast %rem3A_242 : i32 to index
        %parallel_loop3A_1147 = arith.index_cast %parallel_loop3A_314 : i32 to index
        %parallel_loop3A_1148 = arith.index_cast %parallel_loop3A_1145 : i32 to index
        %parallel_loop3A_1149 = arith.constant 80 : index
        %parallel_loop3A_1150 = tpu.vector_load %arg7[%parallel_loop3A_1146, %parallel_loop3A_1147, %parallel_loop3A_1148, %parallel_loop3A_1149] {strides = array<i32>} : memref<3x8x8x128xf32, #tpu.memory_space<vmem>>, vector<16xf32>,
        tpu.vector_store %arg7[%parallel_loop3A_1146, %parallel_loop3A_1147, %parallel_loop3A_1148, %parallel_loop3A_1149], %parallel_loop3A_1138 {strides = array<i32>} : memref<3x8x8x128xf32, #tpu.memory_space<vmem>>, vector<16xf32>,
        %parallel_loop3A_1151 = arith.constant 2 : i32
        %parallel_loop3A_1152 = arith.index_cast %scan3A_239 : i32 to index
        %parallel_loop3A_1153 = arith.index_cast %parallel_loop3A_1151 : i32 to index
        %parallel_loop3A_1154 = arith.index_cast %parallel_loop3A_314 : i32 to index
        %parallel_loop3A_1155 = arith.constant 96 : index
        %parallel_loop3A_1156 = tpu.vector_load %arg6[%parallel_loop3A_1152, %parallel_loop3A_1153, %parallel_loop3A_1154, %parallel_loop3A_1155] {strides = array<i32>} : memref<25x4x8x128xi32, #tpu.memory_space<vmem>>, vector<16xi32>,
        %parallel_loop3A_1157 = arith.constant 0 : i32
        %parallel_loop3A_1158 = vector.broadcast %parallel_loop3A_1157 : i32 to vector<16xi32>
        %parallel_loop3A_1159 = arith.cmpi slt, %parallel_loop3A_1156, %parallel_loop3A_1158 : vector<16xi32>
        %parallel_loop3A_1160 = arith.constant 16 : i32
        %parallel_loop3A_1161 = vector.broadcast %parallel_loop3A_1160 : i32 to vector<16xi32>
        %parallel_loop3A_1162 = arith.addi %parallel_loop3A_1156, %parallel_loop3A_1161 : vector<16xi32>
        %parallel_loop3A_1163 = arith.select %parallel_loop3A_1159, %parallel_loop3A_1162, %parallel_loop3A_1156 : vector<16xi1>, vector<16xi32>
        %parallel_loop3A_1164 = vector.shape_cast %parallel_loop3A_1163 : vector<16xi32> to vector<16x1xi32>
        %parallel_loop3A_1165 = vector.shape_cast %parallel_loop3A_1164 : vector<16x1xi32> to vector<16xi32>
        %parallel_loop3A_1166 = tpu.dynamic_gather %get3A_40[%parallel_loop3A_1165] in [0] : vector<16xf32>, vector<16xi32> -> vector<16xf32>
        %parallel_loop3A_1167 = arith.constant 0 : i32
        %parallel_loop3A_1168 = vector.broadcast %parallel_loop3A_1167 : i32 to vector<16xi32>
        %parallel_loop3A_1169 = arith.cmpi slt, %parallel_loop3A_1156, %parallel_loop3A_1168 : vector<16xi32>
        %parallel_loop3A_1170 = arith.constant 16 : i32
        %parallel_loop3A_1171 = vector.broadcast %parallel_loop3A_1170 : i32 to vector<16xi32>
        %parallel_loop3A_1172 = arith.addi %parallel_loop3A_1156, %parallel_loop3A_1171 : vector<16xi32>
        %parallel_loop3A_1173 = arith.select %parallel_loop3A_1169, %parallel_loop3A_1172, %parallel_loop3A_1156 : vector<16xi1>, vector<16xi32>
        %parallel_loop3A_1174 = vector.shape_cast %parallel_loop3A_1173 : vector<16xi32> to vector<16x1xi32>
        %parallel_loop3A_1175 = vector.shape_cast %parallel_loop3A_1174 : vector<16x1xi32> to vector<16xi32>
        %parallel_loop3A_1176 = tpu.dynamic_gather %get3A_42[%parallel_loop3A_1175] in [0] : vector<16xf32>, vector<16xi32> -> vector<16xf32>
        %parallel_loop3A_1177 = arith.constant 4 : i32
        %parallel_loop3A_1178 = arith.index_cast %rem3A_242 : i32 to index
        %parallel_loop3A_1179 = arith.index_cast %parallel_loop3A_314 : i32 to index
        %parallel_loop3A_1180 = arith.index_cast %parallel_loop3A_1177 : i32 to index
        %parallel_loop3A_1181 = arith.constant 96 : index
        %parallel_loop3A_1182 = tpu.vector_load %arg7[%parallel_loop3A_1178, %parallel_loop3A_1179, %parallel_loop3A_1180, %parallel_loop3A_1181] {strides = array<i32>} : memref<3x8x8x128xf32, #tpu.memory_space<vmem>>, vector<16xf32>,
        tpu.vector_store %arg7[%parallel_loop3A_1178, %parallel_loop3A_1179, %parallel_loop3A_1180, %parallel_loop3A_1181], %parallel_loop3A_1166 {strides = array<i32>} : memref<3x8x8x128xf32, #tpu.memory_space<vmem>>, vector<16xf32>,
        %parallel_loop3A_1183 = arith.constant 5 : i32
        %parallel_loop3A_1184 = arith.index_cast %rem3A_242 : i32 to index
        %parallel_loop3A_1185 = arith.index_cast %parallel_loop3A_314 : i32 to index
        %parallel_loop3A_1186 = arith.index_cast %parallel_loop3A_1183 : i32 to index
        %parallel_loop3A_1187 = arith.constant 96 : index
        %parallel_loop3A_1188 = tpu.vector_load %arg7[%parallel_loop3A_1184, %parallel_loop3A_1185, %parallel_loop3A_1186, %parallel_loop3A_1187] {strides = array<i32>} : memref<3x8x8x128xf32, #tpu.memory_space<vmem>>, vector<16xf32>,
        tpu.vector_store %arg7[%parallel_loop3A_1184, %parallel_loop3A_1185, %parallel_loop3A_1186, %parallel_loop3A_1187], %parallel_loop3A_1176 {strides = array<i32>} : memref<3x8x8x128xf32, #tpu.memory_space<vmem>>, vector<16xf32>,
        %parallel_loop3A_1189 = arith.constant 2 : i32
        %parallel_loop3A_1190 = arith.index_cast %scan3A_239 : i32 to index
        %parallel_loop3A_1191 = arith.index_cast %parallel_loop3A_1189 : i32 to index
        %parallel_loop3A_1192 = arith.index_cast %parallel_loop3A_314 : i32 to index
        %parallel_loop3A_1193 = arith.constant 112 : index
        %parallel_loop3A_1194 = tpu.vector_load %arg6[%parallel_loop3A_1190, %parallel_loop3A_1191, %parallel_loop3A_1192, %parallel_loop3A_1193] {strides = array<i32>} : memref<25x4x8x128xi32, #tpu.memory_space<vmem>>, vector<16xi32>,
        %parallel_loop3A_1195 = arith.constant 0 : i32
        %parallel_loop3A_1196 = vector.broadcast %parallel_loop3A_1195 : i32 to vector<16xi32>
        %parallel_loop3A_1197 = arith.cmpi slt, %parallel_loop3A_1194, %parallel_loop3A_1196 : vector<16xi32>
        %parallel_loop3A_1198 = arith.constant 16 : i32
        %parallel_loop3A_1199 = vector.broadcast %parallel_loop3A_1198 : i32 to vector<16xi32>
        %parallel_loop3A_1200 = arith.addi %parallel_loop3A_1194, %parallel_loop3A_1199 : vector<16xi32>
        %parallel_loop3A_1201 = arith.select %parallel_loop3A_1197, %parallel_loop3A_1200, %parallel_loop3A_1194 : vector<16xi1>, vector<16xi32>
        %parallel_loop3A_1202 = vector.shape_cast %parallel_loop3A_1201 : vector<16xi32> to vector<16x1xi32>
        %parallel_loop3A_1203 = vector.shape_cast %parallel_loop3A_1202 : vector<16x1xi32> to vector<16xi32>
        %parallel_loop3A_1204 = tpu.dynamic_gather %get3A_40[%parallel_loop3A_1203] in [0] : vector<16xf32>, vector<16xi32> -> vector<16xf32>
        %parallel_loop3A_1205 = arith.constant 0 : i32
        %parallel_loop3A_1206 = vector.broadcast %parallel_loop3A_1205 : i32 to vector<16xi32>
        %parallel_loop3A_1207 = arith.cmpi slt, %parallel_loop3A_1194, %parallel_loop3A_1206 : vector<16xi32>
        %parallel_loop3A_1208 = arith.constant 16 : i32
        %parallel_loop3A_1209 = vector.broadcast %parallel_loop3A_1208 : i32 to vector<16xi32>
        %parallel_loop3A_1210 = arith.addi %parallel_loop3A_1194, %parallel_loop3A_1209 : vector<16xi32>
        %parallel_loop3A_1211 = arith.select %parallel_loop3A_1207, %parallel_loop3A_1210, %parallel_loop3A_1194 : vector<16xi1>, vector<16xi32>
        %parallel_loop3A_1212 = vector.shape_cast %parallel_loop3A_1211 : vector<16xi32> to vector<16x1xi32>
        %parallel_loop3A_1213 = vector.shape_cast %parallel_loop3A_1212 : vector<16x1xi32> to vector<16xi32>
        %parallel_loop3A_1214 = tpu.dynamic_gather %get3A_42[%parallel_loop3A_1213] in [0] : vector<16xf32>, vector<16xi32> -> vector<16xf32>
        %parallel_loop3A_1215 = arith.constant 4 : i32
        %parallel_loop3A_1216 = arith.index_cast %rem3A_242 : i32 to index
        %parallel_loop3A_1217 = arith.index_cast %parallel_loop3A_314 : i32 to index
        %parallel_loop3A_1218 = arith.index_cast %parallel_loop3A_1215 : i32 to index
        %parallel_loop3A_1219 = arith.constant 112 : index
        %parallel_loop3A_1220 = tpu.vector_load %arg7[%parallel_loop3A_1216, %parallel_loop3A_1217, %parallel_loop3A_1218, %parallel_loop3A_1219] {strides = array<i32>} : memref<3x8x8x128xf32, #tpu.memory_space<vmem>>, vector<16xf32>,
        tpu.vector_store %arg7[%parallel_loop3A_1216, %parallel_loop3A_1217, %parallel_loop3A_1218, %parallel_loop3A_1219], %parallel_loop3A_1204 {strides = array<i32>} : memref<3x8x8x128xf32, #tpu.memory_space<vmem>>, vector<16xf32>,
        %parallel_loop3A_1221 = arith.constant 5 : i32
        %parallel_loop3A_1222 = arith.index_cast %rem3A_242 : i32 to index
        %parallel_loop3A_1223 = arith.index_cast %parallel_loop3A_314 : i32 to index
        %parallel_loop3A_1224 = arith.index_cast %parallel_loop3A_1221 : i32 to index
        %parallel_loop3A_1225 = arith.constant 112 : index
        %parallel_loop3A_1226 = tpu.vector_load %arg7[%parallel_loop3A_1222, %parallel_loop3A_1223, %parallel_loop3A_1224, %parallel_loop3A_1225] {strides = array<i32>} : memref<3x8x8x128xf32, #tpu.memory_space<vmem>>, vector<16xf32>,
        tpu.vector_store %arg7[%parallel_loop3A_1222, %parallel_loop3A_1223, %parallel_loop3A_1224, %parallel_loop3A_1225], %parallel_loop3A_1214 {strides = array<i32>} : memref<3x8x8x128xf32, #tpu.memory_space<vmem>>, vector<16xf32>,
        %parallel_loop3A_1227 = arith.constant 3 : i32
        %parallel_loop3A_1228 = arith.index_cast %scan3A_239 : i32 to index
        %parallel_loop3A_1229 = arith.index_cast %parallel_loop3A_1227 : i32 to index
        %parallel_loop3A_1230 = arith.index_cast %parallel_loop3A_314 : i32 to index
        %parallel_loop3A_1231 = arith.constant 0 : index
        %parallel_loop3A_1232 = tpu.vector_load %arg6[%parallel_loop3A_1228, %parallel_loop3A_1229, %parallel_loop3A_1230, %parallel_loop3A_1231] {strides = array<i32>} : memref<25x4x8x128xi32, #tpu.memory_space<vmem>>, vector<16xi32>,
        %parallel_loop3A_1233 = arith.constant 0 : i32
        %parallel_loop3A_1234 = vector.broadcast %parallel_loop3A_1233 : i32 to vector<16xi32>
        %parallel_loop3A_1235 = arith.cmpi slt, %parallel_loop3A_1232, %parallel_loop3A_1234 : vector<16xi32>
        %parallel_loop3A_1236 = arith.constant 16 : i32
        %parallel_loop3A_1237 = vector.broadcast %parallel_loop3A_1236 : i32 to vector<16xi32>
        %parallel_loop3A_1238 = arith.addi %parallel_loop3A_1232, %parallel_loop3A_1237 : vector<16xi32>
        %parallel_loop3A_1239 = arith.select %parallel_loop3A_1235, %parallel_loop3A_1238, %parallel_loop3A_1232 : vector<16xi1>, vector<16xi32>
        %parallel_loop3A_1240 = vector.shape_cast %parallel_loop3A_1239 : vector<16xi32> to vector<16x1xi32>
        %parallel_loop3A_1241 = vector.shape_cast %parallel_loop3A_1240 : vector<16x1xi32> to vector<16xi32>
        %parallel_loop3A_1242 = tpu.dynamic_gather %get3A_40[%parallel_loop3A_1241] in [0] : vector<16xf32>, vector<16xi32> -> vector<16xf32>
        %parallel_loop3A_1243 = arith.constant 0 : i32
        %parallel_loop3A_1244 = vector.broadcast %parallel_loop3A_1243 : i32 to vector<16xi32>
        %parallel_loop3A_1245 = arith.cmpi slt, %parallel_loop3A_1232, %parallel_loop3A_1244 : vector<16xi32>
        %parallel_loop3A_1246 = arith.constant 16 : i32
        %parallel_loop3A_1247 = vector.broadcast %parallel_loop3A_1246 : i32 to vector<16xi32>
        %parallel_loop3A_1248 = arith.addi %parallel_loop3A_1232, %parallel_loop3A_1247 : vector<16xi32>
        %parallel_loop3A_1249 = arith.select %parallel_loop3A_1245, %parallel_loop3A_1248, %parallel_loop3A_1232 : vector<16xi1>, vector<16xi32>
        %parallel_loop3A_1250 = vector.shape_cast %parallel_loop3A_1249 : vector<16xi32> to vector<16x1xi32>
        %parallel_loop3A_1251 = vector.shape_cast %parallel_loop3A_1250 : vector<16x1xi32> to vector<16xi32>
        %parallel_loop3A_1252 = tpu.dynamic_gather %get3A_42[%parallel_loop3A_1251] in [0] : vector<16xf32>, vector<16xi32> -> vector<16xf32>
        %parallel_loop3A_1253 = arith.constant 6 : i32
        %parallel_loop3A_1254 = arith.index_cast %rem3A_242 : i32 to index
        %parallel_loop3A_1255 = arith.index_cast %parallel_loop3A_314 : i32 to index
        %parallel_loop3A_1256 = arith.index_cast %parallel_loop3A_1253 : i32 to index
        %parallel_loop3A_1257 = arith.constant 0 : index
        %parallel_loop3A_1258 = tpu.vector_load %arg7[%parallel_loop3A_1254, %parallel_loop3A_1255, %parallel_loop3A_1256, %parallel_loop3A_1257] {strides = array<i32>} : memref<3x8x8x128xf32, #tpu.memory_space<vmem>>, vector<16xf32>,
        tpu.vector_store %arg7[%parallel_loop3A_1254, %parallel_loop3A_1255, %parallel_loop3A_1256, %parallel_loop3A_1257], %parallel_loop3A_1242 {strides = array<i32>} : memref<3x8x8x128xf32, #tpu.memory_space<vmem>>, vector<16xf32>,
        %parallel_loop3A_1259 = arith.constant 7 : i32
        %parallel_loop3A_1260 = arith.index_cast %rem3A_242 : i32 to index
        %parallel_loop3A_1261 = arith.index_cast %parallel_loop3A_314 : i32 to index
        %parallel_loop3A_1262 = arith.index_cast %parallel_loop3A_1259 : i32 to index
        %parallel_loop3A_1263 = arith.constant 0 : index
        %parallel_loop3A_1264 = tpu.vector_load %arg7[%parallel_loop3A_1260, %parallel_loop3A_1261, %parallel_loop3A_1262, %parallel_loop3A_1263] {strides = array<i32>} : memref<3x8x8x128xf32, #tpu.memory_space<vmem>>, vector<16xf32>,
        tpu.vector_store %arg7[%parallel_loop3A_1260, %parallel_loop3A_1261, %parallel_loop3A_1262, %parallel_loop3A_1263], %parallel_loop3A_1252 {strides = array<i32>} : memref<3x8x8x128xf32, #tpu.memory_space<vmem>>, vector<16xf32>,
        %parallel_loop3A_1265 = arith.constant 3 : i32
        %parallel_loop3A_1266 = arith.index_cast %scan3A_239 : i32 to index
        %parallel_loop3A_1267 = arith.index_cast %parallel_loop3A_1265 : i32 to index
        %parallel_loop3A_1268 = arith.index_cast %parallel_loop3A_314 : i32 to index
        %parallel_loop3A_1269 = arith.constant 16 : index
        %parallel_loop3A_1270 = tpu.vector_load %arg6[%parallel_loop3A_1266, %parallel_loop3A_1267, %parallel_loop3A_1268, %parallel_loop3A_1269] {strides = array<i32>} : memref<25x4x8x128xi32, #tpu.memory_space<vmem>>, vector<16xi32>,
        %parallel_loop3A_1271 = arith.constant 0 : i32
        %parallel_loop3A_1272 = vector.broadcast %parallel_loop3A_1271 : i32 to vector<16xi32>
        %parallel_loop3A_1273 = arith.cmpi slt, %parallel_loop3A_1270, %parallel_loop3A_1272 : vector<16xi32>
        %parallel_loop3A_1274 = arith.constant 16 : i32
        %parallel_loop3A_1275 = vector.broadcast %parallel_loop3A_1274 : i32 to vector<16xi32>
        %parallel_loop3A_1276 = arith.addi %parallel_loop3A_1270, %parallel_loop3A_1275 : vector<16xi32>
        %parallel_loop3A_1277 = arith.select %parallel_loop3A_1273, %parallel_loop3A_1276, %parallel_loop3A_1270 : vector<16xi1>, vector<16xi32>
        %parallel_loop3A_1278 = vector.shape_cast %parallel_loop3A_1277 : vector<16xi32> to vector<16x1xi32>
        %parallel_loop3A_1279 = vector.shape_cast %parallel_loop3A_1278 : vector<16x1xi32> to vector<16xi32>
        %parallel_loop3A_1280 = tpu.dynamic_gather %get3A_40[%parallel_loop3A_1279] in [0] : vector<16xf32>, vector<16xi32> -> vector<16xf32>
        %parallel_loop3A_1281 = arith.constant 0 : i32
        %parallel_loop3A_1282 = vector.broadcast %parallel_loop3A_1281 : i32 to vector<16xi32>
        %parallel_loop3A_1283 = arith.cmpi slt, %parallel_loop3A_1270, %parallel_loop3A_1282 : vector<16xi32>
        %parallel_loop3A_1284 = arith.constant 16 : i32
        %parallel_loop3A_1285 = vector.broadcast %parallel_loop3A_1284 : i32 to vector<16xi32>
        %parallel_loop3A_1286 = arith.addi %parallel_loop3A_1270, %parallel_loop3A_1285 : vector<16xi32>
        %parallel_loop3A_1287 = arith.select %parallel_loop3A_1283, %parallel_loop3A_1286, %parallel_loop3A_1270 : vector<16xi1>, vector<16xi32>
        %parallel_loop3A_1288 = vector.shape_cast %parallel_loop3A_1287 : vector<16xi32> to vector<16x1xi32>
        %parallel_loop3A_1289 = vector.shape_cast %parallel_loop3A_1288 : vector<16x1xi32> to vector<16xi32>
        %parallel_loop3A_1290 = tpu.dynamic_gather %get3A_42[%parallel_loop3A_1289] in [0] : vector<16xf32>, vector<16xi32> -> vector<16xf32>
        %parallel_loop3A_1291 = arith.constant 6 : i32
        %parallel_loop3A_1292 = arith.index_cast %rem3A_242 : i32 to index
        %parallel_loop3A_1293 = arith.index_cast %parallel_loop3A_314 : i32 to index
        %parallel_loop3A_1294 = arith.index_cast %parallel_loop3A_1291 : i32 to index
        %parallel_loop3A_1295 = arith.constant 16 : index
        %parallel_loop3A_1296 = tpu.vector_load %arg7[%parallel_loop3A_1292, %parallel_loop3A_1293, %parallel_loop3A_1294, %parallel_loop3A_1295] {strides = array<i32>} : memref<3x8x8x128xf32, #tpu.memory_space<vmem>>, vector<16xf32>,
        tpu.vector_store %arg7[%parallel_loop3A_1292, %parallel_loop3A_1293, %parallel_loop3A_1294, %parallel_loop3A_1295], %parallel_loop3A_1280 {strides = array<i32>} : memref<3x8x8x128xf32, #tpu.memory_space<vmem>>, vector<16xf32>,
        %parallel_loop3A_1297 = arith.constant 7 : i32
        %parallel_loop3A_1298 = arith.index_cast %rem3A_242 : i32 to index
        %parallel_loop3A_1299 = arith.index_cast %parallel_loop3A_314 : i32 to index
        %parallel_loop3A_1300 = arith.index_cast %parallel_loop3A_1297 : i32 to index
        %parallel_loop3A_1301 = arith.constant 16 : index
        %parallel_loop3A_1302 = tpu.vector_load %arg7[%parallel_loop3A_1298, %parallel_loop3A_1299, %parallel_loop3A_1300, %parallel_loop3A_1301] {strides = array<i32>} : memref<3x8x8x128xf32, #tpu.memory_space<vmem>>, vector<16xf32>,
        tpu.vector_store %arg7[%parallel_loop3A_1298, %parallel_loop3A_1299, %parallel_loop3A_1300, %parallel_loop3A_1301], %parallel_loop3A_1290 {strides = array<i32>} : memref<3x8x8x128xf32, #tpu.memory_space<vmem>>, vector<16xf32>,
        %parallel_loop3A_1303 = arith.constant 3 : i32
        %parallel_loop3A_1304 = arith.index_cast %scan3A_239 : i32 to index
        %parallel_loop3A_1305 = arith.index_cast %parallel_loop3A_1303 : i32 to index
        %parallel_loop3A_1306 = arith.index_cast %parallel_loop3A_314 : i32 to index
        %parallel_loop3A_1307 = arith.constant 32 : index
        %parallel_loop3A_1308 = tpu.vector_load %arg6[%parallel_loop3A_1304, %parallel_loop3A_1305, %parallel_loop3A_1306, %parallel_loop3A_1307] {strides = array<i32>} : memref<25x4x8x128xi32, #tpu.memory_space<vmem>>, vector<16xi32>,
        %parallel_loop3A_1309 = arith.constant 0 : i32
        %parallel_loop3A_1310 = vector.broadcast %parallel_loop3A_1309 : i32 to vector<16xi32>
        %parallel_loop3A_1311 = arith.cmpi slt, %parallel_loop3A_1308, %parallel_loop3A_1310 : vector<16xi32>
        %parallel_loop3A_1312 = arith.constant 16 : i32
        %parallel_loop3A_1313 = vector.broadcast %parallel_loop3A_1312 : i32 to vector<16xi32>
        %parallel_loop3A_1314 = arith.addi %parallel_loop3A_1308, %parallel_loop3A_1313 : vector<16xi32>
        %parallel_loop3A_1315 = arith.select %parallel_loop3A_1311, %parallel_loop3A_1314, %parallel_loop3A_1308 : vector<16xi1>, vector<16xi32>
        %parallel_loop3A_1316 = vector.shape_cast %parallel_loop3A_1315 : vector<16xi32> to vector<16x1xi32>
        %parallel_loop3A_1317 = vector.shape_cast %parallel_loop3A_1316 : vector<16x1xi32> to vector<16xi32>
        %parallel_loop3A_1318 = tpu.dynamic_gather %get3A_40[%parallel_loop3A_1317] in [0] : vector<16xf32>, vector<16xi32> -> vector<16xf32>
        %parallel_loop3A_1319 = arith.constant 0 : i32
        %parallel_loop3A_1320 = vector.broadcast %parallel_loop3A_1319 : i32 to vector<16xi32>
        %parallel_loop3A_1321 = arith.cmpi slt, %parallel_loop3A_1308, %parallel_loop3A_1320 : vector<16xi32>
        %parallel_loop3A_1322 = arith.constant 16 : i32
        %parallel_loop3A_1323 = vector.broadcast %parallel_loop3A_1322 : i32 to vector<16xi32>
        %parallel_loop3A_1324 = arith.addi %parallel_loop3A_1308, %parallel_loop3A_1323 : vector<16xi32>
        %parallel_loop3A_1325 = arith.select %parallel_loop3A_1321, %parallel_loop3A_1324, %parallel_loop3A_1308 : vector<16xi1>, vector<16xi32>
        %parallel_loop3A_1326 = vector.shape_cast %parallel_loop3A_1325 : vector<16xi32> to vector<16x1xi32>
        %parallel_loop3A_1327 = vector.shape_cast %parallel_loop3A_1326 : vector<16x1xi32> to vector<16xi32>
        %parallel_loop3A_1328 = tpu.dynamic_gather %get3A_42[%parallel_loop3A_1327] in [0] : vector<16xf32>, vector<16xi32> -> vector<16xf32>
        %parallel_loop3A_1329 = arith.constant 6 : i32
        %parallel_loop3A_1330 = arith.index_cast %rem3A_242 : i32 to index
        %parallel_loop3A_1331 = arith.index_cast %parallel_loop3A_314 : i32 to index
        %parallel_loop3A_1332 = arith.index_cast %parallel_loop3A_1329 : i32 to index
        %parallel_loop3A_1333 = arith.constant 32 : index
        %parallel_loop3A_1334 = tpu.vector_load %arg7[%parallel_loop3A_1330, %parallel_loop3A_1331, %parallel_loop3A_1332, %parallel_loop3A_1333] {strides = array<i32>} : memref<3x8x8x128xf32, #tpu.memory_space<vmem>>, vector<16xf32>,
        tpu.vector_store %arg7[%parallel_loop3A_1330, %parallel_loop3A_1331, %parallel_loop3A_1332, %parallel_loop3A_1333], %parallel_loop3A_1318 {strides = array<i32>} : memref<3x8x8x128xf32, #tpu.memory_space<vmem>>, vector<16xf32>,
        %parallel_loop3A_1335 = arith.constant 7 : i32
        %parallel_loop3A_1336 = arith.index_cast %rem3A_242 : i32 to index
        %parallel_loop3A_1337 = arith.index_cast %parallel_loop3A_314 : i32 to index
        %parallel_loop3A_1338 = arith.index_cast %parallel_loop3A_1335 : i32 to index
        %parallel_loop3A_1339 = arith.constant 32 : index
        %parallel_loop3A_1340 = tpu.vector_load %arg7[%parallel_loop3A_1336, %parallel_loop3A_1337, %parallel_loop3A_1338, %parallel_loop3A_1339] {strides = array<i32>} : memref<3x8x8x128xf32, #tpu.memory_space<vmem>>, vector<16xf32>,
        tpu.vector_store %arg7[%parallel_loop3A_1336, %parallel_loop3A_1337, %parallel_loop3A_1338, %parallel_loop3A_1339], %parallel_loop3A_1328 {strides = array<i32>} : memref<3x8x8x128xf32, #tpu.memory_space<vmem>>, vector<16xf32>,
        %parallel_loop3A_1341 = arith.constant 3 : i32
        %parallel_loop3A_1342 = arith.index_cast %scan3A_239 : i32 to index
        %parallel_loop3A_1343 = arith.index_cast %parallel_loop3A_1341 : i32 to index
        %parallel_loop3A_1344 = arith.index_cast %parallel_loop3A_314 : i32 to index
        %parallel_loop3A_1345 = arith.constant 48 : index
        %parallel_loop3A_1346 = tpu.vector_load %arg6[%parallel_loop3A_1342, %parallel_loop3A_1343, %parallel_loop3A_1344, %parallel_loop3A_1345] {strides = array<i32>} : memref<25x4x8x128xi32, #tpu.memory_space<vmem>>, vector<16xi32>,
        %parallel_loop3A_1347 = arith.constant 0 : i32
        %parallel_loop3A_1348 = vector.broadcast %parallel_loop3A_1347 : i32 to vector<16xi32>
        %parallel_loop3A_1349 = arith.cmpi slt, %parallel_loop3A_1346, %parallel_loop3A_1348 : vector<16xi32>
        %parallel_loop3A_1350 = arith.constant 16 : i32
        %parallel_loop3A_1351 = vector.broadcast %parallel_loop3A_1350 : i32 to vector<16xi32>
        %parallel_loop3A_1352 = arith.addi %parallel_loop3A_1346, %parallel_loop3A_1351 : vector<16xi32>
        %parallel_loop3A_1353 = arith.select %parallel_loop3A_1349, %parallel_loop3A_1352, %parallel_loop3A_1346 : vector<16xi1>, vector<16xi32>
        %parallel_loop3A_1354 = vector.shape_cast %parallel_loop3A_1353 : vector<16xi32> to vector<16x1xi32>
        %parallel_loop3A_1355 = vector.shape_cast %parallel_loop3A_1354 : vector<16x1xi32> to vector<16xi32>
        %parallel_loop3A_1356 = tpu.dynamic_gather %get3A_40[%parallel_loop3A_1355] in [0] : vector<16xf32>, vector<16xi32> -> vector<16xf32>
        %parallel_loop3A_1357 = arith.constant 0 : i32
        %parallel_loop3A_1358 = vector.broadcast %parallel_loop3A_1357 : i32 to vector<16xi32>
        %parallel_loop3A_1359 = arith.cmpi slt, %parallel_loop3A_1346, %parallel_loop3A_1358 : vector<16xi32>
        %parallel_loop3A_1360 = arith.constant 16 : i32
        %parallel_loop3A_1361 = vector.broadcast %parallel_loop3A_1360 : i32 to vector<16xi32>
        %parallel_loop3A_1362 = arith.addi %parallel_loop3A_1346, %parallel_loop3A_1361 : vector<16xi32>
        %parallel_loop3A_1363 = arith.select %parallel_loop3A_1359, %parallel_loop3A_1362, %parallel_loop3A_1346 : vector<16xi1>, vector<16xi32>
        %parallel_loop3A_1364 = vector.shape_cast %parallel_loop3A_1363 : vector<16xi32> to vector<16x1xi32>
        %parallel_loop3A_1365 = vector.shape_cast %parallel_loop3A_1364 : vector<16x1xi32> to vector<16xi32>
        %parallel_loop3A_1366 = tpu.dynamic_gather %get3A_42[%parallel_loop3A_1365] in [0] : vector<16xf32>, vector<16xi32> -> vector<16xf32>
        %parallel_loop3A_1367 = arith.constant 6 : i32
        %parallel_loop3A_1368 = arith.index_cast %rem3A_242 : i32 to index
        %parallel_loop3A_1369 = arith.index_cast %parallel_loop3A_314 : i32 to index
        %parallel_loop3A_1370 = arith.index_cast %parallel_loop3A_1367 : i32 to index
        %parallel_loop3A_1371 = arith.constant 48 : index
        %parallel_loop3A_1372 = tpu.vector_load %arg7[%parallel_loop3A_1368, %parallel_loop3A_1369, %parallel_loop3A_1370, %parallel_loop3A_1371] {strides = array<i32>} : memref<3x8x8x128xf32, #tpu.memory_space<vmem>>, vector<16xf32>,
        tpu.vector_store %arg7[%parallel_loop3A_1368, %parallel_loop3A_1369, %parallel_loop3A_1370, %parallel_loop3A_1371], %parallel_loop3A_1356 {strides = array<i32>} : memref<3x8x8x128xf32, #tpu.memory_space<vmem>>, vector<16xf32>,
        %parallel_loop3A_1373 = arith.constant 7 : i32
        %parallel_loop3A_1374 = arith.index_cast %rem3A_242 : i32 to index
        %parallel_loop3A_1375 = arith.index_cast %parallel_loop3A_314 : i32 to index
        %parallel_loop3A_1376 = arith.index_cast %parallel_loop3A_1373 : i32 to index
        %parallel_loop3A_1377 = arith.constant 48 : index
        %parallel_loop3A_1378 = tpu.vector_load %arg7[%parallel_loop3A_1374, %parallel_loop3A_1375, %parallel_loop3A_1376, %parallel_loop3A_1377] {strides = array<i32>} : memref<3x8x8x128xf32, #tpu.memory_space<vmem>>, vector<16xf32>,
        tpu.vector_store %arg7[%parallel_loop3A_1374, %parallel_loop3A_1375, %parallel_loop3A_1376, %parallel_loop3A_1377], %parallel_loop3A_1366 {strides = array<i32>} : memref<3x8x8x128xf32, #tpu.memory_space<vmem>>, vector<16xf32>,
        %parallel_loop3A_1379 = arith.constant 3 : i32
        %parallel_loop3A_1380 = arith.index_cast %scan3A_239 : i32 to index
        %parallel_loop3A_1381 = arith.index_cast %parallel_loop3A_1379 : i32 to index
        %parallel_loop3A_1382 = arith.index_cast %parallel_loop3A_314 : i32 to index
        %parallel_loop3A_1383 = arith.constant 64 : index
        %parallel_loop3A_1384 = tpu.vector_load %arg6[%parallel_loop3A_1380, %parallel_loop3A_1381, %parallel_loop3A_1382, %parallel_loop3A_1383] {strides = array<i32>} : memref<25x4x8x128xi32, #tpu.memory_space<vmem>>, vector<16xi32>,
        %parallel_loop3A_1385 = arith.constant 0 : i32
        %parallel_loop3A_1386 = vector.broadcast %parallel_loop3A_1385 : i32 to vector<16xi32>
        %parallel_loop3A_1387 = arith.cmpi slt, %parallel_loop3A_1384, %parallel_loop3A_1386 : vector<16xi32>
        %parallel_loop3A_1388 = arith.constant 16 : i32
        %parallel_loop3A_1389 = vector.broadcast %parallel_loop3A_1388 : i32 to vector<16xi32>
        %parallel_loop3A_1390 = arith.addi %parallel_loop3A_1384, %parallel_loop3A_1389 : vector<16xi32>
        %parallel_loop3A_1391 = arith.select %parallel_loop3A_1387, %parallel_loop3A_1390, %parallel_loop3A_1384 : vector<16xi1>, vector<16xi32>
        %parallel_loop3A_1392 = vector.shape_cast %parallel_loop3A_1391 : vector<16xi32> to vector<16x1xi32>
        %parallel_loop3A_1393 = vector.shape_cast %parallel_loop3A_1392 : vector<16x1xi32> to vector<16xi32>
        %parallel_loop3A_1394 = tpu.dynamic_gather %get3A_40[%parallel_loop3A_1393] in [0] : vector<16xf32>, vector<16xi32> -> vector<16xf32>
        %parallel_loop3A_1395 = arith.constant 0 : i32
        %parallel_loop3A_1396 = vector.broadcast %parallel_loop3A_1395 : i32 to vector<16xi32>
        %parallel_loop3A_1397 = arith.cmpi slt, %parallel_loop3A_1384, %parallel_loop3A_1396 : vector<16xi32>
        %parallel_loop3A_1398 = arith.constant 16 : i32
        %parallel_loop3A_1399 = vector.broadcast %parallel_loop3A_1398 : i32 to vector<16xi32>
        %parallel_loop3A_1400 = arith.addi %parallel_loop3A_1384, %parallel_loop3A_1399 : vector<16xi32>
        %parallel_loop3A_1401 = arith.select %parallel_loop3A_1397, %parallel_loop3A_1400, %parallel_loop3A_1384 : vector<16xi1>, vector<16xi32>
        %parallel_loop3A_1402 = vector.shape_cast %parallel_loop3A_1401 : vector<16xi32> to vector<16x1xi32>
        %parallel_loop3A_1403 = vector.shape_cast %parallel_loop3A_1402 : vector<16x1xi32> to vector<16xi32>
        %parallel_loop3A_1404 = tpu.dynamic_gather %get3A_42[%parallel_loop3A_1403] in [0] : vector<16xf32>, vector<16xi32> -> vector<16xf32>
        %parallel_loop3A_1405 = arith.constant 6 : i32
        %parallel_loop3A_1406 = arith.index_cast %rem3A_242 : i32 to index
        %parallel_loop3A_1407 = arith.index_cast %parallel_loop3A_314 : i32 to index
        %parallel_loop3A_1408 = arith.index_cast %parallel_loop3A_1405 : i32 to index
        %parallel_loop3A_1409 = arith.constant 64 : index
        %parallel_loop3A_1410 = tpu.vector_load %arg7[%parallel_loop3A_1406, %parallel_loop3A_1407, %parallel_loop3A_1408, %parallel_loop3A_1409] {strides = array<i32>} : memref<3x8x8x128xf32, #tpu.memory_space<vmem>>, vector<16xf32>,
        tpu.vector_store %arg7[%parallel_loop3A_1406, %parallel_loop3A_1407, %parallel_loop3A_1408, %parallel_loop3A_1409], %parallel_loop3A_1394 {strides = array<i32>} : memref<3x8x8x128xf32, #tpu.memory_space<vmem>>, vector<16xf32>,
        %parallel_loop3A_1411 = arith.constant 7 : i32
        %parallel_loop3A_1412 = arith.index_cast %rem3A_242 : i32 to index
        %parallel_loop3A_1413 = arith.index_cast %parallel_loop3A_314 : i32 to index
        %parallel_loop3A_1414 = arith.index_cast %parallel_loop3A_1411 : i32 to index
        %parallel_loop3A_1415 = arith.constant 64 : index
        %parallel_loop3A_1416 = tpu.vector_load %arg7[%parallel_loop3A_1412, %parallel_loop3A_1413, %parallel_loop3A_1414, %parallel_loop3A_1415] {strides = array<i32>} : memref<3x8x8x128xf32, #tpu.memory_space<vmem>>, vector<16xf32>,
        tpu.vector_store %arg7[%parallel_loop3A_1412, %parallel_loop3A_1413, %parallel_loop3A_1414, %parallel_loop3A_1415], %parallel_loop3A_1404 {strides = array<i32>} : memref<3x8x8x128xf32, #tpu.memory_space<vmem>>, vector<16xf32>,
        %parallel_loop3A_1417 = arith.constant 3 : i32
        %parallel_loop3A_1418 = arith.index_cast %scan3A_239 : i32 to index
        %parallel_loop3A_1419 = arith.index_cast %parallel_loop3A_1417 : i32 to index
        %parallel_loop3A_1420 = arith.index_cast %parallel_loop3A_314 : i32 to index
        %parallel_loop3A_1421 = arith.constant 80 : index
        %parallel_loop3A_1422 = tpu.vector_load %arg6[%parallel_loop3A_1418, %parallel_loop3A_1419, %parallel_loop3A_1420, %parallel_loop3A_1421] {strides = array<i32>} : memref<25x4x8x128xi32, #tpu.memory_space<vmem>>, vector<16xi32>,
        %parallel_loop3A_1423 = arith.constant 0 : i32
        %parallel_loop3A_1424 = vector.broadcast %parallel_loop3A_1423 : i32 to vector<16xi32>
        %parallel_loop3A_1425 = arith.cmpi slt, %parallel_loop3A_1422, %parallel_loop3A_1424 : vector<16xi32>
        %parallel_loop3A_1426 = arith.constant 16 : i32
        %parallel_loop3A_1427 = vector.broadcast %parallel_loop3A_1426 : i32 to vector<16xi32>
        %parallel_loop3A_1428 = arith.addi %parallel_loop3A_1422, %parallel_loop3A_1427 : vector<16xi32>
        %parallel_loop3A_1429 = arith.select %parallel_loop3A_1425, %parallel_loop3A_1428, %parallel_loop3A_1422 : vector<16xi1>, vector<16xi32>
        %parallel_loop3A_1430 = vector.shape_cast %parallel_loop3A_1429 : vector<16xi32> to vector<16x1xi32>
        %parallel_loop3A_1431 = vector.shape_cast %parallel_loop3A_1430 : vector<16x1xi32> to vector<16xi32>
        %parallel_loop3A_1432 = tpu.dynamic_gather %get3A_40[%parallel_loop3A_1431] in [0] : vector<16xf32>, vector<16xi32> -> vector<16xf32>
        %parallel_loop3A_1433 = arith.constant 0 : i32
        %parallel_loop3A_1434 = vector.broadcast %parallel_loop3A_1433 : i32 to vector<16xi32>
        %parallel_loop3A_1435 = arith.cmpi slt, %parallel_loop3A_1422, %parallel_loop3A_1434 : vector<16xi32>
        %parallel_loop3A_1436 = arith.constant 16 : i32
        %parallel_loop3A_1437 = vector.broadcast %parallel_loop3A_1436 : i32 to vector<16xi32>
        %parallel_loop3A_1438 = arith.addi %parallel_loop3A_1422, %parallel_loop3A_1437 : vector<16xi32>
        %parallel_loop3A_1439 = arith.select %parallel_loop3A_1435, %parallel_loop3A_1438, %parallel_loop3A_1422 : vector<16xi1>, vector<16xi32>
        %parallel_loop3A_1440 = vector.shape_cast %parallel_loop3A_1439 : vector<16xi32> to vector<16x1xi32>
        %parallel_loop3A_1441 = vector.shape_cast %parallel_loop3A_1440 : vector<16x1xi32> to vector<16xi32>
        %parallel_loop3A_1442 = tpu.dynamic_gather %get3A_42[%parallel_loop3A_1441] in [0] : vector<16xf32>, vector<16xi32> -> vector<16xf32>
        %parallel_loop3A_1443 = arith.constant 6 : i32
        %parallel_loop3A_1444 = arith.index_cast %rem3A_242 : i32 to index
        %parallel_loop3A_1445 = arith.index_cast %parallel_loop3A_314 : i32 to index
        %parallel_loop3A_1446 = arith.index_cast %parallel_loop3A_1443 : i32 to index
        %parallel_loop3A_1447 = arith.constant 80 : index
        %parallel_loop3A_1448 = tpu.vector_load %arg7[%parallel_loop3A_1444, %parallel_loop3A_1445, %parallel_loop3A_1446, %parallel_loop3A_1447] {strides = array<i32>} : memref<3x8x8x128xf32, #tpu.memory_space<vmem>>, vector<16xf32>,
        tpu.vector_store %arg7[%parallel_loop3A_1444, %parallel_loop3A_1445, %parallel_loop3A_1446, %parallel_loop3A_1447], %parallel_loop3A_1432 {strides = array<i32>} : memref<3x8x8x128xf32, #tpu.memory_space<vmem>>, vector<16xf32>,
        %parallel_loop3A_1449 = arith.constant 7 : i32
        %parallel_loop3A_1450 = arith.index_cast %rem3A_242 : i32 to index
        %parallel_loop3A_1451 = arith.index_cast %parallel_loop3A_314 : i32 to index
        %parallel_loop3A_1452 = arith.index_cast %parallel_loop3A_1449 : i32 to index
        %parallel_loop3A_1453 = arith.constant 80 : index
        %parallel_loop3A_1454 = tpu.vector_load %arg7[%parallel_loop3A_1450, %parallel_loop3A_1451, %parallel_loop3A_1452, %parallel_loop3A_1453] {strides = array<i32>} : memref<3x8x8x128xf32, #tpu.memory_space<vmem>>, vector<16xf32>,
        tpu.vector_store %arg7[%parallel_loop3A_1450, %parallel_loop3A_1451, %parallel_loop3A_1452, %parallel_loop3A_1453], %parallel_loop3A_1442 {strides = array<i32>} : memref<3x8x8x128xf32, #tpu.memory_space<vmem>>, vector<16xf32>,
        %parallel_loop3A_1455 = arith.constant 3 : i32
        %parallel_loop3A_1456 = arith.index_cast %scan3A_239 : i32 to index
        %parallel_loop3A_1457 = arith.index_cast %parallel_loop3A_1455 : i32 to index
        %parallel_loop3A_1458 = arith.index_cast %parallel_loop3A_314 : i32 to index
        %parallel_loop3A_1459 = arith.constant 96 : index
        %parallel_loop3A_1460 = tpu.vector_load %arg6[%parallel_loop3A_1456, %parallel_loop3A_1457, %parallel_loop3A_1458, %parallel_loop3A_1459] {strides = array<i32>} : memref<25x4x8x128xi32, #tpu.memory_space<vmem>>, vector<16xi32>,
        %parallel_loop3A_1461 = arith.constant 0 : i32
        %parallel_loop3A_1462 = vector.broadcast %parallel_loop3A_1461 : i32 to vector<16xi32>
        %parallel_loop3A_1463 = arith.cmpi slt, %parallel_loop3A_1460, %parallel_loop3A_1462 : vector<16xi32>
        %parallel_loop3A_1464 = arith.constant 16 : i32
        %parallel_loop3A_1465 = vector.broadcast %parallel_loop3A_1464 : i32 to vector<16xi32>
        %parallel_loop3A_1466 = arith.addi %parallel_loop3A_1460, %parallel_loop3A_1465 : vector<16xi32>
        %parallel_loop3A_1467 = arith.select %parallel_loop3A_1463, %parallel_loop3A_1466, %parallel_loop3A_1460 : vector<16xi1>, vector<16xi32>
        %parallel_loop3A_1468 = vector.shape_cast %parallel_loop3A_1467 : vector<16xi32> to vector<16x1xi32>
        %parallel_loop3A_1469 = vector.shape_cast %parallel_loop3A_1468 : vector<16x1xi32> to vector<16xi32>
        %parallel_loop3A_1470 = tpu.dynamic_gather %get3A_40[%parallel_loop3A_1469] in [0] : vector<16xf32>, vector<16xi32> -> vector<16xf32>
        %parallel_loop3A_1471 = arith.constant 0 : i32
        %parallel_loop3A_1472 = vector.broadcast %parallel_loop3A_1471 : i32 to vector<16xi32>
        %parallel_loop3A_1473 = arith.cmpi slt, %parallel_loop3A_1460, %parallel_loop3A_1472 : vector<16xi32>
        %parallel_loop3A_1474 = arith.constant 16 : i32
        %parallel_loop3A_1475 = vector.broadcast %parallel_loop3A_1474 : i32 to vector<16xi32>
        %parallel_loop3A_1476 = arith.addi %parallel_loop3A_1460, %parallel_loop3A_1475 : vector<16xi32>
        %parallel_loop3A_1477 = arith.select %parallel_loop3A_1473, %parallel_loop3A_1476, %parallel_loop3A_1460 : vector<16xi1>, vector<16xi32>
        %parallel_loop3A_1478 = vector.shape_cast %parallel_loop3A_1477 : vector<16xi32> to vector<16x1xi32>
        %parallel_loop3A_1479 = vector.shape_cast %parallel_loop3A_1478 : vector<16x1xi32> to vector<16xi32>
        %parallel_loop3A_1480 = tpu.dynamic_gather %get3A_42[%parallel_loop3A_1479] in [0] : vector<16xf32>, vector<16xi32> -> vector<16xf32>
        %parallel_loop3A_1481 = arith.constant 6 : i32
        %parallel_loop3A_1482 = arith.index_cast %rem3A_242 : i32 to index
        %parallel_loop3A_1483 = arith.index_cast %parallel_loop3A_314 : i32 to index
        %parallel_loop3A_1484 = arith.index_cast %parallel_loop3A_1481 : i32 to index
        %parallel_loop3A_1485 = arith.constant 96 : index
        %parallel_loop3A_1486 = tpu.vector_load %arg7[%parallel_loop3A_1482, %parallel_loop3A_1483, %parallel_loop3A_1484, %parallel_loop3A_1485] {strides = array<i32>} : memref<3x8x8x128xf32, #tpu.memory_space<vmem>>, vector<16xf32>,
        tpu.vector_store %arg7[%parallel_loop3A_1482, %parallel_loop3A_1483, %parallel_loop3A_1484, %parallel_loop3A_1485], %parallel_loop3A_1470 {strides = array<i32>} : memref<3x8x8x128xf32, #tpu.memory_space<vmem>>, vector<16xf32>,
        %parallel_loop3A_1487 = arith.constant 7 : i32
        %parallel_loop3A_1488 = arith.index_cast %rem3A_242 : i32 to index
        %parallel_loop3A_1489 = arith.index_cast %parallel_loop3A_314 : i32 to index
        %parallel_loop3A_1490 = arith.index_cast %parallel_loop3A_1487 : i32 to index
        %parallel_loop3A_1491 = arith.constant 96 : index
        %parallel_loop3A_1492 = tpu.vector_load %arg7[%parallel_loop3A_1488, %parallel_loop3A_1489, %parallel_loop3A_1490, %parallel_loop3A_1491] {strides = array<i32>} : memref<3x8x8x128xf32, #tpu.memory_space<vmem>>, vector<16xf32>,
        tpu.vector_store %arg7[%parallel_loop3A_1488, %parallel_loop3A_1489, %parallel_loop3A_1490, %parallel_loop3A_1491], %parallel_loop3A_1480 {strides = array<i32>} : memref<3x8x8x128xf32, #tpu.memory_space<vmem>>, vector<16xf32>,
        %parallel_loop3A_1493 = arith.constant 3 : i32
        %parallel_loop3A_1494 = arith.index_cast %scan3A_239 : i32 to index
        %parallel_loop3A_1495 = arith.index_cast %parallel_loop3A_1493 : i32 to index
        %parallel_loop3A_1496 = arith.index_cast %parallel_loop3A_314 : i32 to index
        %parallel_loop3A_1497 = arith.constant 112 : index
        %parallel_loop3A_1498 = tpu.vector_load %arg6[%parallel_loop3A_1494, %parallel_loop3A_1495, %parallel_loop3A_1496, %parallel_loop3A_1497] {strides = array<i32>} : memref<25x4x8x128xi32, #tpu.memory_space<vmem>>, vector<16xi32>,
        %parallel_loop3A_1499 = arith.constant 0 : i32
        %parallel_loop3A_1500 = vector.broadcast %parallel_loop3A_1499 : i32 to vector<16xi32>
        %parallel_loop3A_1501 = arith.cmpi slt, %parallel_loop3A_1498, %parallel_loop3A_1500 : vector<16xi32>
        %parallel_loop3A_1502 = arith.constant 16 : i32
        %parallel_loop3A_1503 = vector.broadcast %parallel_loop3A_1502 : i32 to vector<16xi32>
        %parallel_loop3A_1504 = arith.addi %parallel_loop3A_1498, %parallel_loop3A_1503 : vector<16xi32>
        %parallel_loop3A_1505 = arith.select %parallel_loop3A_1501, %parallel_loop3A_1504, %parallel_loop3A_1498 : vector<16xi1>, vector<16xi32>
        %parallel_loop3A_1506 = vector.shape_cast %parallel_loop3A_1505 : vector<16xi32> to vector<16x1xi32>
        %parallel_loop3A_1507 = vector.shape_cast %parallel_loop3A_1506 : vector<16x1xi32> to vector<16xi32>
        %parallel_loop3A_1508 = tpu.dynamic_gather %get3A_40[%parallel_loop3A_1507] in [0] : vector<16xf32>, vector<16xi32> -> vector<16xf32>
        %parallel_loop3A_1509 = arith.constant 0 : i32
        %parallel_loop3A_1510 = vector.broadcast %parallel_loop3A_1509 : i32 to vector<16xi32>
        %parallel_loop3A_1511 = arith.cmpi slt, %parallel_loop3A_1498, %parallel_loop3A_1510 : vector<16xi32>
        %parallel_loop3A_1512 = arith.constant 16 : i32
        %parallel_loop3A_1513 = vector.broadcast %parallel_loop3A_1512 : i32 to vector<16xi32>
        %parallel_loop3A_1514 = arith.addi %parallel_loop3A_1498, %parallel_loop3A_1513 : vector<16xi32>
        %parallel_loop3A_1515 = arith.select %parallel_loop3A_1511, %parallel_loop3A_1514, %parallel_loop3A_1498 : vector<16xi1>, vector<16xi32>
        %parallel_loop3A_1516 = vector.shape_cast %parallel_loop3A_1515 : vector<16xi32> to vector<16x1xi32>
        %parallel_loop3A_1517 = vector.shape_cast %parallel_loop3A_1516 : vector<16x1xi32> to vector<16xi32>
        %parallel_loop3A_1518 = tpu.dynamic_gather %get3A_42[%parallel_loop3A_1517] in [0] : vector<16xf32>, vector<16xi32> -> vector<16xf32>
        %parallel_loop3A_1519 = arith.constant 6 : i32
        %parallel_loop3A_1520 = arith.index_cast %rem3A_242 : i32 to index
        %parallel_loop3A_1521 = arith.index_cast %parallel_loop3A_314 : i32 to index
        %parallel_loop3A_1522 = arith.index_cast %parallel_loop3A_1519 : i32 to index
        %parallel_loop3A_1523 = arith.constant 112 : index
        %parallel_loop3A_1524 = tpu.vector_load %arg7[%parallel_loop3A_1520, %parallel_loop3A_1521, %parallel_loop3A_1522, %parallel_loop3A_1523] {strides = array<i32>} : memref<3x8x8x128xf32, #tpu.memory_space<vmem>>, vector<16xf32>,
        tpu.vector_store %arg7[%parallel_loop3A_1520, %parallel_loop3A_1521, %parallel_loop3A_1522, %parallel_loop3A_1523], %parallel_loop3A_1508 {strides = array<i32>} : memref<3x8x8x128xf32, #tpu.memory_space<vmem>>, vector<16xf32>,
        %parallel_loop3A_1525 = arith.constant 7 : i32
        %parallel_loop3A_1526 = arith.index_cast %rem3A_242 : i32 to index
        %parallel_loop3A_1527 = arith.index_cast %parallel_loop3A_314 : i32 to index
        %parallel_loop3A_1528 = arith.index_cast %parallel_loop3A_1525 : i32 to index
        %parallel_loop3A_1529 = arith.constant 112 : index
        %parallel_loop3A_1530 = tpu.vector_load %arg7[%parallel_loop3A_1526, %parallel_loop3A_1527, %parallel_loop3A_1528, %parallel_loop3A_1529] {strides = array<i32>} : memref<3x8x8x128xf32, #tpu.memory_space<vmem>>, vector<16xf32>,
        tpu.vector_store %arg7[%parallel_loop3A_1526, %parallel_loop3A_1527, %parallel_loop3A_1528, %parallel_loop3A_1529], %parallel_loop3A_1518 {strides = array<i32>} : memref<3x8x8x128xf32, #tpu.memory_space<vmem>>, vector<16xf32>,
      } {sc.loop_unroll_factor = 2 : i64, sc.parallel_access}
      %add3A_252 = arith.addi %mul3A_2, %scan3A_239 : i32
      %jit3A_253 = arith.constant 32 : i32
      %div3A_254 = arith.divsi %add3A_252, %jit3A_253 : i32
      %sign3A_255 = arith.constant 0 : i32
      %sign3A_256 = arith.cmpi sgt, %add3A_252, %sign3A_255 : i32
      %sign3A_257 = arith.extui %sign3A_256 : i1 to i32
      %sign3A_258 = arith.constant 0 : i32
      %sign3A_259 = arith.cmpi slt, %add3A_252, %sign3A_258 : i32
      %sign3A_260 = arith.extui %sign3A_259 : i1 to i32
      %sign3A_261 = arith.subi %sign3A_257, %sign3A_260 : i32
      %sign3A_262 = arith.constant 0 : i32
      %sign3A_263 = arith.cmpi sgt, %jit3A_253, %sign3A_262 : i32
      %sign3A_264 = arith.extui %sign3A_263 : i1 to i32
      %sign3A_265 = arith.constant 0 : i32
      %sign3A_266 = arith.cmpi slt, %jit3A_253, %sign3A_265 : i32
      %sign3A_267 = arith.extui %sign3A_266 : i1 to i32
      %sign3A_268 = arith.subi %sign3A_264, %sign3A_267 : i32
      %ne3A_269 = arith.cmpi ne, %sign3A_261, %sign3A_268 : i32
      %rem3A_270 = arith.remsi %add3A_252, %jit3A_253 : i32
      %ne3A_271 = arith.constant 0 : i32
      %ne3A_272 = arith.cmpi ne, %rem3A_270, %ne3A_271 : i32
      %and3A_273 = arith.andi %ne3A_269, %ne3A_272 : i1
      %sub3A_274 = arith.constant 1 : i32
      %sub3A_275 = arith.subi %div3A_254, %sub3A_274 : i32
      %select_n3A_276 = arith.select %and3A_273, %sub3A_275, %div3A_254 : i32
      %jit3A_277 = arith.constant 32 : i32
      %eq3A_278 = arith.constant 0 : i32
      %eq3A_279 = arith.cmpi eq, %jit3A_277, %eq3A_278 : i32
      %jit3A_280 = arith.constant 1 : i32
      %select_n3A_281 = arith.select %eq3A_279, %jit3A_280, %jit3A_277 : i32
      %rem3A_282 = arith.remsi %add3A_252, %select_n3A_281 : i32
      %ne3A_283 = arith.constant 0 : i32
      %ne3A_284 = arith.cmpi ne, %rem3A_282, %ne3A_283 : i32
      %lt3A_285 = arith.constant 0 : i32
      %lt3A_286 = arith.cmpi slt, %rem3A_282, %lt3A_285 : i32
      %lt3A_287 = arith.constant 0 : i32
      %lt3A_288 = arith.cmpi slt, %select_n3A_281, %lt3A_287 : i32
      %ne3A_289 = arith.xori %lt3A_286, %lt3A_288 : i1
      %and3A_290 = arith.andi %ne3A_289, %ne3A_284 : i1
      %add3A_291 = arith.addi %rem3A_282, %select_n3A_281 : i32
      %select_n3A_292 = arith.select %and3A_290, %add3A_291, %rem3A_282 : i32
      %mul3A_293 = arith.constant 4 : i32
      %mul3A_294 = arith.muli %select_n3A_292, %mul3A_293 : i32
      %mul3A_295 = arith.constant 8 : i32
      %mul3A_296 = arith.muli %select_n3A_276, %mul3A_295 : i32
      %mul3A_297 = arith.constant 2 : i32
      %mul3A_298 = arith.muli %mul3A_297, %mul3A_294 : i32
      %dma_start3A_299 = arith.constant 0 : i32
      %dma_start3A_300 = arith.constant 0 : i32
      %dma_start3A_301 = arith.constant 0 : i32
      %dma_start3A_302 = tpu.memref_slice %arg7[%rem3A_242, %dma_start3A_299, %dma_start3A_300, %dma_start3A_301] : memref<3x8x8x128xf32, #tpu.memory_space<vmem>> -> memref<1x8x8x128xf32, #tpu.memory_space<vmem>>
      %dma_start3A_303 = tpu.memref_squeeze %dma_start3A_302 : memref<1x8x8x128xf32, #tpu.memory_space<vmem>> -> memref<8x8x128xf32, #tpu.memory_space<vmem>>
      %dma_start3A_304 = arith.constant 0 : i32
      %dma_start3A_305 = tpu.memref_slice %arg4[%mul3A_296, %mul3A_298, %dma_start3A_304] : memref<200x256x128xf32, #tpu.memory_space<hbm>> -> memref<8x8x128xf32, #tpu.memory_space<hbm>>
      %dma_start3A_306 = arith.constant 0 : i32
      %dma_start3A_307 = tpu.memref_slice %arg4[%mul3A_296, %mul3A_298, %dma_start3A_306] : memref<200x256x128xf32, #tpu.memory_space<hbm>> -> memref<8x8x128xf32, #tpu.memory_space<hbm>>
      %dma_start3A_308 = arith.constant 0 : i32
      %dma_start3A_309 = arith.constant 0 : i32
      %dma_start3A_310 = arith.constant 0 : i32
      %dma_start3A_311 = tpu.memref_slice %arg7[%rem3A_242, %dma_start3A_308, %dma_start3A_309, %dma_start3A_310] : memref<3x8x8x128xf32, #tpu.memory_space<vmem>> -> memref<1x8x8x128xf32, #tpu.memory_space<vmem>>
      %dma_start3A_312 = tpu.memref_squeeze %dma_start3A_311 : memref<1x8x8x128xf32, #tpu.memory_space<vmem>> -> memref<8x8x128xf32, #tpu.memory_space<vmem>>
      tpu.enqueue_dma source(%dma_start3A_312 : memref<8x8x128xf32, #tpu.memory_space<vmem>>) target(%dma_start3A_307 : memref<8x8x128xf32, #tpu.memory_space<hbm>>) target_semaphore(%arg9 : memref<!tpu.dma_semaphore, #tpu.memory_space<semaphore_mem>>)
      %scan3A_313 = arith.constant 0 : i32
      scf.yield %scan3A_313 : i32
    }
    %scan3A_65 = arith.constant 25 : i32
    %jit3A = arith.constant 32 : i32
    %div3A = arith.divsi %mul3A_2, %jit3A : i32
    %sign3A = arith.constant 0 : i32
    %sign3A_66 = arith.cmpi sgt, %mul3A_2, %sign3A : i32
    %sign3A_67 = arith.extui %sign3A_66 : i1 to i32
    %sign3A_68 = arith.constant 0 : i32
    %sign3A_69 = arith.cmpi slt, %mul3A_2, %sign3A_68 : i32
    %sign3A_70 = arith.extui %sign3A_69 : i1 to i32
    %sign3A_71 = arith.subi %sign3A_67, %sign3A_70 : i32
    %sign3A_72 = arith.constant 0 : i32
    %sign3A_73 = arith.cmpi sgt, %jit3A, %sign3A_72 : i32
    %sign3A_74 = arith.extui %sign3A_73 : i1 to i32
    %sign3A_75 = arith.constant 0 : i32
    %sign3A_76 = arith.cmpi slt, %jit3A, %sign3A_75 : i32
    %sign3A_77 = arith.extui %sign3A_76 : i1 to i32
    %sign3A_78 = arith.subi %sign3A_74, %sign3A_77 : i32
    %ne3A = arith.cmpi ne, %sign3A_71, %sign3A_78 : i32
    %rem3A = arith.remsi %mul3A_2, %jit3A : i32
    %ne3A_79 = arith.constant 0 : i32
    %ne3A_80 = arith.cmpi ne, %rem3A, %ne3A_79 : i32
    %and3A = arith.andi %ne3A, %ne3A_80 : i1
    %sub3A = arith.constant 1 : i32
    %sub3A_81 = arith.subi %div3A, %sub3A : i32
    %select_n3A = arith.select %and3A, %sub3A_81, %div3A : i32
    %jit3A_82 = arith.constant 32 : i32
    %eq3A = arith.constant 0 : i32
    %eq3A_83 = arith.cmpi eq, %jit3A_82, %eq3A : i32
    %jit3A_84 = arith.constant 1 : i32
    %select_n3A_85 = arith.select %eq3A_83, %jit3A_84, %jit3A_82 : i32
    %rem3A_86 = arith.remsi %mul3A_2, %select_n3A_85 : i32
    %ne3A_87 = arith.constant 0 : i32
    %ne3A_88 = arith.cmpi ne, %rem3A_86, %ne3A_87 : i32
    %lt3A = arith.constant 0 : i32
    %lt3A_89 = arith.cmpi slt, %rem3A_86, %lt3A : i32
    %lt3A_90 = arith.constant 0 : i32
    %lt3A_91 = arith.cmpi slt, %select_n3A_85, %lt3A_90 : i32
    %ne3A_92 = arith.xori %lt3A_89, %lt3A_91 : i1
    %and3A_93 = arith.andi %ne3A_92, %ne3A_88 : i1
    %add3A_94 = arith.addi %rem3A_86, %select_n3A_85 : i32
    %select_n3A_95 = arith.select %and3A_93, %add3A_94, %rem3A_86 : i32
    %mul3A_96 = arith.constant 4 : i32
    %mul3A_97 = arith.muli %select_n3A_95, %mul3A_96 : i32
    %mul3A_98 = arith.constant 8 : i32
    %mul3A_99 = arith.muli %select_n3A, %mul3A_98 : i32
    %mul3A_100 = arith.constant 2 : i32
    %mul3A_101 = arith.muli %mul3A_100, %mul3A_97 : i32
    %dma_wait3A_102 = arith.constant 0 : i32
    %dma_wait3A_103 = arith.constant 0 : i32
    %dma_wait3A_104 = arith.constant 0 : i32
    %dma_wait3A_105 = arith.constant 0 : i32
    %dma_wait3A_106 = tpu.memref_slice %arg7[%dma_wait3A_102, %dma_wait3A_103, %dma_wait3A_104, %dma_wait3A_105] : memref<3x8x8x128xf32, #tpu.memory_space<vmem>> -> memref<1x8x8x128xf32, #tpu.memory_space<vmem>>
    %dma_wait3A_107 = tpu.memref_squeeze %dma_wait3A_106 : memref<1x8x8x128xf32, #tpu.memory_space<vmem>> -> memref<8x8x128xf32, #tpu.memory_space<vmem>>
    %dma_wait3A_108 = arith.constant 0 : i32
    %dma_wait3A_109 = tpu.memref_slice %arg4[%mul3A_99, %mul3A_101, %dma_wait3A_108] : memref<200x256x128xf32, #tpu.memory_space<hbm>> -> memref<8x8x128xf32, #tpu.memory_space<hbm>>
    %dma_wait3A_110 = arith.constant 0 : i32
    %dma_wait3A_111 = tpu.memref_slice %arg4[%mul3A_99, %mul3A_101, %dma_wait3A_110] : memref<200x256x128xf32, #tpu.memory_space<hbm>> -> memref<8x8x128xf32, #tpu.memory_space<hbm>>
    %dma_wait3A_112 = arith.constant 0 : i32
    %dma_wait3A_113 = arith.constant 0 : i32
    %dma_wait3A_114 = arith.constant 0 : i32
    %dma_wait3A_115 = tpu.memref_slice %arg7[%dma_wait3A_102, %dma_wait3A_112, %dma_wait3A_113, %dma_wait3A_114] : memref<3x8x8x128xf32, #tpu.memory_space<vmem>> -> memref<1x8x8x128xf32, #tpu.memory_space<vmem>>
    %dma_wait3A_116 = tpu.memref_squeeze %dma_wait3A_115 : memref<1x8x8x128xf32, #tpu.memory_space<vmem>> -> memref<8x8x128xf32, #tpu.memory_space<vmem>>
    tpu.wait_dma2 semaphore(%arg9 : memref<!tpu.dma_semaphore, #tpu.memory_space<semaphore_mem>>) src(%dma_wait3A_116 : memref<8x8x128xf32, #tpu.memory_space<vmem>>) dst(%dma_wait3A_111 : memref<8x8x128xf32, #tpu.memory_space<hbm>>)
    %jit3A_117 = arith.constant 32 : i32
    %div3A_118 = arith.divsi %mul3A_2, %jit3A_117 : i32
    %sign3A_119 = arith.constant 0 : i32
    %sign3A_120 = arith.cmpi sgt, %mul3A_2, %sign3A_119 : i32
    %sign3A_121 = arith.extui %sign3A_120 : i1 to i32
    %sign3A_122 = arith.constant 0 : i32
    %sign3A_123 = arith.cmpi slt, %mul3A_2, %sign3A_122 : i32
    %sign3A_124 = arith.extui %sign3A_123 : i1 to i32
    %sign3A_125 = arith.subi %sign3A_121, %sign3A_124 : i32
    %sign3A_126 = arith.constant 0 : i32
    %sign3A_127 = arith.cmpi sgt, %jit3A_117, %sign3A_126 : i32
    %sign3A_128 = arith.extui %sign3A_127 : i1 to i32
    %sign3A_129 = arith.constant 0 : i32
    %sign3A_130 = arith.cmpi slt, %jit3A_117, %sign3A_129 : i32
    %sign3A_131 = arith.extui %sign3A_130 : i1 to i32
    %sign3A_132 = arith.subi %sign3A_128, %sign3A_131 : i32
    %ne3A_133 = arith.cmpi ne, %sign3A_125, %sign3A_132 : i32
    %rem3A_134 = arith.remsi %mul3A_2, %jit3A_117 : i32
    %ne3A_135 = arith.constant 0 : i32
    %ne3A_136 = arith.cmpi ne, %rem3A_134, %ne3A_135 : i32
    %and3A_137 = arith.andi %ne3A_133, %ne3A_136 : i1
    %sub3A_138 = arith.constant 1 : i32
    %sub3A_139 = arith.subi %div3A_118, %sub3A_138 : i32
    %select_n3A_140 = arith.select %and3A_137, %sub3A_139, %div3A_118 : i32
    %jit3A_141 = arith.constant 32 : i32
    %eq3A_142 = arith.constant 0 : i32
    %eq3A_143 = arith.cmpi eq, %jit3A_141, %eq3A_142 : i32
    %jit3A_144 = arith.constant 1 : i32
    %select_n3A_145 = arith.select %eq3A_143, %jit3A_144, %jit3A_141 : i32
    %rem3A_146 = arith.remsi %mul3A_2, %select_n3A_145 : i32
    %ne3A_147 = arith.constant 0 : i32
    %ne3A_148 = arith.cmpi ne, %rem3A_146, %ne3A_147 : i32
    %lt3A_149 = arith.constant 0 : i32
    %lt3A_150 = arith.cmpi slt, %rem3A_146, %lt3A_149 : i32
    %lt3A_151 = arith.constant 0 : i32
    %lt3A_152 = arith.cmpi slt, %select_n3A_145, %lt3A_151 : i32
    %ne3A_153 = arith.xori %lt3A_150, %lt3A_152 : i1
    %and3A_154 = arith.andi %ne3A_153, %ne3A_148 : i1
    %add3A_155 = arith.addi %rem3A_146, %select_n3A_145 : i32
    %select_n3A_156 = arith.select %and3A_154, %add3A_155, %rem3A_146 : i32
    %mul3A_157 = arith.constant 4 : i32
    %mul3A_158 = arith.muli %select_n3A_156, %mul3A_157 : i32
    %mul3A_159 = arith.constant 8 : i32
    %mul3A_160 = arith.muli %select_n3A_140, %mul3A_159 : i32
    %mul3A_161 = arith.constant 2 : i32
    %mul3A_162 = arith.muli %mul3A_161, %mul3A_158 : i32
    %dma_wait3A_163 = arith.constant 0 : i32
    %dma_wait3A_164 = arith.constant 0 : i32
    %dma_wait3A_165 = arith.constant 0 : i32
    %dma_wait3A_166 = arith.constant 0 : i32
    %dma_wait3A_167 = tpu.memref_slice %arg7[%dma_wait3A_163, %dma_wait3A_164, %dma_wait3A_165, %dma_wait3A_166] : memref<3x8x8x128xf32, #tpu.memory_space<vmem>> -> memref<1x8x8x128xf32, #tpu.memory_space<vmem>>
    %dma_wait3A_168 = tpu.memref_squeeze %dma_wait3A_167 : memref<1x8x8x128xf32, #tpu.memory_space<vmem>> -> memref<8x8x128xf32, #tpu.memory_space<vmem>>
    %dma_wait3A_169 = arith.constant 0 : i32
    %dma_wait3A_170 = tpu.memref_slice %arg4[%mul3A_160, %mul3A_162, %dma_wait3A_169] : memref<200x256x128xf32, #tpu.memory_space<hbm>> -> memref<8x8x128xf32, #tpu.memory_space<hbm>>
    %dma_wait3A_171 = arith.constant 0 : i32
    %dma_wait3A_172 = tpu.memref_slice %arg4[%mul3A_160, %mul3A_162, %dma_wait3A_171] : memref<200x256x128xf32, #tpu.memory_space<hbm>> -> memref<8x8x128xf32, #tpu.memory_space<hbm>>
    %dma_wait3A_173 = arith.constant 0 : i32
    %dma_wait3A_174 = arith.constant 0 : i32
    %dma_wait3A_175 = arith.constant 0 : i32
    %dma_wait3A_176 = tpu.memref_slice %arg7[%dma_wait3A_163, %dma_wait3A_173, %dma_wait3A_174, %dma_wait3A_175] : memref<3x8x8x128xf32, #tpu.memory_space<vmem>> -> memref<1x8x8x128xf32, #tpu.memory_space<vmem>>
    %dma_wait3A_177 = tpu.memref_squeeze %dma_wait3A_176 : memref<1x8x8x128xf32, #tpu.memory_space<vmem>> -> memref<8x8x128xf32, #tpu.memory_space<vmem>>
    tpu.wait_dma2 semaphore(%arg9 : memref<!tpu.dma_semaphore, #tpu.memory_space<semaphore_mem>>) src(%dma_wait3A_177 : memref<8x8x128xf32, #tpu.memory_space<vmem>>) dst(%dma_wait3A_172 : memref<8x8x128xf32, #tpu.memory_space<hbm>>)
    %jit3A_178 = arith.constant 32 : i32
    %div3A_179 = arith.divsi %mul3A_2, %jit3A_178 : i32
    %sign3A_180 = arith.constant 0 : i32
    %sign3A_181 = arith.cmpi sgt, %mul3A_2, %sign3A_180 : i32
    %sign3A_182 = arith.extui %sign3A_181 : i1 to i32
    %sign3A_183 = arith.constant 0 : i32
    %sign3A_184 = arith.cmpi slt, %mul3A_2, %sign3A_183 : i32
    %sign3A_185 = arith.extui %sign3A_184 : i1 to i32
    %sign3A_186 = arith.subi %sign3A_182, %sign3A_185 : i32
    %sign3A_187 = arith.constant 0 : i32
    %sign3A_188 = arith.cmpi sgt, %jit3A_178, %sign3A_187 : i32
    %sign3A_189 = arith.extui %sign3A_188 : i1 to i32
    %sign3A_190 = arith.constant 0 : i32
    %sign3A_191 = arith.cmpi slt, %jit3A_178, %sign3A_190 : i32
    %sign3A_192 = arith.extui %sign3A_191 : i1 to i32
    %sign3A_193 = arith.subi %sign3A_189, %sign3A_192 : i32
    %ne3A_194 = arith.cmpi ne, %sign3A_186, %sign3A_193 : i32
    %rem3A_195 = arith.remsi %mul3A_2, %jit3A_178 : i32
    %ne3A_196 = arith.constant 0 : i32
    %ne3A_197 = arith.cmpi ne, %rem3A_195, %ne3A_196 : i32
    %and3A_198 = arith.andi %ne3A_194, %ne3A_197 : i1
    %sub3A_199 = arith.constant 1 : i32
    %sub3A_200 = arith.subi %div3A_179, %sub3A_199 : i32
    %select_n3A_201 = arith.select %and3A_198, %sub3A_200, %div3A_179 : i32
    %jit3A_202 = arith.constant 32 : i32
    %eq3A_203 = arith.constant 0 : i32
    %eq3A_204 = arith.cmpi eq, %jit3A_202, %eq3A_203 : i32
    %jit3A_205 = arith.constant 1 : i32
    %select_n3A_206 = arith.select %eq3A_204, %jit3A_205, %jit3A_202 : i32
    %rem3A_207 = arith.remsi %mul3A_2, %select_n3A_206 : i32
    %ne3A_208 = arith.constant 0 : i32
    %ne3A_209 = arith.cmpi ne, %rem3A_207, %ne3A_208 : i32
    %lt3A_210 = arith.constant 0 : i32
    %lt3A_211 = arith.cmpi slt, %rem3A_207, %lt3A_210 : i32
    %lt3A_212 = arith.constant 0 : i32
    %lt3A_213 = arith.cmpi slt, %select_n3A_206, %lt3A_212 : i32
    %ne3A_214 = arith.xori %lt3A_211, %lt3A_213 : i1
    %and3A_215 = arith.andi %ne3A_214, %ne3A_209 : i1
    %add3A_216 = arith.addi %rem3A_207, %select_n3A_206 : i32
    %select_n3A_217 = arith.select %and3A_215, %add3A_216, %rem3A_207 : i32
    %mul3A_218 = arith.constant 4 : i32
    %mul3A_219 = arith.muli %select_n3A_217, %mul3A_218 : i32
    %mul3A_220 = arith.constant 8 : i32
    %mul3A_221 = arith.muli %select_n3A_201, %mul3A_220 : i32
    %mul3A_222 = arith.constant 2 : i32
    %mul3A_223 = arith.muli %mul3A_222, %mul3A_219 : i32
    %dma_wait3A_224 = arith.constant 0 : i32
    %dma_wait3A_225 = arith.constant 0 : i32
    %dma_wait3A_226 = arith.constant 0 : i32
    %dma_wait3A_227 = arith.constant 0 : i32
    %dma_wait3A_228 = tpu.memref_slice %arg7[%dma_wait3A_224, %dma_wait3A_225, %dma_wait3A_226, %dma_wait3A_227] : memref<3x8x8x128xf32, #tpu.memory_space<vmem>> -> memref<1x8x8x128xf32, #tpu.memory_space<vmem>>
    %dma_wait3A_229 = tpu.memref_squeeze %dma_wait3A_228 : memref<1x8x8x128xf32, #tpu.memory_space<vmem>> -> memref<8x8x128xf32, #tpu.memory_space<vmem>>
    %dma_wait3A_230 = arith.constant 0 : i32
    %dma_wait3A_231 = tpu.memref_slice %arg4[%mul3A_221, %mul3A_223, %dma_wait3A_230] : memref<200x256x128xf32, #tpu.memory_space<hbm>> -> memref<8x8x128xf32, #tpu.memory_space<hbm>>
    %dma_wait3A_232 = arith.constant 0 : i32
    %dma_wait3A_233 = tpu.memref_slice %arg4[%mul3A_221, %mul3A_223, %dma_wait3A_232] : memref<200x256x128xf32, #tpu.memory_space<hbm>> -> memref<8x8x128xf32, #tpu.memory_space<hbm>>
    %dma_wait3A_234 = arith.constant 0 : i32
    %dma_wait3A_235 = arith.constant 0 : i32
    %dma_wait3A_236 = arith.constant 0 : i32
    %dma_wait3A_237 = tpu.memref_slice %arg7[%dma_wait3A_224, %dma_wait3A_234, %dma_wait3A_235, %dma_wait3A_236] : memref<3x8x8x128xf32, #tpu.memory_space<vmem>> -> memref<1x8x8x128xf32, #tpu.memory_space<vmem>>
    %dma_wait3A_238 = tpu.memref_squeeze %dma_wait3A_237 : memref<1x8x8x128xf32, #tpu.memory_space<vmem>> -> memref<8x8x128xf32, #tpu.memory_space<vmem>>
    tpu.wait_dma2 semaphore(%arg9 : memref<!tpu.dma_semaphore, #tpu.memory_space<semaphore_mem>>) src(%dma_wait3A_238 : memref<8x8x128xf32, #tpu.memory_space<vmem>>) dst(%dma_wait3A_233 : memref<8x8x128xf32, #tpu.memory_space<hbm>>)
    return
  }
}

</mosaic_0001>

<sc_bundles>
// kernel: kernel.3.cloned.1.call-start
scs
__scs_entry_jumppad:
0x0: {  	(pc) =	sbr.rel $0x88, $3  }
0x1: {  	(tag) =	ssettag $0x0;
	lr =	simm.s32 $0x1  }
0x2: {  	[smem:$0x3F9F] =	sst lr;
	_ =	strace $0xD0000000  }
0x3: {  	_ = 	snop  }
0x4: {  	_ = 	snop  }
0x5: {  	_ = 	snop  }
0x6: {  	_ = 	snop  }
0x7: {  	_ = 	snop  }
__scs_overlays_trampoline_lowered:
0x8: {  	[smem:$0x3FAE] =	sst s0  }
0x9: {  	[smem:$0x3FAF] =	sst s1  }
0xa: {  	[smem:$0x3FB0] =	sst s2  }
0xb: {  	[smem:$0x3FB1] =	sst s3  }
0xc: {  	[smem:$0x3FB2] =	sst s4  }
0xd: {  	[smem:$0x3FB3] =	sst s5  }
0xe: {  	[smem:$0x3FB4] =	sst s6  }
0xf: {  	[smem:$0x3FB5] =	sst s7  }
0x10: {  	[smem:$0x3FB6] =	sst s8  }
0x11: {  	[smem:$0x3FB7] =	sst s9;
	s0 =	simm.s32 @!p0 $0x0  }
0x12: {  	s1 =	sld [smem:$0x3F9D];
	s0 =	simm.s32 @p0 $0x1  }
0x13: {  	[smem:$0x3FB8] =	sst s0;
	s0 =	simm.s32 @!p1 $0x0  }
0x14: {  	s2 =	sld [smem:$0x3F9C];
	s0 =	simm.s32 @p1 $0x1  }
0x15: {  	[smem:$0x3FB9] =	sst s0;
	s0 =	simm.s32 @!p2 $0x0  }
0x16: {  	s3 =	sld [smem:$0x3FDB];
	s0 =	simm.s32 @p2 $0x1  }
0x17: {  	s4 =	simm.s32 $0x1BF5;
	[smem:$0x3FBB] =	sst s0  }
0x18: {  	s0 =	sld [smem:$0x3F9E];
	_ =	swait.ge [sflag:s4], $0x0  }
0x19: {  	s7 =	sld [smem:$0x3F9F]  }
0x1a: {  	s8 =	sadd.s32 $0xFFFFE003, lr  }
0x1b: {  	s9 =	sadd.s32 $0xFFFFFEF7, lr;
	s5 =	simm.s32 $0xFFFFFFFF;
	p2 =	slt.u32 s8, $0xFFFFF086  }
0x1c: {  	p1 =	slt.u32 s9, $0xF7A;
	s5 =	simm.s32 @!p2 $0x0  }
0x1d: {  	s5 =	simm.s32 @p1 $0x1;
	p0 =	seq.s32 s7, s2  }
0x1e: {  	s7 =	smul.u32 @!p0 $0xF7A, s2;
	p2 =	seq.s32 @!p0 s5, $0x0  }
0x1f: {  	s9 =	smul.u32 $0xF7A, s1;
	s8 =	simm.s32 @!p0 $0x1BF5;
	p2 =	por !p2, p0  }
0x20: {  	[sflag:s8] =	ssyncset.s32 @!p0 $0xFFFFF086;
	s6 =	sadd.s32 @!p0 s3, s7;
	s7 =	simm.s32 @!p0 $0x108  }
0x21: {  	s3 =	sadd.s32 s3, s9;
	s6 =	sadd.s32 @!p0 $0x88, s6;
	s7 =	simm.s32 @p2 $0x1082  }
0x22: {  	[simem:s7], [sflag:s8] =	dma.local @!p0 [hbm:s6], $0xF7A  }
0x23: {  	s9 =	sor.u32 $0xD0000000, s2;
	s6 =	simm.s32 $0x108;
	_ =	swait.ge @!p0 [sflag:s8], $0x0  }
0x24: {  	s3 =	sadd.s32 $0x88, s3;
	s6 =	simm.s32 @!p1 $0x1082;
	[sflag:s4] =	ssyncset.s32 $0xFFFFF086  }
0x25: {  	[simem:s6], [sflag:s4] =	dma.local [hbm:s3], $0xF7A  }
0x26: {  	[smem:$0x3F9F] =	sst s1;
	(tag) =	ssettag s2;
	_ =	strace s9  }
0x27: {  	s1 =	sld [smem:$0x3FAF]  }
0x28: {  	s2 =	sld [smem:$0x3FB0]  }
0x29: {  	s4 =	sld [smem:$0x3FB2]  }
0x2a: {  	p0 =	seq.s32 s5, $0x0;
	s5 =	sld [smem:$0x3FB3]  }
0x2b: {  	s6 =	sld [smem:$0x3FB4]  }
0x2c: {  	s7 =	sld [smem:$0x3FB5]  }
0x2d: {  	s3 =	simm.s32 $0x108;
	s8 =	sld [smem:$0x3FB6]  }
0x2e: {  	s3 =	simm.s32 @!p0 $0x1082;
	s9 =	sld [smem:$0x3FB7]  }
0x2f: {  	lr =	sadd.s32 s0, s3;
	s0 =	sld [smem:$0x3FAE]  }
0x30: {  	s3 =	sld [smem:$0x3FB1]  }
0x31: {  	[smem:$0x3FBA] =	sst s10  }
0x32: {  	s10 =	sld [smem:$0x3FB8];
	_ =	sdelay $0x3  }
0x33: {  	p0 =	seq.s32 s10, $0x1;
	s10 =	sld [smem:$0x3FBA];
	_ =	sdelay $0x3  }
0x34: {  	[smem:$0x3FBA] =	sst s10  }
0x35: {  	s10 =	sld [smem:$0x3FB9];
	_ =	sdelay $0x3  }
0x36: {  	p1 =	seq.s32 s10, $0x1;
	s10 =	sld [smem:$0x3FBA];
	_ =	sdelay $0x3  }
0x37: {  	[smem:$0x3FBA] =	sst s10  }
0x38: {  	s10 =	sld [smem:$0x3FBB]  }
0x39: {  	_ = 	snop;
	(pc) =	sbr.ind lr, $3  }
0x3a: {  	_ = 	snop  }
0x3b: {  	_ = 	snop  }
0x3c: {  	p2 =	seq.s32 s10, $0x1;
	s10 =	sld [smem:$0x3FBA]  }
0x3d: {  	_ =	shalt  }
0x3e: {  	_ =	shalt  }
0x3f: {  	_ =	shalt  }
0x40: {  	_ =	shalt  }
0x41: {  	_ =	shalt  }
0x42: {  	_ =	shalt  }
0x43: {  	_ =	shalt  }
0x44: {  	_ =	shalt  }
0x45: {  	_ =	shalt  }
0x46: {  	_ =	shalt  }
0x47: {  	_ =	shalt  }
0x48: {  	_ =	shalt  }
0x49: {  	_ =	shalt  }
0x4a: {  	_ =	shalt  }
0x4b: {  	_ =	shalt  }
0x4c: {  	_ =	shalt  }
0x4d: {  	_ =	shalt  }
0x4e: {  	_ =	shalt  }
0x4f: {  	_ =	shalt  }
0x50: {  	_ =	shalt  }
0x51: {  	_ =	shalt  }
0x52: {  	_ =	shalt  }
0x53: {  	_ =	shalt  }
0x54: {  	_ =	shalt  }
0x55: {  	_ =	shalt  }
0x56: {  	_ =	shalt  }
0x57: {  	_ =	shalt  }
0x58: {  	_ =	shalt  }
0x59: {  	_ =	shalt  }
0x5a: {  	_ =	shalt  }
0x5b: {  	_ =	shalt  }
0x5c: {  	_ =	shalt  }
0x5d: {  	_ =	shalt  }
0x5e: {  	_ =	shalt  }
0x5f: {  	_ =	shalt  }
0x60: {  	_ =	shalt  }
0x61: {  	_ =	shalt  }
0x62: {  	_ =	shalt  }
0x63: {  	_ =	shalt  }
0x64: {  	_ =	shalt  }
0x65: {  	_ =	shalt  }
0x66: {  	_ =	shalt  }
0x67: {  	_ =	shalt  }
0x68: {  	_ =	shalt  }
0x69: {  	_ =	shalt  }
0x6a: {  	_ =	shalt  }
0x6b: {  	_ =	shalt  }
0x6c: {  	_ =	shalt  }
0x6d: {  	_ =	shalt  }
0x6e: {  	_ =	shalt  }
0x6f: {  	_ =	shalt  }
0x70: {  	_ =	shalt  }
0x71: {  	_ =	shalt  }
0x72: {  	_ =	shalt  }
0x73: {  	_ =	shalt  }
0x74: {  	_ =	shalt  }
0x75: {  	_ =	shalt  }
0x76: {  	_ =	shalt  }
0x77: {  	_ =	shalt  }
0x78: {  	_ =	shalt  }
0x79: {  	_ =	shalt  }
0x7a: {  	_ =	shalt  }
0x7b: {  	_ =	shalt  }
0x7c: {  	_ =	shalt  }
0x7d: {  	_ =	shalt  }
0x7e: {  	_ =	shalt  }
0x7f: {  	_ =	shalt  }
0x80: {  	_ =	shalt  }
0x81: {  	_ =	shalt  }
0x82: {  	_ =	shalt  }
0x83: {  	_ =	shalt  }
0x84: {  	_ =	shalt  }
0x85: {  	_ =	shalt  }
0x86: {  	_ =	shalt  }
0x87: {  	_ =	shalt  }
.Lfunc_end0:
.L_simem_size_0:
called_computation_lowered:
.L_overlay_start_0:
0x88: {  	s2 =	sld [smem:$0x3FD9]  }
0x89: {  	s3 =	sld [smem:$0x3FFE];
	_ =	sdelay $0x1  }
0x8a: {  	s1 =	srdreg.scid  }
0x8b: {  	s0 =	sand.u32 $0x1, s1  }
0x8c: {  	s17 =	sshll.u32 s0, $0xA;
	s2 =	sadd.s32 s3, s2  }
0x8d: {  	s2 =	sadd.s32 s2, s17  }
0x8e: {  	[smem:$0x3FC6] =	sst s2  }
0x8f: {  	_ = 	snop  }
0x90: {  	s2 =	sld [smem:$0x3FC9]  }
0x91: {  	s18 =	sld [smem:$0x3FD0];
	(tm) =	ssettm $0x1  }
0x92: {  	s4 =	sld [smem:$0x3FFB];
	_ =	sdelay $0x3  }
0x93: {  	_ =	strace s4  }
0x94: {  	s4 =	sld [smem:$0x3FFC];
	_ =	sdelay $0x3  }
0x95: {  	_ =	strace s4  }
0x96: {  	s4 =	sld [smem:$0x3FFD];
	_ =	sdelay $0x3  }
0x97: {  	_ =	strace s4  }
0x98: {  	_ =	strace $0x8FFFFFFF  }
0x99: {  	s19 =	sld [smem:$0x3FDB];
	_ =	sdelay $0x1  }
0x9a: {  	s5 =	simm.s32 $_scs_section_size  }
0x9b: {  	s6 =	simm.s32 $_size__tile_overlayer_lowered;
	s7 =	simm.s32 $_tile_overlayer_lowered  }
0x9c: {  	s22 =	simm.s32 $0x1BFF;
	s21 =	sshll.u32 s7, $0x1;
	s4 =	sadd.s32 s5, s19  }
0x9d: {  	s8 =	simm.s32 $0x0;
	s20 =	sshll.u32 s6, $0x1;
	s6 =	sadd.s32 s21, s4  }
0x9e: {  	[timem:s8], [sflag:s22] =	dma.local [hbm:s6], s20  }
0x9f: {  	_ =	swait.ge [sflag:s22], s20  }
0xa0: {  	s5 =	ssub.s32 $0x0, s20;
	[sflag:s22] =	ssyncset.done $0x0  }
0xa1: {  	[sflag:s22] =	ssyncadd.s32 s5;
	_ =	sdelay $0x1  }
0xa2: {  	s23 =	simm.s32 $0x1B8B  }
0xa3: {  	_ =	swait.ge [sflag:s23], $0x1  }
0xa4: {  	[sflag:s23] =	ssyncset.done $0x0  }
0xa5: {  	s25 =	simm.s32 $0x1B8E;
	s24 =	sld [smem:$0x3FFE];
	[sflag:s23] =	ssyncadd.s32 $0xFFFFFFFF  }
0xa6: {  	s26 =	simm.s32 $execute0_lowered;
	[smem:$0x3FD2] =	sst s25  }
0xa7: {  	s6 =	sshll.u32 s26, $0x1;
	_ =	strace $0x80000046;
	[dreg:$0x1] =	wrdreg $0xFFFFFFFF  }
0xa8: {  	s28 =	simm.s32 $_size_execute0_lowered;
	s4 =	sadd.s32 s4, s6;
	[dreg:$0x0] =	wrdreg $0x0  }
0xa9: {  	s6 =	sshll.u32 s28, $0x1;
	[dreg:$0x2] =	wrdreg s4  }
0xaa: {  	[dreg:$0x3] =	wrdreg s6  }
0xab: {  	[dreg:$0x4] =	wrdreg $0xC0  }
0xac: {  	_ =	task [dreg:s8], $0x5FFFF  }
0xad: {  	[dreg:$0x1] =	wrdreg $0xFFFFFFFF  }
0xae: {  	[dreg:$0x0] =	wrdreg $0x60  }
0xaf: {  	[dreg:$0x2] =	wrdreg s24  }
0xb0: {  	[dreg:$0x3] =	wrdreg s2  }
0xb1: {  	[dreg:$0x4] =	wrdreg s18  }
0xb2: {  	[dreg:$0x5] =	wrdreg $0x9  }
0xb3: {  	_ =	task.clear_ibuf [dreg:s8], $0x6FFFF;
	_ =	strace $0x90000046  }
0xb4: {  	s29 =	simm.s32 $0x9;
	_ =	strace $0x80000048  }
0xb5: {  	_ =	swait.ge [sflag:s29], $0x1  }
0xb6: {  	[sflag:s29] =	ssyncadd.s32 $0xFFFFFFFF  }
0xb7: {  	_ =	strace $0x90000048  }
0xb8: {  	_ =	sfence  }
0xb9: {  	s30 =	sld [smem:$0x0];
	_ =	sdelay $0x2  }
0xba: {  	s31 =	sshll.u32 s1, $0xD;
	s1 =	sshrl.u32 s1, $0x2  }
0xbb: {  	s3 =	sand.u32 $0x4000, s31;
	s1 =	sadd.s32 s1, s30  }
0xbc: {  	s0 =	sor.u32 s3, s0;
	s1 =	sshll.u32 s1, $0x11  }
0xbd: {  	s0 =	sor.u32 s1, s0  }
0xbe: {  	s0 =	sadd.s32 $0x8F2B, s0  }
0xbf: {  	[sflag:s0] =	ssyncadd.remote.s32 $0x1  }
0xc0: {  	_ =	sfence.sel $0xFFFF  }
0xc1: {  	[dreg:$0x0] =	wrdreg $0xFFFFFFFF;
	(pc) =	sbr.abs _section_cstart, $3  }
0xc2: {  	[dreg:$0x1] =	wrdreg $0xFFFFFFFF  }
0xc3: {  	_ =	task.clear_ibuf [dreg:s8], $0x2FFFF;
	_ =	strace $0x9FFFFFFF  }
0xc4: {  	(tm) =	ssettm $0x7FFFFFFF  }
0xc5: {  	_ =	shalt  }
tec
execute0_lowered:
.L_overlay_start_1:
0x0: {  	(tag) =	ssettag $0x1  }
0x1: {  	s4 =	rddreg [dreg:$0x0]  }
0x2: {  	s6 =	rddreg [dreg:$0x1];
	s1 =	srdreg.scid  }
0x3: {  	s0 =	stileid.u32;
	s2 =	rddreg [dreg:$0x2]  }
0x4: {  	s3 =	simm.s32 $0x0;
	s11 =	simm.s32 $0x3;
	s12 =	simm.s32 $0x1  }
0x5: {  	s13 =	simm.s32 $0x400;
	s14 =	simm.s32 $0x8000;
	s15 =	simm.s32 $0x2  }
0x6: {  	s5 =	sand.u32 $0x1, s1;
	s7 =	sshll.u32 s0, $0x1;
	s1 =	rddreg [dreg:$0x3]  }
0x7: {  	s16 =	simm.s32 $0x0;
	[smem:$0x7FF] =	sst s3;
	s7 =	sor.u32 s5, s7  }
0x8: {  	s4 =	sadd.s32 $0x600, s4;
	s5 =	ssub.s32 $0x2, s5;
	s8 =	smul.u32 $0x19000, s7  }
0x9: {  	_ =	strace $0x80000047;
	s9 =	sshrl.u32 s5, $0x1;
	s10 =	smul.u32 $0x3200, s7  }
0xa: {  	s9 =	ssub.s32 s5, s9;
	s5 =	smul.u32 $0x19, s7;
	s8 =	sshrl.u32 s8, $0x3  }
0xb: {  	s8 =	sadd.s32 s6, s8;
	s6 =	sadd.s32 s6, s10;
	s10 =	simm.s32 $0x2080  }
0xc: {  	s7 =	sadd.s32 $0x400, s8;
	s8 =	smax.u32 s9, $0x1;
	s9 =	simm.s32 $0x80  }
.LBB2_1:
0xd: {  	[tilespmem:s9], [sflag:$0x1] =	stream.linear.gather [hbm4b:s6+s3], $0x2000, $0x38;
	[tilespmem:$0x1F080] =	vst v63  }
0xe: {  	_ = 	snop  }
0xf: {  	[tilespmem:s10], [sflag:$0x1] =	stream.linear.gather [hbm4b:s7+s3], $0x17000, $0x38;
	[tilespmem:$0x1F080] =	vst v63  }
0x10: {  	_ = 	snop  }
0x11: {  	[tilespmem:s3], [sflag:$0x3] =	stream.linear.gather [hbm4b:s4+s3], $0x80, $0x38;
	[tilespmem:$0x1F080] =	vst v63  }
0x12: {  	_ =	swait.ge [sflag:s11], $0x80  }
0x13: {  	[sflag:s11] =	ssyncset.done $0x0  }
0x14: {  	[sflag:s11] =	ssyncadd.s32 $0xFFFFFF80  }
0x15: {  	v0 =	vld [tilespmem:$0x0]  }
0x16: {  	v1 =	vld [tilespmem:$0x10]  }
0x17: {  	_ =	swait.ge [sflag:s12], $0x2000  }
0x18: {  	s17 =	simm.s32 $0x19870;
	[sflag:s12] =	ssyncset.done $0x0  }
0x19: {  	s18 =	simm.s32 $0x880;
	s19 =	simm.s32 $0x0;
	[sflag:s12] =	ssyncadd.s32 $0xFFFFE000  }
.LBB2_2:
0x1a: {  	p0 =	sne.s32 s19, $0x2  }
0x1b: {  	p1 =	slt.u32 @p0 s19, $0x3  }
0x1c: {  	p1 =	por p1, !p0  }
0x1d: {  	s20 =	simm.s32 @!p1 $0x2  }
0x1e: {  	_ =	swait.ge @!p1 [sflag:s20], $0x2000  }
0x1f: {  	[sflag:s20] =	ssyncset.done @!p1 $0x0  }
0x20: {  	[sflag:s20] =	ssyncadd.s32 @!p1 $0xFFFFE000;
	s20 =	simm.s32 @!p0 $0x1  }
0x21: {  	_ =	swait.ge @!p0 [sflag:s20], $0x17000  }
0x22: {  	[sflag:s20] =	ssyncset.done @!p0 $0x0  }
0x23: {  	s21 =	smulhi.u32 $0xAAAAAAAB, s19;
	[sflag:s20] =	ssyncadd.s32 @!p0 $0xFFFE9000  }
0x24: {  	v3 =	vld [tilespmem:s18+$0xFFFFF880]  }
0x25: {  	s31 =	sshrl.u32 s21, $0x1  }
0x26: {  	s20 =	smul.u32 $0xFFFE8000, s31;
	v4 =	vld [tilespmem:s18+$0xFFFFF800];
	_ =	sdelay $0x1  }
0x27: {  	s20 =	sshra.s32 s20, $0x2  }
0x28: {  	v2 =	vmov s20;
	v5 =	vshrl.u32 v3, $0x1B  }
0x29: {  	v5 =	vand.u32 $0x10, v5  }
0x2a: {  	v6 =	vshrl.u32 v4, $0x1B;
	v3 =	vadd.s32 v3, v5  }
0x2b: {  	v5 =	vand.u32 $0x10, v6;
	v6 =	vperm.xlane v0, v3  }
0x2c: {  	v4 =	vadd.s32 v4, v5;
	v3 =	vperm.xlane v1, v3  }
0x2d: {  	v5 =	vperm.xlane v0, v4;
	[tilespmem:v2+s17+$0xFFFFFC10 ss:$0x1] =	vst.idx.msk $0xffff, v6  }
0x2e: {  	v4 =	vperm.xlane v1, v4;
	[tilespmem:v2+s17+$0xFFFFFC90 ss:$0x1] =	vst.idx.msk $0xffff, v3  }
0x2f: {  	[tilespmem:v2+s17+$0xFFFFF810 ss:$0x1] =	vst.idx.msk $0xffff, v5;
	v3 =	vld [tilespmem:s18+$0xFFFFF890]  }
0x30: {  	[tilespmem:v2+s17+$0xFFFFF890 ss:$0x1] =	vst.idx.msk $0xffff, v4  }
0x31: {  	v4 =	vld [tilespmem:s18+$0xFFFFF810];
	_ =	sdelay $0x2  }
0x32: {  	v5 =	vshrl.u32 v3, $0x1B  }
0x33: {  	v5 =	vand.u32 $0x10, v5  }
0x34: {  	v6 =	vshrl.u32 v4, $0x1B;
	v3 =	vadd.s32 v3, v5  }
0x35: {  	v5 =	vand.u32 $0x10, v6;
	v6 =	vperm.xlane v0, v3  }
0x36: {  	v4 =	vadd.s32 v4, v5;
	v3 =	vperm.xlane v1, v3  }
0x37: {  	v5 =	vperm.xlane v0, v4;
	[tilespmem:v2+s17+$0xFFFFFC20 ss:$0x1] =	vst.idx.msk $0xffff, v6  }
0x38: {  	v4 =	vperm.xlane v1, v4;
	[tilespmem:v2+s17+$0xFFFFFCA0 ss:$0x1] =	vst.idx.msk $0xffff, v3  }
0x39: {  	[tilespmem:v2+s17+$0xFFFFF820 ss:$0x1] =	vst.idx.msk $0xffff, v5;
	v3 =	vld [tilespmem:s18+$0xFFFFF8A0]  }
0x3a: {  	[tilespmem:v2+s17+$0xFFFFF8A0 ss:$0x1] =	vst.idx.msk $0xffff, v4  }
0x3b: {  	v4 =	vld [tilespmem:s18+$0xFFFFF820];
	_ =	sdelay $0x2  }
0x3c: {  	v5 =	vshrl.u32 v3, $0x1B  }
0x3d: {  	v5 =	vand.u32 $0x10, v5  }
0x3e: {  	v6 =	vshrl.u32 v4, $0x1B;
	v3 =	vadd.s32 v3, v5  }
0x3f: {  	v5 =	vand.u32 $0x10, v6;
	v6 =	vperm.xlane v0, v3  }
0x40: {  	v4 =	vadd.s32 v4, v5;
	v3 =	vperm.xlane v1, v3  }
0x41: {  	v5 =	vperm.xlane v0, v4;
	[tilespmem:v2+s17+$0xFFFFFC30 ss:$0x1] =	vst.idx.msk $0xffff, v6  }
0x42: {  	v4 =	vperm.xlane v1, v4;
	[tilespmem:v2+s17+$0xFFFFFCB0 ss:$0x1] =	vst.idx.msk $0xffff, v3  }
0x43: {  	[tilespmem:v2+s17+$0xFFFFF830 ss:$0x1] =	vst.idx.msk $0xffff, v5;
	v3 =	vld [tilespmem:s18+$0xFFFFF8B0]  }
0x44: {  	[tilespmem:v2+s17+$0xFFFFF8B0 ss:$0x1] =	vst.idx.msk $0xffff, v4  }
0x45: {  	v4 =	vld [tilespmem:s18+$0xFFFFF830];
	_ =	sdelay $0x2  }
0x46: {  	v5 =	vshrl.u32 v3, $0x1B  }
0x47: {  	v5 =	vand.u32 $0x10, v5  }
0x48: {  	v6 =	vshrl.u32 v4, $0x1B;
	v3 =	vadd.s32 v3, v5  }
0x49: {  	v5 =	vand.u32 $0x10, v6;
	v6 =	vperm.xlane v0, v3  }
0x4a: {  	v4 =	vadd.s32 v4, v5;
	v3 =	vperm.xlane v1, v3  }
0x4b: {  	v5 =	vperm.xlane v0, v4;
	[tilespmem:v2+s17+$0xFFFFFC40 ss:$0x1] =	vst.idx.msk $0xffff, v6  }
0x4c: {  	v4 =	vperm.xlane v1, v4;
	[tilespmem:v2+s17+$0xFFFFFCC0 ss:$0x1] =	vst.idx.msk $0xffff, v3  }
0x4d: {  	[tilespmem:v2+s17+$0xFFFFF840 ss:$0x1] =	vst.idx.msk $0xffff, v5;
	v3 =	vld [tilespmem:s18+$0xFFFFF8C0]  }
0x4e: {  	[tilespmem:v2+s17+$0xFFFFF8C0 ss:$0x1] =	vst.idx.msk $0xffff, v4  }
0x4f: {  	v4 =	vld [tilespmem:s18+$0xFFFFF840];
	_ =	sdelay $0x2  }
0x50: {  	v5 =	vshrl.u32 v3, $0x1B  }
0x51: {  	v5 =	vand.u32 $0x10, v5  }
0x52: {  	v6 =	vshrl.u32 v4, $0x1B;
	v3 =	vadd.s32 v3, v5  }
0x53: {  	v5 =	vand.u32 $0x10, v6;
	v6 =	vperm.xlane v0, v3  }
0x54: {  	v4 =	vadd.s32 v4, v5;
	v3 =	vperm.xlane v1, v3  }
0x55: {  	v5 =	vperm.xlane v0, v4;
	[tilespmem:v2+s17+$0xFFFFFC50 ss:$0x1] =	vst.idx.msk $0xffff, v6  }
0x56: {  	v4 =	vperm.xlane v1, v4;
	[tilespmem:v2+s17+$0xFFFFFCD0 ss:$0x1] =	vst.idx.msk $0xffff, v3  }
0x57: {  	[tilespmem:v2+s17+$0xFFFFF850 ss:$0x1] =	vst.idx.msk $0xffff, v5;
	v3 =	vld [tilespmem:s18+$0xFFFFF8D0]  }
0x58: {  	[tilespmem:v2+s17+$0xFFFFF8D0 ss:$0x1] =	vst.idx.msk $0xffff, v4  }
0x59: {  	v4 =	vld [tilespmem:s18+$0xFFFFF850];
	_ =	sdelay $0x2  }
0x5a: {  	v5 =	vshrl.u32 v3, $0x1B  }
0x5b: {  	v5 =	vand.u32 $0x10, v5  }
0x5c: {  	v6 =	vshrl.u32 v4, $0x1B;
	v3 =	vadd.s32 v3, v5  }
0x5d: {  	v5 =	vand.u32 $0x10, v6;
	v6 =	vperm.xlane v0, v3  }
0x5e: {  	v4 =	vadd.s32 v4, v5;
	v3 =	vperm.xlane v1, v3  }
0x5f: {  	v5 =	vperm.xlane v0, v4;
	[tilespmem:v2+s17+$0xFFFFFC60 ss:$0x1] =	vst.idx.msk $0xffff, v6  }
0x60: {  	v4 =	vperm.xlane v1, v4;
	[tilespmem:v2+s17+$0xFFFFFCE0 ss:$0x1] =	vst.idx.msk $0xffff, v3  }
0x61: {  	[tilespmem:v2+s17+$0xFFFFF860 ss:$0x1] =	vst.idx.msk $0xffff, v5;
	v3 =	vld [tilespmem:s18+$0xFFFFF8E0]  }
0x62: {  	[tilespmem:v2+s17+$0xFFFFF8E0 ss:$0x1] =	vst.idx.msk $0xffff, v4  }
0x63: {  	v4 =	vld [tilespmem:s18+$0xFFFFF860];
	_ =	sdelay $0x2  }
0x64: {  	v5 =	vshrl.u32 v3, $0x1B  }
0x65: {  	v5 =	vand.u32 $0x10, v5  }
0x66: {  	v6 =	vshrl.u32 v4, $0x1B;
	v3 =	vadd.s32 v3, v5  }
0x67: {  	v5 =	vand.u32 $0x10, v6;
	v6 =	vperm.xlane v0, v3  }
0x68: {  	v4 =	vadd.s32 v4, v5;
	v3 =	vperm.xlane v1, v3  }
0x69: {  	v5 =	vperm.xlane v0, v4;
	[tilespmem:v2+s17+$0xFFFFFC70 ss:$0x1] =	vst.idx.msk $0xffff, v6  }
0x6a: {  	v4 =	vperm.xlane v1, v4;
	[tilespmem:v2+s17+$0xFFFFFCF0 ss:$0x1] =	vst.idx.msk $0xffff, v3  }
0x6b: {  	[tilespmem:v2+s17+$0xFFFFF870 ss:$0x1] =	vst.idx.msk $0xffff, v5;
	v3 =	vld [tilespmem:s18+$0xFFFFF8F0]  }
0x6c: {  	[tilespmem:v2+s17+$0xFFFFF8F0 ss:$0x1] =	vst.idx.msk $0xffff, v4  }
0x6d: {  	v4 =	vld [tilespmem:s18+$0xFFFFF870];
	_ =	sdelay $0x2  }
0x6e: {  	v5 =	vshrl.u32 v3, $0x1B  }
0x6f: {  	v5 =	vand.u32 $0x10, v5  }
0x70: {  	v6 =	vshrl.u32 v4, $0x1B;
	v3 =	vadd.s32 v3, v5  }
0x71: {  	v5 =	vand.u32 $0x10, v6;
	v6 =	vperm.xlane v0, v3  }
0x72: {  	v4 =	vadd.s32 v4, v5;
	v3 =	vperm.xlane v1, v3  }
0x73: {  	v5 =	vperm.xlane v0, v4;
	[tilespmem:v2+s17+$0xFFFFFC80 ss:$0x1] =	vst.idx.msk $0xffff, v6  }
0x74: {  	v4 =	vperm.xlane v1, v4;
	[tilespmem:v2+s17+$0xFFFFFD00 ss:$0x1] =	vst.idx.msk $0xffff, v3  }
0x75: {  	[tilespmem:v2+s17+$0xFFFFF880 ss:$0x1] =	vst.idx.msk $0xffff, v5;
	v3 =	vld [tilespmem:s18+$0xFFFFFC80]  }
0x76: {  	[tilespmem:v2+s17+$0xFFFFF900 ss:$0x1] =	vst.idx.msk $0xffff, v4  }
0x77: {  	v4 =	vld [tilespmem:s18+$0xFFFFFC00];
	_ =	sdelay $0x2  }
0x78: {  	v5 =	vshrl.u32 v3, $0x1B  }
0x79: {  	v5 =	vand.u32 $0x10, v5  }
0x7a: {  	v6 =	vshrl.u32 v4, $0x1B;
	v3 =	vadd.s32 v3, v5  }
0x7b: {  	v5 =	vand.u32 $0x10, v6;
	v6 =	vperm.xlane v0, v3  }
0x7c: {  	v4 =	vadd.s32 v4, v5;
	v3 =	vperm.xlane v1, v3  }
0x7d: {  	v5 =	vperm.xlane v0, v4;
	[tilespmem:v2+s17+$0xFFFFFD10 ss:$0x1] =	vst.idx.msk $0xffff, v6  }
0x7e: {  	v4 =	vperm.xlane v1, v4;
	[tilespmem:v2+s17+$0xFFFFFD90 ss:$0x1] =	vst.idx.msk $0xffff, v3  }
0x7f: {  	[tilespmem:v2+s17+$0xFFFFF910 ss:$0x1] =	vst.idx.msk $0xffff, v5;
	v3 =	vld [tilespmem:s18+$0xFFFFFC90]  }
0x80: {  	[tilespmem:v2+s17+$0xFFFFF990 ss:$0x1] =	vst.idx.msk $0xffff, v4  }
0x81: {  	v4 =	vld [tilespmem:s18+$0xFFFFFC10];
	_ =	sdelay $0x2  }
0x82: {  	v5 =	vshrl.u32 v3, $0x1B  }
0x83: {  	v5 =	vand.u32 $0x10, v5  }
0x84: {  	v6 =	vshrl.u32 v4, $0x1B;
	v3 =	vadd.s32 v3, v5  }
0x85: {  	v5 =	vand.u32 $0x10, v6;
	v6 =	vperm.xlane v0, v3  }
0x86: {  	v4 =	vadd.s32 v4, v5;
	v3 =	vperm.xlane v1, v3  }
0x87: {  	v5 =	vperm.xlane v0, v4;
	[tilespmem:v2+s17+$0xFFFFFD20 ss:$0x1] =	vst.idx.msk $0xffff, v6  }
0x88: {  	v4 =	vperm.xlane v1, v4;
	[tilespmem:v2+s17+$0xFFFFFDA0 ss:$0x1] =	vst.idx.msk $0xffff, v3  }
0x89: {  	[tilespmem:v2+s17+$0xFFFFF920 ss:$0x1] =	vst.idx.msk $0xffff, v5;
	v3 =	vld [tilespmem:s18+$0xFFFFFCA0]  }
0x8a: {  	[tilespmem:v2+s17+$0xFFFFF9A0 ss:$0x1] =	vst.idx.msk $0xffff, v4  }
0x8b: {  	v4 =	vld [tilespmem:s18+$0xFFFFFC20];
	_ =	sdelay $0x2  }
0x8c: {  	v5 =	vshrl.u32 v3, $0x1B  }
0x8d: {  	v5 =	vand.u32 $0x10, v5  }
0x8e: {  	s21 =	sadd.s32 $0x100, s18;
	v6 =	vshrl.u32 v4, $0x1B;
	v3 =	vadd.s32 v3, v5  }
0x8f: {  	v5 =	vld [tilespmem:s21+$0xFFFFF880];
	v6 =	vand.u32 $0x10, v6;
	v7 =	vperm.xlane v0, v3  }
0x90: {  	v4 =	vadd.s32 v4, v6;
	v3 =	vperm.xlane v1, v3  }
0x91: {  	v6 =	vld [tilespmem:s21+$0xFFFFF800];
	v8 =	vperm.xlane v0, v4;
	[tilespmem:v2+s17+$0xFFFFFD30 ss:$0x1] =	vst.idx.msk $0xffff, v7  }
0x92: {  	v4 =	vperm.xlane v1, v4;
	[tilespmem:v2+s17+$0xFFFFFDB0 ss:$0x1] =	vst.idx.msk $0xffff, v3  }
0x93: {  	[tilespmem:v2+s17+$0xFFFFF930 ss:$0x1] =	vst.idx.msk $0xffff, v8;
	v3 =	vld [tilespmem:s18+$0xFFFFFCB0]  }
0x94: {  	v7 =	vshrl.u32 v5, $0x1B;
	[tilespmem:v2+s17+$0xFFFFF9B0 ss:$0x1] =	vst.idx.msk $0xffff, v4  }
0x95: {  	v4 =	vand.u32 $0x10, v7;
	v7 =	vld [tilespmem:s18+$0xFFFFFC30]  }
0x96: {  	v8 =	vshrl.u32 v6, $0x1B;
	v4 =	vadd.s32 v5, v4  }
0x97: {  	v5 =	vand.u32 $0x10, v8;
	v8 =	vperm.xlane v0, v4  }
0x98: {  	s20 =	sadd.s32 $0x800, s17;
	v5 =	vadd.s32 v6, v5;
	v4 =	vperm.xlane v1, v4;
	v6 =	vshrl.u32 v3, $0x1B  }
0x99: {  	v9 =	vperm.xlane v0, v5;
	[tilespmem:v2+s20+$0xFFFFFC10 ss:$0x1] =	vst.idx.msk $0xffff, v8;
	v6 =	vand.u32 $0x10, v6  }
0x9a: {  	v5 =	vperm.xlane v1, v5;
	[tilespmem:v2+s20+$0xFFFFFC90 ss:$0x1] =	vst.idx.msk $0xffff, v4;
	v4 =	vshrl.u32 v7, $0x1B;
	v3 =	vadd.s32 v3, v6  }
0x9b: {  	[tilespmem:v2+s20+$0xFFFFF810 ss:$0x1] =	vst.idx.msk $0xffff, v9;
	v6 =	vld [tilespmem:s21+$0xFFFFF890];
	v4 =	vand.u32 $0x10, v4;
	v8 =	vperm.xlane v0, v3  }
0x9c: {  	[tilespmem:v2+s20+$0xFFFFF890 ss:$0x1] =	vst.idx.msk $0xffff, v5;
	v4 =	vadd.s32 v7, v4;
	v3 =	vperm.xlane v1, v3  }
0x9d: {  	v5 =	vld [tilespmem:s21+$0xFFFFF810];
	v7 =	vperm.xlane v0, v4;
	[tilespmem:v2+s17+$0xFFFFFD40 ss:$0x1] =	vst.idx.msk $0xffff, v8  }
0x9e: {  	v4 =	vperm.xlane v1, v4;
	[tilespmem:v2+s17+$0xFFFFFDC0 ss:$0x1] =	vst.idx.msk $0xffff, v3  }
0x9f: {  	[tilespmem:v2+s17+$0xFFFFF940 ss:$0x1] =	vst.idx.msk $0xffff, v7;
	v3 =	vld [tilespmem:s18+$0xFFFFFCC0]  }
0xa0: {  	v7 =	vshrl.u32 v6, $0x1B;
	[tilespmem:v2+s17+$0xFFFFF9C0 ss:$0x1] =	vst.idx.msk $0xffff, v4  }
0xa1: {  	v4 =	vand.u32 $0x10, v7;
	v7 =	vld [tilespmem:s18+$0xFFFFFC40]  }
0xa2: {  	v8 =	vshrl.u32 v5, $0x1B;
	v4 =	vadd.s32 v6, v4  }
0xa3: {  	v6 =	vand.u32 $0x10, v8;
	v8 =	vperm.xlane v0, v4  }
0xa4: {  	v5 =	vadd.s32 v5, v6;
	v4 =	vperm.xlane v1, v4;
	v6 =	vshrl.u32 v3, $0x1B  }
0xa5: {  	v9 =	vperm.xlane v0, v5;
	[tilespmem:v2+s20+$0xFFFFFC20 ss:$0x1] =	vst.idx.msk $0xffff, v8;
	v6 =	vand.u32 $0x10, v6  }
0xa6: {  	v5 =	vperm.xlane v1, v5;
	[tilespmem:v2+s20+$0xFFFFFCA0 ss:$0x1] =	vst.idx.msk $0xffff, v4;
	v4 =	vshrl.u32 v7, $0x1B;
	v3 =	vadd.s32 v3, v6  }
0xa7: {  	[tilespmem:v2+s20+$0xFFFFF820 ss:$0x1] =	vst.idx.msk $0xffff, v9;
	v6 =	vld [tilespmem:s21+$0xFFFFF8A0];
	v4 =	vand.u32 $0x10, v4;
	v8 =	vperm.xlane v0, v3  }
0xa8: {  	[tilespmem:v2+s20+$0xFFFFF8A0 ss:$0x1] =	vst.idx.msk $0xffff, v5;
	v4 =	vadd.s32 v7, v4;
	v3 =	vperm.xlane v1, v3  }
0xa9: {  	v5 =	vld [tilespmem:s21+$0xFFFFF820];
	v7 =	vperm.xlane v0, v4;
	[tilespmem:v2+s17+$0xFFFFFD50 ss:$0x1] =	vst.idx.msk $0xffff, v8  }
0xaa: {  	v4 =	vperm.xlane v1, v4;
	[tilespmem:v2+s17+$0xFFFFFDD0 ss:$0x1] =	vst.idx.msk $0xffff, v3  }
0xab: {  	[tilespmem:v2+s17+$0xFFFFF950 ss:$0x1] =	vst.idx.msk $0xffff, v7;
	v3 =	vld [tilespmem:s18+$0xFFFFFCD0]  }
0xac: {  	v7 =	vshrl.u32 v6, $0x1B;
	[tilespmem:v2+s17+$0xFFFFF9D0 ss:$0x1] =	vst.idx.msk $0xffff, v4  }
0xad: {  	v4 =	vand.u32 $0x10, v7;
	v7 =	vld [tilespmem:s18+$0xFFFFFC50]  }
0xae: {  	v8 =	vshrl.u32 v5, $0x1B;
	v4 =	vadd.s32 v6, v4  }
0xaf: {  	v6 =	vand.u32 $0x10, v8;
	v8 =	vperm.xlane v0, v4  }
0xb0: {  	v5 =	vadd.s32 v5, v6;
	v4 =	vperm.xlane v1, v4;
	v6 =	vshrl.u32 v3, $0x1B  }
0xb1: {  	v9 =	vperm.xlane v0, v5;
	[tilespmem:v2+s20+$0xFFFFFC30 ss:$0x1] =	vst.idx.msk $0xffff, v8;
	v6 =	vand.u32 $0x10, v6  }
0xb2: {  	v5 =	vperm.xlane v1, v5;
	[tilespmem:v2+s20+$0xFFFFFCB0 ss:$0x1] =	vst.idx.msk $0xffff, v4;
	v4 =	vshrl.u32 v7, $0x1B;
	v3 =	vadd.s32 v3, v6  }
0xb3: {  	[tilespmem:v2+s20+$0xFFFFF830 ss:$0x1] =	vst.idx.msk $0xffff, v9;
	v6 =	vld [tilespmem:s21+$0xFFFFF8B0];
	v4 =	vand.u32 $0x10, v4;
	v8 =	vperm.xlane v0, v3  }
0xb4: {  	[tilespmem:v2+s20+$0xFFFFF8B0 ss:$0x1] =	vst.idx.msk $0xffff, v5;
	v4 =	vadd.s32 v7, v4;
	v3 =	vperm.xlane v1, v3  }
0xb5: {  	v5 =	vld [tilespmem:s21+$0xFFFFF830];
	v7 =	vperm.xlane v0, v4;
	[tilespmem:v2+s17+$0xFFFFFD60 ss:$0x1] =	vst.idx.msk $0xffff, v8  }
0xb6: {  	v4 =	vperm.xlane v1, v4;
	[tilespmem:v2+s17+$0xFFFFFDE0 ss:$0x1] =	vst.idx.msk $0xffff, v3  }
0xb7: {  	[tilespmem:v2+s17+$0xFFFFF960 ss:$0x1] =	vst.idx.msk $0xffff, v7;
	v3 =	vld [tilespmem:s18+$0xFFFFFCE0]  }
0xb8: {  	v7 =	vshrl.u32 v6, $0x1B;
	[tilespmem:v2+s17+$0xFFFFF9E0 ss:$0x1] =	vst.idx.msk $0xffff, v4  }
0xb9: {  	v4 =	vand.u32 $0x10, v7;
	v7 =	vld [tilespmem:s18+$0xFFFFFC60]  }
0xba: {  	v8 =	vshrl.u32 v5, $0x1B;
	v4 =	vadd.s32 v6, v4  }
0xbb: {  	v6 =	vand.u32 $0x10, v8;
	v8 =	vperm.xlane v0, v4  }
0xbc: {  	v5 =	vadd.s32 v5, v6;
	v4 =	vperm.xlane v1, v4;
	v6 =	vshrl.u32 v3, $0x1B  }
0xbd: {  	v9 =	vperm.xlane v0, v5;
	[tilespmem:v2+s20+$0xFFFFFC40 ss:$0x1] =	vst.idx.msk $0xffff, v8;
	v6 =	vand.u32 $0x10, v6  }
0xbe: {  	v5 =	vperm.xlane v1, v5;
	[tilespmem:v2+s20+$0xFFFFFCC0 ss:$0x1] =	vst.idx.msk $0xffff, v4;
	v4 =	vshrl.u32 v7, $0x1B;
	v3 =	vadd.s32 v3, v6  }
0xbf: {  	[tilespmem:v2+s20+$0xFFFFF840 ss:$0x1] =	vst.idx.msk $0xffff, v9;
	v6 =	vld [tilespmem:s21+$0xFFFFF8C0];
	v4 =	vand.u32 $0x10, v4;
	v8 =	vperm.xlane v0, v3  }
0xc0: {  	[tilespmem:v2+s20+$0xFFFFF8C0 ss:$0x1] =	vst.idx.msk $0xffff, v5;
	v4 =	vadd.s32 v7, v4;
	v3 =	vperm.xlane v1, v3  }
0xc1: {  	v5 =	vld [tilespmem:s21+$0xFFFFF840];
	v7 =	vperm.xlane v0, v4;
	[tilespmem:v2+s17+$0xFFFFFD70 ss:$0x1] =	vst.idx.msk $0xffff, v8  }
0xc2: {  	v4 =	vperm.xlane v1, v4;
	[tilespmem:v2+s17+$0xFFFFFDF0 ss:$0x1] =	vst.idx.msk $0xffff, v3  }
0xc3: {  	[tilespmem:v2+s17+$0xFFFFF970 ss:$0x1] =	vst.idx.msk $0xffff, v7;
	v3 =	vld [tilespmem:s18+$0xFFFFFCF0]  }
0xc4: {  	v7 =	vshrl.u32 v6, $0x1B;
	[tilespmem:v2+s17+$0xFFFFF9F0 ss:$0x1] =	vst.idx.msk $0xffff, v4  }
0xc5: {  	v4 =	vand.u32 $0x10, v7;
	v7 =	vld [tilespmem:s18+$0xFFFFFC70]  }
0xc6: {  	v8 =	vshrl.u32 v5, $0x1B;
	v4 =	vadd.s32 v6, v4  }
0xc7: {  	v6 =	vand.u32 $0x10, v8;
	v8 =	vperm.xlane v0, v4  }
0xc8: {  	v5 =	vadd.s32 v5, v6;
	v4 =	vperm.xlane v1, v4;
	v6 =	vshrl.u32 v3, $0x1B  }
0xc9: {  	v9 =	vperm.xlane v0, v5;
	[tilespmem:v2+s20+$0xFFFFFC50 ss:$0x1] =	vst.idx.msk $0xffff, v8;
	v6 =	vand.u32 $0x10, v6  }
0xca: {  	v5 =	vperm.xlane v1, v5;
	[tilespmem:v2+s20+$0xFFFFFCD0 ss:$0x1] =	vst.idx.msk $0xffff, v4;
	v4 =	vshrl.u32 v7, $0x1B;
	v3 =	vadd.s32 v3, v6  }
0xcb: {  	[tilespmem:v2+s20+$0xFFFFF850 ss:$0x1] =	vst.idx.msk $0xffff, v9;
	v6 =	vld [tilespmem:s21+$0xFFFFF8D0];
	v4 =	vand.u32 $0x10, v4;
	v8 =	vperm.xlane v0, v3  }
0xcc: {  	[tilespmem:v2+s20+$0xFFFFF8D0 ss:$0x1] =	vst.idx.msk $0xffff, v5;
	v4 =	vadd.s32 v7, v4;
	v3 =	vperm.xlane v1, v3  }
0xcd: {  	v5 =	vld [tilespmem:s21+$0xFFFFF850];
	v7 =	vperm.xlane v0, v4;
	[tilespmem:v2+s17+$0xFFFFFD80 ss:$0x1] =	vst.idx.msk $0xffff, v8  }
0xce: {  	v4 =	vperm.xlane v1, v4;
	[tilespmem:v2+s17+$0xFFFFFE00 ss:$0x1] =	vst.idx.msk $0xffff, v3  }
0xcf: {  	[tilespmem:v2+s17+$0xFFFFF980 ss:$0x1] =	vst.idx.msk $0xffff, v7;
	v3 =	vld [tilespmem:s18+$0x80]  }
0xd0: {  	v7 =	vshrl.u32 v6, $0x1B;
	[tilespmem:v2+s17+$0xFFFFFA00 ss:$0x1] =	vst.idx.msk $0xffff, v4  }
0xd1: {  	v4 =	vand.u32 $0x10, v7;
	v7 =	vld [tilespmem:s18+$0x0]  }
0xd2: {  	v8 =	vshrl.u32 v5, $0x1B;
	v4 =	vadd.s32 v6, v4  }
0xd3: {  	v6 =	vand.u32 $0x10, v8;
	v8 =	vperm.xlane v0, v4  }
0xd4: {  	v5 =	vadd.s32 v5, v6;
	v4 =	vperm.xlane v1, v4;
	v6 =	vshrl.u32 v3, $0x1B  }
0xd5: {  	v9 =	vperm.xlane v0, v5;
	[tilespmem:v2+s20+$0xFFFFFC60 ss:$0x1] =	vst.idx.msk $0xffff, v8;
	v6 =	vand.u32 $0x10, v6  }
0xd6: {  	v5 =	vperm.xlane v1, v5;
	[tilespmem:v2+s20+$0xFFFFFCE0 ss:$0x1] =	vst.idx.msk $0xffff, v4;
	v4 =	vshrl.u32 v7, $0x1B;
	v3 =	vadd.s32 v3, v6  }
0xd7: {  	[tilespmem:v2+s20+$0xFFFFF860 ss:$0x1] =	vst.idx.msk $0xffff, v9;
	v6 =	vld [tilespmem:s21+$0xFFFFF8E0];
	v4 =	vand.u32 $0x10, v4;
	v8 =	vperm.xlane v0, v3  }
0xd8: {  	[tilespmem:v2+s20+$0xFFFFF8E0 ss:$0x1] =	vst.idx.msk $0xffff, v5;
	v4 =	vadd.s32 v7, v4;
	v3 =	vperm.xlane v1, v3  }
0xd9: {  	v5 =	vld [tilespmem:s21+$0xFFFFF860];
	v7 =	vperm.xlane v0, v4;
	[tilespmem:v2+s17+$0xFFFFFE10 ss:$0x1] =	vst.idx.msk $0xffff, v8  }
0xda: {  	v4 =	vperm.xlane v1, v4;
	[tilespmem:v2+s17+$0xFFFFFE90 ss:$0x1] =	vst.idx.msk $0xffff, v3  }
0xdb: {  	[tilespmem:v2+s17+$0xFFFFFA10 ss:$0x1] =	vst.idx.msk $0xffff, v7;
	v3 =	vld [tilespmem:s18+$0x90]  }
0xdc: {  	v7 =	vshrl.u32 v6, $0x1B;
	[tilespmem:v2+s17+$0xFFFFFA90 ss:$0x1] =	vst.idx.msk $0xffff, v4  }
0xdd: {  	v4 =	vand.u32 $0x10, v7;
	v7 =	vld [tilespmem:s18+$0x10]  }
0xde: {  	v8 =	vshrl.u32 v5, $0x1B;
	v4 =	vadd.s32 v6, v4  }
0xdf: {  	v6 =	vand.u32 $0x10, v8;
	v8 =	vperm.xlane v0, v4  }
0xe0: {  	v5 =	vadd.s32 v5, v6;
	v4 =	vperm.xlane v1, v4;
	v6 =	vshrl.u32 v3, $0x1B  }
0xe1: {  	v9 =	vperm.xlane v0, v5;
	[tilespmem:v2+s20+$0xFFFFFC70 ss:$0x1] =	vst.idx.msk $0xffff, v8;
	v6 =	vand.u32 $0x10, v6  }
0xe2: {  	v5 =	vperm.xlane v1, v5;
	[tilespmem:v2+s20+$0xFFFFFCF0 ss:$0x1] =	vst.idx.msk $0xffff, v4;
	v4 =	vshrl.u32 v7, $0x1B;
	v3 =	vadd.s32 v3, v6  }
0xe3: {  	[tilespmem:v2+s20+$0xFFFFF870 ss:$0x1] =	vst.idx.msk $0xffff, v9;
	v6 =	vld [tilespmem:s21+$0xFFFFF8F0];
	v4 =	vand.u32 $0x10, v4;
	v8 =	vperm.xlane v0, v3  }
0xe4: {  	[tilespmem:v2+s20+$0xFFFFF8F0 ss:$0x1] =	vst.idx.msk $0xffff, v5;
	v4 =	vadd.s32 v7, v4;
	v3 =	vperm.xlane v1, v3  }
0xe5: {  	v5 =	vld [tilespmem:s21+$0xFFFFF870];
	v7 =	vperm.xlane v0, v4;
	[tilespmem:v2+s17+$0xFFFFFE20 ss:$0x1] =	vst.idx.msk $0xffff, v8  }
0xe6: {  	v4 =	vperm.xlane v1, v4;
	[tilespmem:v2+s17+$0xFFFFFEA0 ss:$0x1] =	vst.idx.msk $0xffff, v3  }
0xe7: {  	[tilespmem:v2+s17+$0xFFFFFA20 ss:$0x1] =	vst.idx.msk $0xffff, v7;
	v3 =	vld [tilespmem:s18+$0xA0]  }
0xe8: {  	v7 =	vshrl.u32 v6, $0x1B;
	[tilespmem:v2+s17+$0xFFFFFAA0 ss:$0x1] =	vst.idx.msk $0xffff, v4  }
0xe9: {  	v4 =	vand.u32 $0x10, v7;
	v7 =	vld [tilespmem:s18+$0x20]  }
0xea: {  	v8 =	vshrl.u32 v5, $0x1B;
	v4 =	vadd.s32 v6, v4  }
0xeb: {  	v6 =	vand.u32 $0x10, v8;
	v8 =	vperm.xlane v0, v4  }
0xec: {  	v5 =	vadd.s32 v5, v6;
	v4 =	vperm.xlane v1, v4;
	v6 =	vshrl.u32 v3, $0x1B  }
0xed: {  	v9 =	vperm.xlane v0, v5;
	[tilespmem:v2+s20+$0xFFFFFC80 ss:$0x1] =	vst.idx.msk $0xffff, v8;
	v6 =	vand.u32 $0x10, v6  }
0xee: {  	v5 =	vperm.xlane v1, v5;
	[tilespmem:v2+s20+$0xFFFFFD00 ss:$0x1] =	vst.idx.msk $0xffff, v4;
	v4 =	vshrl.u32 v7, $0x1B;
	v3 =	vadd.s32 v3, v6  }
0xef: {  	[tilespmem:v2+s20+$0xFFFFF880 ss:$0x1] =	vst.idx.msk $0xffff, v9;
	v6 =	vld [tilespmem:s21+$0xFFFFFC80];
	v4 =	vand.u32 $0x10, v4;
	v8 =	vperm.xlane v0, v3  }
0xf0: {  	[tilespmem:v2+s20+$0xFFFFF900 ss:$0x1] =	vst.idx.msk $0xffff, v5;
	v4 =	vadd.s32 v7, v4;
	v3 =	vperm.xlane v1, v3  }
0xf1: {  	v5 =	vld [tilespmem:s21+$0xFFFFFC00];
	v7 =	vperm.xlane v0, v4;
	[tilespmem:v2+s17+$0xFFFFFE30 ss:$0x1] =	vst.idx.msk $0xffff, v8  }
0xf2: {  	v4 =	vperm.xlane v1, v4;
	[tilespmem:v2+s17+$0xFFFFFEB0 ss:$0x1] =	vst.idx.msk $0xffff, v3  }
0xf3: {  	[tilespmem:v2+s17+$0xFFFFFA30 ss:$0x1] =	vst.idx.msk $0xffff, v7;
	v3 =	vld [tilespmem:s18+$0xB0]  }
0xf4: {  	v7 =	vshrl.u32 v6, $0x1B;
	[tilespmem:v2+s17+$0xFFFFFAB0 ss:$0x1] =	vst.idx.msk $0xffff, v4  }
0xf5: {  	v4 =	vand.u32 $0x10, v7;
	v7 =	vld [tilespmem:s18+$0x30]  }
0xf6: {  	v8 =	vshrl.u32 v5, $0x1B;
	v4 =	vadd.s32 v6, v4  }
0xf7: {  	v6 =	vand.u32 $0x10, v8;
	v8 =	vperm.xlane v0, v4  }
0xf8: {  	v5 =	vadd.s32 v5, v6;
	v4 =	vperm.xlane v1, v4;
	v6 =	vshrl.u32 v3, $0x1B  }
0xf9: {  	v9 =	vperm.xlane v0, v5;
	[tilespmem:v2+s20+$0xFFFFFD10 ss:$0x1] =	vst.idx.msk $0xffff, v8;
	v6 =	vand.u32 $0x10, v6  }
0xfa: {  	v5 =	vperm.xlane v1, v5;
	[tilespmem:v2+s20+$0xFFFFFD90 ss:$0x1] =	vst.idx.msk $0xffff, v4;
	v4 =	vshrl.u32 v7, $0x1B;
	v3 =	vadd.s32 v3, v6  }
0xfb: {  	[tilespmem:v2+s20+$0xFFFFF910 ss:$0x1] =	vst.idx.msk $0xffff, v9;
	v6 =	vld [tilespmem:s21+$0xFFFFFC90];
	v4 =	vand.u32 $0x10, v4;
	v8 =	vperm.xlane v0, v3  }
0xfc: {  	[tilespmem:v2+s20+$0xFFFFF990 ss:$0x1] =	vst.idx.msk $0xffff, v5;
	v4 =	vadd.s32 v7, v4;
	v3 =	vperm.xlane v1, v3  }
0xfd: {  	v5 =	vld [tilespmem:s21+$0xFFFFFC10];
	v7 =	vperm.xlane v0, v4;
	[tilespmem:v2+s17+$0xFFFFFE40 ss:$0x1] =	vst.idx.msk $0xffff, v8  }
0xfe: {  	v4 =	vperm.xlane v1, v4;
	[tilespmem:v2+s17+$0xFFFFFEC0 ss:$0x1] =	vst.idx.msk $0xffff, v3  }
0xff: {  	[tilespmem:v2+s17+$0xFFFFFA40 ss:$0x1] =	vst.idx.msk $0xffff, v7;
	v3 =	vld [tilespmem:s18+$0xC0]  }
0x100: {  	v7 =	vshrl.u32 v6, $0x1B;
	[tilespmem:v2+s17+$0xFFFFFAC0 ss:$0x1] =	vst.idx.msk $0xffff, v4  }
0x101: {  	v4 =	vand.u32 $0x10, v7;
	v7 =	vld [tilespmem:s18+$0x40]  }
0x102: {  	v8 =	vshrl.u32 v5, $0x1B;
	v4 =	vadd.s32 v6, v4  }
0x103: {  	v6 =	vand.u32 $0x10, v8;
	v8 =	vperm.xlane v0, v4  }
0x104: {  	v5 =	vadd.s32 v5, v6;
	v4 =	vperm.xlane v1, v4;
	v6 =	vshrl.u32 v3, $0x1B  }
0x105: {  	v9 =	vperm.xlane v0, v5;
	[tilespmem:v2+s20+$0xFFFFFD20 ss:$0x1] =	vst.idx.msk $0xffff, v8;
	v6 =	vand.u32 $0x10, v6  }
0x106: {  	v5 =	vperm.xlane v1, v5;
	[tilespmem:v2+s20+$0xFFFFFDA0 ss:$0x1] =	vst.idx.msk $0xffff, v4;
	v4 =	vshrl.u32 v7, $0x1B;
	v3 =	vadd.s32 v3, v6  }
0x107: {  	[tilespmem:v2+s20+$0xFFFFF920 ss:$0x1] =	vst.idx.msk $0xffff, v9;
	v6 =	vld [tilespmem:s21+$0xFFFFFCA0];
	v4 =	vand.u32 $0x10, v4;
	v8 =	vperm.xlane v0, v3  }
0x108: {  	[tilespmem:v2+s20+$0xFFFFF9A0 ss:$0x1] =	vst.idx.msk $0xffff, v5;
	v4 =	vadd.s32 v7, v4;
	v3 =	vperm.xlane v1, v3  }
0x109: {  	v5 =	vld [tilespmem:s21+$0xFFFFFC20];
	v7 =	vperm.xlane v0, v4;
	[tilespmem:v2+s17+$0xFFFFFE50 ss:$0x1] =	vst.idx.msk $0xffff, v8  }
0x10a: {  	v4 =	vperm.xlane v1, v4;
	[tilespmem:v2+s17+$0xFFFFFED0 ss:$0x1] =	vst.idx.msk $0xffff, v3  }
0x10b: {  	[tilespmem:v2+s17+$0xFFFFFA50 ss:$0x1] =	vst.idx.msk $0xffff, v7;
	v3 =	vld [tilespmem:s18+$0xD0]  }
0x10c: {  	v7 =	vshrl.u32 v6, $0x1B;
	[tilespmem:v2+s17+$0xFFFFFAD0 ss:$0x1] =	vst.idx.msk $0xffff, v4  }
0x10d: {  	v4 =	vand.u32 $0x10, v7;
	v7 =	vld [tilespmem:s18+$0x50]  }
0x10e: {  	s22 =	sadd.s32 $0x100, s21;
	v8 =	vshrl.u32 v5, $0x1B;
	v4 =	vadd.s32 v6, v4  }
0x10f: {  	v6 =	vld [tilespmem:s22+$0xFFFFF880];
	v8 =	vand.u32 $0x10, v8;
	v9 =	vperm.xlane v0, v4  }
0x110: {  	v5 =	vadd.s32 v5, v8;
	v4 =	vperm.xlane v1, v4;
	v8 =	vshrl.u32 v3, $0x1B  }
0x111: {  	v10 =	vld [tilespmem:s22+$0xFFFFF800];
	v11 =	vperm.xlane v0, v5;
	[tilespmem:v2+s20+$0xFFFFFD30 ss:$0x1] =	vst.idx.msk $0xffff, v9;
	v8 =	vand.u32 $0x10, v8  }
0x112: {  	v5 =	vperm.xlane v1, v5;
	[tilespmem:v2+s20+$0xFFFFFDB0 ss:$0x1] =	vst.idx.msk $0xffff, v4;
	v4 =	vshrl.u32 v7, $0x1B;
	v3 =	vadd.s32 v3, v8  }
0x113: {  	[tilespmem:v2+s20+$0xFFFFF930 ss:$0x1] =	vst.idx.msk $0xffff, v11;
	v8 =	vld [tilespmem:s21+$0xFFFFFCB0];
	v4 =	vand.u32 $0x10, v4;
	v9 =	vperm.xlane v0, v3  }
0x114: {  	v11 =	vshrl.u32 v6, $0x1B;
	[tilespmem:v2+s20+$0xFFFFF9B0 ss:$0x1] =	vst.idx.msk $0xffff, v5;
	v4 =	vadd.s32 v7, v4;
	v3 =	vperm.xlane v1, v3  }
0x115: {  	v5 =	vand.u32 $0x10, v11;
	v7 =	vld [tilespmem:s21+$0xFFFFFC30];
	v11 =	vperm.xlane v0, v4;
	[tilespmem:v2+s17+$0xFFFFFE60 ss:$0x1] =	vst.idx.msk $0xffff, v9  }
0x116: {  	v5 =	vadd.s32 v6, v5;
	v4 =	vperm.xlane v1, v4;
	v9 =	vshrl.u32 v10, $0x1B;
	[tilespmem:v2+s17+$0xFFFFFEE0 ss:$0x1] =	vst.idx.msk $0xffff, v3  }
0x117: {  	v6 =	vperm.xlane v0, v5;
	v3 =	vand.u32 $0x10, v9;
	[tilespmem:v2+s17+$0xFFFFFA60 ss:$0x1] =	vst.idx.msk $0xffff, v11;
	v9 =	vld [tilespmem:s18+$0xE0]  }
0x118: {  	s23 =	sadd.s32 $0x800, s20;
	v5 =	vperm.xlane v1, v5;
	v3 =	vadd.s32 v10, v3;
	v10 =	vshrl.u32 v8, $0x1B;
	[tilespmem:v2+s17+$0xFFFFFAE0 ss:$0x1] =	vst.idx.msk $0xffff, v4  }
0x119: {  	[tilespmem:v2+s23+$0xFFFFFC10 ss:$0x1] =	vst.idx.msk $0xffff, v6;
	v4 =	vperm.xlane v0, v3;
	v6 =	vand.u32 $0x10, v10;
	v10 =	vld [tilespmem:s18+$0x60]  }
0x11a: {  	v3 =	vperm.xlane v1, v3;
	[tilespmem:v2+s23+$0xFFFFFC90 ss:$0x1] =	vst.idx.msk $0xffff, v5;
	v5 =	vshrl.u32 v7, $0x1B;
	v6 =	vadd.s32 v8, v6  }
0x11b: {  	v5 =	vand.u32 $0x10, v5;
	[tilespmem:v2+s23+$0xFFFFF810 ss:$0x1] =	vst.idx.msk $0xffff, v4;
	v4 =	vld [tilespmem:s22+$0xFFFFF890];
	v8 =	vperm.xlane v0, v6  }
0x11c: {  	[tilespmem:v2+s23+$0xFFFFF890 ss:$0x1] =	vst.idx.msk $0xffff, v3;
	v3 =	vadd.s32 v7, v5;
	v5 =	vperm.xlane v1, v6;
	v6 =	vshrl.u32 v9, $0x1B  }
0x11d: {  	v7 =	vld [tilespmem:s22+$0xFFFFF810];
	v11 =	vperm.xlane v0, v3;
	[tilespmem:v2+s20+$0xFFFFFD40 ss:$0x1] =	vst.idx.msk $0xffff, v8;
	v6 =	vand.u32 $0x10, v6  }
0x11e: {  	v3 =	vperm.xlane v1, v3;
	[tilespmem:v2+s20+$0xFFFFFDC0 ss:$0x1] =	vst.idx.msk $0xffff, v5;
	v5 =	vshrl.u32 v10, $0x1B;
	v6 =	vadd.s32 v9, v6  }
0x11f: {  	[tilespmem:v2+s20+$0xFFFFF940 ss:$0x1] =	vst.idx.msk $0xffff, v11;
	v8 =	vld [tilespmem:s21+$0xFFFFFCC0];
	v5 =	vand.u32 $0x10, v5;
	v9 =	vperm.xlane v0, v6  }
0x120: {  	v11 =	vshrl.u32 v4, $0x1B;
	[tilespmem:v2+s20+$0xFFFFF9C0 ss:$0x1] =	vst.idx.msk $0xffff, v3;
	v3 =	vadd.s32 v10, v5;
	v5 =	vperm.xlane v1, v6  }
0x121: {  	v6 =	vand.u32 $0x10, v11;
	v10 =	vld [tilespmem:s21+$0xFFFFFC40];
	v11 =	vperm.xlane v0, v3;
	[tilespmem:v2+s17+$0xFFFFFE70 ss:$0x1] =	vst.idx.msk $0xffff, v9  }
0x122: {  	v3 =	vperm.xlane v1, v3;
	v9 =	vshrl.u32 v7, $0x1B;
	v4 =	vadd.s32 v4, v6;
	[tilespmem:v2+s17+$0xFFFFFEF0 ss:$0x1] =	vst.idx.msk $0xffff, v5  }
0x123: {  	v5 =	vand.u32 $0x10, v9;
	v6 =	vperm.xlane v0, v4;
	[tilespmem:v2+s17+$0xFFFFFA70 ss:$0x1] =	vst.idx.msk $0xffff, v11;
	v9 =	vld [tilespmem:s18+$0xF0]  }
0x124: {  	v4 =	vperm.xlane v1, v4;
	v5 =	vadd.s32 v7, v5;
	v7 =	vshrl.u32 v8, $0x1B;
	[tilespmem:v2+s17+$0xFFFFFAF0 ss:$0x1] =	vst.idx.msk $0xffff, v3  }
0x125: {  	v3 =	vperm.xlane v0, v5;
	[tilespmem:v2+s23+$0xFFFFFC20 ss:$0x1] =	vst.idx.msk $0xffff, v6;
	v6 =	vand.u32 $0x10, v7;
	v7 =	vld [tilespmem:s18+$0x70]  }
0x126: {  	v5 =	vperm.xlane v1, v5;
	[tilespmem:v2+s23+$0xFFFFFCA0 ss:$0x1] =	vst.idx.msk $0xffff, v4;
	v4 =	vshrl.u32 v10, $0x1B;
	v6 =	vadd.s32 v8, v6  }
0x127: {  	[tilespmem:v2+s23+$0xFFFFF820 ss:$0x1] =	vst.idx.msk $0xffff, v3;
	v3 =	vld [tilespmem:s22+$0xFFFFF8A0];
	v4 =	vand.u32 $0x10, v4;
	v8 =	vperm.xlane v0, v6  }
0x128: {  	[tilespmem:v2+s23+$0xFFFFF8A0 ss:$0x1] =	vst.idx.msk $0xffff, v5;
	v4 =	vadd.s32 v10, v4;
	v5 =	vperm.xlane v1, v6;
	v6 =	vshrl.u32 v9, $0x1B  }
0x129: {  	v10 =	vld [tilespmem:s22+$0xFFFFF820];
	v11 =	vperm.xlane v0, v4;
	[tilespmem:v2+s20+$0xFFFFFD50 ss:$0x1] =	vst.idx.msk $0xffff, v8;
	v6 =	vand.u32 $0x10, v6  }
0x12a: {  	v4 =	vperm.xlane v1, v4;
	[tilespmem:v2+s20+$0xFFFFFDD0 ss:$0x1] =	vst.idx.msk $0xffff, v5;
	v5 =	vshrl.u32 v7, $0x1B;
	v6 =	vadd.s32 v9, v6  }
0x12b: {  	[tilespmem:v2+s20+$0xFFFFF950 ss:$0x1] =	vst.idx.msk $0xffff, v11;
	v8 =	vld [tilespmem:s21+$0xFFFFFCD0];
	v5 =	vand.u32 $0x10, v5;
	v9 =	vperm.xlane v0, v6  }
0x12c: {  	v11 =	vshrl.u32 v3, $0x1B;
	[tilespmem:v2+s20+$0xFFFFF9D0 ss:$0x1] =	vst.idx.msk $0xffff, v4;
	v4 =	vadd.s32 v7, v5;
	v5 =	vperm.xlane v1, v6  }
0x12d: {  	v6 =	vand.u32 $0x10, v11;
	v7 =	vld [tilespmem:s21+$0xFFFFFC50];
	v11 =	vperm.xlane v0, v4;
	[tilespmem:v2+s17+$0xFFFFFE80 ss:$0x1] =	vst.idx.msk $0xffff, v9  }
0x12e: {  	v4 =	vperm.xlane v1, v4;
	v9 =	vshrl.u32 v10, $0x1B;
	v3 =	vadd.s32 v3, v6;
	[tilespmem:v2+s17+$0xFFFFFF00 ss:$0x1] =	vst.idx.msk $0xffff, v5  }
0x12f: {  	v5 =	vand.u32 $0x10, v9;
	v6 =	vperm.xlane v0, v3;
	[tilespmem:v2+s17+$0xFFFFFA80 ss:$0x1] =	vst.idx.msk $0xffff, v11;
	v9 =	vld [tilespmem:s18+$0x480]  }
0x130: {  	v3 =	vperm.xlane v1, v3;
	v5 =	vadd.s32 v10, v5;
	v10 =	vshrl.u32 v8, $0x1B;
	[tilespmem:v2+s17+$0xFFFFFB00 ss:$0x1] =	vst.idx.msk $0xffff, v4  }
0x131: {  	v4 =	vperm.xlane v0, v5;
	[tilespmem:v2+s23+$0xFFFFFC30 ss:$0x1] =	vst.idx.msk $0xffff, v6;
	v6 =	vand.u32 $0x10, v10;
	v10 =	vld [tilespmem:s18+$0x400]  }
0x132: {  	v5 =	vperm.xlane v1, v5;
	[tilespmem:v2+s23+$0xFFFFFCB0 ss:$0x1] =	vst.idx.msk $0xffff, v3;
	v3 =	vshrl.u32 v7, $0x1B;
	v6 =	vadd.s32 v8, v6  }
0x133: {  	[tilespmem:v2+s23+$0xFFFFF830 ss:$0x1] =	vst.idx.msk $0xffff, v4;
	v4 =	vld [tilespmem:s22+$0xFFFFF8B0];
	v3 =	vand.u32 $0x10, v3;
	v8 =	vperm.xlane v0, v6  }
0x134: {  	[tilespmem:v2+s23+$0xFFFFF8B0 ss:$0x1] =	vst.idx.msk $0xffff, v5;
	v3 =	vadd.s32 v7, v3;
	v5 =	vperm.xlane v1, v6;
	v6 =	vshrl.u32 v9, $0x1B  }
0x135: {  	v7 =	vld [tilespmem:s22+$0xFFFFF830];
	v11 =	vperm.xlane v0, v3;
	[tilespmem:v2+s20+$0xFFFFFD60 ss:$0x1] =	vst.idx.msk $0xffff, v8;
	v6 =	vand.u32 $0x10, v6  }
0x136: {  	v3 =	vperm.xlane v1, v3;
	[tilespmem:v2+s20+$0xFFFFFDE0 ss:$0x1] =	vst.idx.msk $0xffff, v5;
	v5 =	vshrl.u32 v10, $0x1B;
	v6 =	vadd.s32 v9, v6  }
0x137: {  	[tilespmem:v2+s20+$0xFFFFF960 ss:$0x1] =	vst.idx.msk $0xffff, v11;
	v8 =	vld [tilespmem:s21+$0xFFFFFCE0];
	v5 =	vand.u32 $0x10, v5;
	v9 =	vperm.xlane v0, v6  }
0x138: {  	v11 =	vshrl.u32 v4, $0x1B;
	[tilespmem:v2+s20+$0xFFFFF9E0 ss:$0x1] =	vst.idx.msk $0xffff, v3;
	v3 =	vadd.s32 v10, v5;
	v5 =	vperm.xlane v1, v6  }
0x139: {  	v6 =	vand.u32 $0x10, v11;
	v10 =	vld [tilespmem:s21+$0xFFFFFC60];
	v11 =	vperm.xlane v0, v3;
	[tilespmem:v2+s17+$0xFFFFFF10 ss:$0x1] =	vst.idx.msk $0xffff, v9  }
0x13a: {  	v3 =	vperm.xlane v1, v3;
	v9 =	vshrl.u32 v7, $0x1B;
	v4 =	vadd.s32 v4, v6;
	[tilespmem:v2+s17+$0xFFFFFF90 ss:$0x1] =	vst.idx.msk $0xffff, v5  }
0x13b: {  	v5 =	vand.u32 $0x10, v9;
	v6 =	vperm.xlane v0, v4;
	[tilespmem:v2+s17+$0xFFFFFB10 ss:$0x1] =	vst.idx.msk $0xffff, v11;
	v9 =	vld [tilespmem:s18+$0x490]  }
0x13c: {  	v4 =	vperm.xlane v1, v4;
	v5 =	vadd.s32 v7, v5;
	v7 =	vshrl.u32 v8, $0x1B;
	[tilespmem:v2+s17+$0xFFFFFB90 ss:$0x1] =	vst.idx.msk $0xffff, v3  }
0x13d: {  	v3 =	vperm.xlane v0, v5;
	[tilespmem:v2+s23+$0xFFFFFC40 ss:$0x1] =	vst.idx.msk $0xffff, v6;
	v6 =	vand.u32 $0x10, v7;
	v7 =	vld [tilespmem:s18+$0x410]  }
0x13e: {  	v5 =	vperm.xlane v1, v5;
	[tilespmem:v2+s23+$0xFFFFFCC0 ss:$0x1] =	vst.idx.msk $0xffff, v4;
	v4 =	vshrl.u32 v10, $0x1B;
	v6 =	vadd.s32 v8, v6  }
0x13f: {  	[tilespmem:v2+s23+$0xFFFFF840 ss:$0x1] =	vst.idx.msk $0xffff, v3;
	v3 =	vld [tilespmem:s22+$0xFFFFF8C0];
	v4 =	vand.u32 $0x10, v4;
	v8 =	vperm.xlane v0, v6  }
0x140: {  	[tilespmem:v2+s23+$0xFFFFF8C0 ss:$0x1] =	vst.idx.msk $0xffff, v5;
	v4 =	vadd.s32 v10, v4;
	v5 =	vperm.xlane v1, v6;
	v6 =	vshrl.u32 v9, $0x1B  }
0x141: {  	v10 =	vld [tilespmem:s22+$0xFFFFF840];
	v11 =	vperm.xlane v0, v4;
	[tilespmem:v2+s20+$0xFFFFFD70 ss:$0x1] =	vst.idx.msk $0xffff, v8;
	v6 =	vand.u32 $0x10, v6  }
0x142: {  	v4 =	vperm.xlane v1, v4;
	[tilespmem:v2+s20+$0xFFFFFDF0 ss:$0x1] =	vst.idx.msk $0xffff, v5;
	v5 =	vshrl.u32 v7, $0x1B;
	v6 =	vadd.s32 v9, v6  }
0x143: {  	[tilespmem:v2+s20+$0xFFFFF970 ss:$0x1] =	vst.idx.msk $0xffff, v11;
	v8 =	vld [tilespmem:s21+$0xFFFFFCF0];
	v5 =	vand.u32 $0x10, v5;
	v9 =	vperm.xlane v0, v6  }
0x144: {  	v11 =	vshrl.u32 v3, $0x1B;
	[tilespmem:v2+s20+$0xFFFFF9F0 ss:$0x1] =	vst.idx.msk $0xffff, v4;
	v4 =	vadd.s32 v7, v5;
	v5 =	vperm.xlane v1, v6  }
0x145: {  	v6 =	vand.u32 $0x10, v11;
	v7 =	vld [tilespmem:s21+$0xFFFFFC70];
	v11 =	vperm.xlane v0, v4;
	[tilespmem:v2+s17+$0xFFFFFF20 ss:$0x1] =	vst.idx.msk $0xffff, v9  }
0x146: {  	v4 =	vperm.xlane v1, v4;
	v9 =	vshrl.u32 v10, $0x1B;
	v3 =	vadd.s32 v3, v6;
	[tilespmem:v2+s17+$0xFFFFFFA0 ss:$0x1] =	vst.idx.msk $0xffff, v5  }
0x147: {  	v5 =	vand.u32 $0x10, v9;
	v6 =	vperm.xlane v0, v3;
	[tilespmem:v2+s17+$0xFFFFFB20 ss:$0x1] =	vst.idx.msk $0xffff, v11;
	v9 =	vld [tilespmem:s18+$0x4A0]  }
0x148: {  	v3 =	vperm.xlane v1, v3;
	v5 =	vadd.s32 v10, v5;
	v10 =	vshrl.u32 v8, $0x1B;
	[tilespmem:v2+s17+$0xFFFFFBA0 ss:$0x1] =	vst.idx.msk $0xffff, v4  }
0x149: {  	v4 =	vperm.xlane v0, v5;
	[tilespmem:v2+s23+$0xFFFFFC50 ss:$0x1] =	vst.idx.msk $0xffff, v6;
	v6 =	vand.u32 $0x10, v10;
	v10 =	vld [tilespmem:s18+$0x420]  }
0x14a: {  	v5 =	vperm.xlane v1, v5;
	[tilespmem:v2+s23+$0xFFFFFCD0 ss:$0x1] =	vst.idx.msk $0xffff, v3;
	v3 =	vshrl.u32 v7, $0x1B;
	v6 =	vadd.s32 v8, v6  }
0x14b: {  	[tilespmem:v2+s23+$0xFFFFF850 ss:$0x1] =	vst.idx.msk $0xffff, v4;
	v4 =	vld [tilespmem:s22+$0xFFFFF8D0];
	v3 =	vand.u32 $0x10, v3;
	v8 =	vperm.xlane v0, v6  }
0x14c: {  	[tilespmem:v2+s23+$0xFFFFF8D0 ss:$0x1] =	vst.idx.msk $0xffff, v5;
	v3 =	vadd.s32 v7, v3;
	v5 =	vperm.xlane v1, v6;
	v6 =	vshrl.u32 v9, $0x1B  }
0x14d: {  	v7 =	vld [tilespmem:s22+$0xFFFFF850];
	v11 =	vperm.xlane v0, v3;
	[tilespmem:v2+s20+$0xFFFFFD80 ss:$0x1] =	vst.idx.msk $0xffff, v8;
	v6 =	vand.u32 $0x10, v6  }
0x14e: {  	v3 =	vperm.xlane v1, v3;
	[tilespmem:v2+s20+$0xFFFFFE00 ss:$0x1] =	vst.idx.msk $0xffff, v5;
	v5 =	vshrl.u32 v10, $0x1B;
	v6 =	vadd.s32 v9, v6  }
0x14f: {  	[tilespmem:v2+s20+$0xFFFFF980 ss:$0x1] =	vst.idx.msk $0xffff, v11;
	v8 =	vld [tilespmem:s21+$0x80];
	v5 =	vand.u32 $0x10, v5;
	v9 =	vperm.xlane v0, v6  }
0x150: {  	v11 =	vshrl.u32 v4, $0x1B;
	[tilespmem:v2+s20+$0xFFFFFA00 ss:$0x1] =	vst.idx.msk $0xffff, v3;
	v3 =	vadd.s32 v10, v5;
	v5 =	vperm.xlane v1, v6  }
0x151: {  	v6 =	vand.u32 $0x10, v11;
	v10 =	vld [tilespmem:s21+$0x0];
	v11 =	vperm.xlane v0, v3;
	[tilespmem:v2+s17+$0xFFFFFF30 ss:$0x1] =	vst.idx.msk $0xffff, v9  }
0x152: {  	v3 =	vperm.xlane v1, v3;
	v9 =	vshrl.u32 v7, $0x1B;
	v4 =	vadd.s32 v4, v6;
	[tilespmem:v2+s17+$0xFFFFFFB0 ss:$0x1] =	vst.idx.msk $0xffff, v5  }
0x153: {  	v5 =	vand.u32 $0x10, v9;
	v6 =	vperm.xlane v0, v4;
	[tilespmem:v2+s17+$0xFFFFFB30 ss:$0x1] =	vst.idx.msk $0xffff, v11;
	v9 =	vld [tilespmem:s18+$0x4B0]  }
0x154: {  	v4 =	vperm.xlane v1, v4;
	v5 =	vadd.s32 v7, v5;
	v7 =	vshrl.u32 v8, $0x1B;
	[tilespmem:v2+s17+$0xFFFFFBB0 ss:$0x1] =	vst.idx.msk $0xffff, v3  }
0x155: {  	v3 =	vperm.xlane v0, v5;
	[tilespmem:v2+s23+$0xFFFFFC60 ss:$0x1] =	vst.idx.msk $0xffff, v6;
	v6 =	vand.u32 $0x10, v7;
	v7 =	vld [tilespmem:s18+$0x430]  }
0x156: {  	v5 =	vperm.xlane v1, v5;
	[tilespmem:v2+s23+$0xFFFFFCE0 ss:$0x1] =	vst.idx.msk $0xffff, v4;
	v4 =	vshrl.u32 v10, $0x1B;
	v6 =	vadd.s32 v8, v6  }
0x157: {  	[tilespmem:v2+s23+$0xFFFFF860 ss:$0x1] =	vst.idx.msk $0xffff, v3;
	v3 =	vld [tilespmem:s22+$0xFFFFF8E0];
	v4 =	vand.u32 $0x10, v4;
	v8 =	vperm.xlane v0, v6  }
0x158: {  	[tilespmem:v2+s23+$0xFFFFF8E0 ss:$0x1] =	vst.idx.msk $0xffff, v5;
	v4 =	vadd.s32 v10, v4;
	v5 =	vperm.xlane v1, v6;
	v6 =	vshrl.u32 v9, $0x1B  }
0x159: {  	v10 =	vld [tilespmem:s22+$0xFFFFF860];
	v11 =	vperm.xlane v0, v4;
	[tilespmem:v2+s20+$0xFFFFFE10 ss:$0x1] =	vst.idx.msk $0xffff, v8;
	v6 =	vand.u32 $0x10, v6  }
0x15a: {  	v4 =	vperm.xlane v1, v4;
	[tilespmem:v2+s20+$0xFFFFFE90 ss:$0x1] =	vst.idx.msk $0xffff, v5;
	v5 =	vshrl.u32 v7, $0x1B;
	v6 =	vadd.s32 v9, v6  }
0x15b: {  	[tilespmem:v2+s20+$0xFFFFFA10 ss:$0x1] =	vst.idx.msk $0xffff, v11;
	v8 =	vld [tilespmem:s21+$0x90];
	v5 =	vand.u32 $0x10, v5;
	v9 =	vperm.xlane v0, v6  }
0x15c: {  	v11 =	vshrl.u32 v3, $0x1B;
	[tilespmem:v2+s20+$0xFFFFFA90 ss:$0x1] =	vst.idx.msk $0xffff, v4;
	v4 =	vadd.s32 v7, v5;
	v5 =	vperm.xlane v1, v6  }
0x15d: {  	v6 =	vand.u32 $0x10, v11;
	v7 =	vld [tilespmem:s21+$0x10];
	v11 =	vperm.xlane v0, v4;
	[tilespmem:v2+s17+$0xFFFFFF40 ss:$0x1] =	vst.idx.msk $0xffff, v9  }
0x15e: {  	v4 =	vperm.xlane v1, v4;
	v9 =	vshrl.u32 v10, $0x1B;
	v3 =	vadd.s32 v3, v6;
	[tilespmem:v2+s17+$0xFFFFFFC0 ss:$0x1] =	vst.idx.msk $0xffff, v5  }
0x15f: {  	v5 =	vand.u32 $0x10, v9;
	v6 =	vperm.xlane v0, v3;
	[tilespmem:v2+s17+$0xFFFFFB40 ss:$0x1] =	vst.idx.msk $0xffff, v11;
	v9 =	vld [tilespmem:s18+$0x4C0]  }
0x160: {  	v3 =	vperm.xlane v1, v3;
	v5 =	vadd.s32 v10, v5;
	v10 =	vshrl.u32 v8, $0x1B;
	[tilespmem:v2+s17+$0xFFFFFBC0 ss:$0x1] =	vst.idx.msk $0xffff, v4  }
0x161: {  	v4 =	vperm.xlane v0, v5;
	[tilespmem:v2+s23+$0xFFFFFC70 ss:$0x1] =	vst.idx.msk $0xffff, v6;
	v6 =	vand.u32 $0x10, v10;
	v10 =	vld [tilespmem:s18+$0x440]  }
0x162: {  	v5 =	vperm.xlane v1, v5;
	[tilespmem:v2+s23+$0xFFFFFCF0 ss:$0x1] =	vst.idx.msk $0xffff, v3;
	v3 =	vshrl.u32 v7, $0x1B;
	v6 =	vadd.s32 v8, v6  }
0x163: {  	[tilespmem:v2+s23+$0xFFFFF870 ss:$0x1] =	vst.idx.msk $0xffff, v4;
	v4 =	vld [tilespmem:s22+$0xFFFFF8F0];
	v3 =	vand.u32 $0x10, v3;
	v8 =	vperm.xlane v0, v6  }
0x164: {  	[tilespmem:v2+s23+$0xFFFFF8F0 ss:$0x1] =	vst.idx.msk $0xffff, v5;
	v3 =	vadd.s32 v7, v3;
	v5 =	vperm.xlane v1, v6;
	v6 =	vshrl.u32 v9, $0x1B  }
0x165: {  	v7 =	vld [tilespmem:s22+$0xFFFFF870];
	v11 =	vperm.xlane v0, v3;
	[tilespmem:v2+s20+$0xFFFFFE20 ss:$0x1] =	vst.idx.msk $0xffff, v8;
	v6 =	vand.u32 $0x10, v6  }
0x166: {  	v3 =	vperm.xlane v1, v3;
	[tilespmem:v2+s20+$0xFFFFFEA0 ss:$0x1] =	vst.idx.msk $0xffff, v5;
	v5 =	vshrl.u32 v10, $0x1B;
	v6 =	vadd.s32 v9, v6  }
0x167: {  	[tilespmem:v2+s20+$0xFFFFFA20 ss:$0x1] =	vst.idx.msk $0xffff, v11;
	v8 =	vld [tilespmem:s21+$0xA0];
	v5 =	vand.u32 $0x10, v5;
	v9 =	vperm.xlane v0, v6  }
0x168: {  	v11 =	vshrl.u32 v4, $0x1B;
	[tilespmem:v2+s20+$0xFFFFFAA0 ss:$0x1] =	vst.idx.msk $0xffff, v3;
	v3 =	vadd.s32 v10, v5;
	v5 =	vperm.xlane v1, v6  }
0x169: {  	v6 =	vand.u32 $0x10, v11;
	v10 =	vld [tilespmem:s21+$0x20];
	v11 =	vperm.xlane v0, v3;
	[tilespmem:v2+s17+$0xFFFFFF50 ss:$0x1] =	vst.idx.msk $0xffff, v9  }
0x16a: {  	v3 =	vperm.xlane v1, v3;
	v9 =	vshrl.u32 v7, $0x1B;
	v4 =	vadd.s32 v4, v6;
	[tilespmem:v2+s17+$0xFFFFFFD0 ss:$0x1] =	vst.idx.msk $0xffff, v5  }
0x16b: {  	v5 =	vand.u32 $0x10, v9;
	v6 =	vperm.xlane v0, v4;
	[tilespmem:v2+s17+$0xFFFFFB50 ss:$0x1] =	vst.idx.msk $0xffff, v11;
	v9 =	vld [tilespmem:s18+$0x4D0]  }
0x16c: {  	v4 =	vperm.xlane v1, v4;
	v5 =	vadd.s32 v7, v5;
	v7 =	vshrl.u32 v8, $0x1B;
	[tilespmem:v2+s17+$0xFFFFFBD0 ss:$0x1] =	vst.idx.msk $0xffff, v3  }
0x16d: {  	v3 =	vperm.xlane v0, v5;
	[tilespmem:v2+s23+$0xFFFFFC80 ss:$0x1] =	vst.idx.msk $0xffff, v6;
	v6 =	vand.u32 $0x10, v7;
	v7 =	vld [tilespmem:s18+$0x450]  }
0x16e: {  	v5 =	vperm.xlane v1, v5;
	[tilespmem:v2+s23+$0xFFFFFD00 ss:$0x1] =	vst.idx.msk $0xffff, v4;
	v4 =	vshrl.u32 v10, $0x1B;
	v6 =	vadd.s32 v8, v6  }
0x16f: {  	[tilespmem:v2+s23+$0xFFFFF880 ss:$0x1] =	vst.idx.msk $0xffff, v3;
	v3 =	vld [tilespmem:s22+$0xFFFFFC80];
	v4 =	vand.u32 $0x10, v4;
	v8 =	vperm.xlane v0, v6  }
0x170: {  	[tilespmem:v2+s23+$0xFFFFF900 ss:$0x1] =	vst.idx.msk $0xffff, v5;
	v4 =	vadd.s32 v10, v4;
	v5 =	vperm.xlane v1, v6;
	v6 =	vshrl.u32 v9, $0x1B  }
0x171: {  	v10 =	vld [tilespmem:s22+$0xFFFFFC00];
	v11 =	vperm.xlane v0, v4;
	[tilespmem:v2+s20+$0xFFFFFE30 ss:$0x1] =	vst.idx.msk $0xffff, v8;
	v6 =	vand.u32 $0x10, v6  }
0x172: {  	v4 =	vperm.xlane v1, v4;
	[tilespmem:v2+s20+$0xFFFFFEB0 ss:$0x1] =	vst.idx.msk $0xffff, v5;
	v5 =	vshrl.u32 v7, $0x1B;
	v6 =	vadd.s32 v9, v6  }
0x173: {  	[tilespmem:v2+s20+$0xFFFFFA30 ss:$0x1] =	vst.idx.msk $0xffff, v11;
	v8 =	vld [tilespmem:s21+$0xB0];
	v5 =	vand.u32 $0x10, v5;
	v9 =	vperm.xlane v0, v6  }
0x174: {  	v11 =	vshrl.u32 v3, $0x1B;
	[tilespmem:v2+s20+$0xFFFFFAB0 ss:$0x1] =	vst.idx.msk $0xffff, v4;
	v4 =	vadd.s32 v7, v5;
	v5 =	vperm.xlane v1, v6  }
0x175: {  	v6 =	vand.u32 $0x10, v11;
	v7 =	vld [tilespmem:s21+$0x30];
	v11 =	vperm.xlane v0, v4;
	[tilespmem:v2+s17+$0xFFFFFF60 ss:$0x1] =	vst.idx.msk $0xffff, v9  }
0x176: {  	v4 =	vperm.xlane v1, v4;
	v9 =	vshrl.u32 v10, $0x1B;
	v3 =	vadd.s32 v3, v6;
	[tilespmem:v2+s17+$0xFFFFFFE0 ss:$0x1] =	vst.idx.msk $0xffff, v5  }
0x177: {  	v5 =	vand.u32 $0x10, v9;
	v6 =	vperm.xlane v0, v3;
	[tilespmem:v2+s17+$0xFFFFFB60 ss:$0x1] =	vst.idx.msk $0xffff, v11;
	v9 =	vld [tilespmem:s18+$0x4E0]  }
0x178: {  	v3 =	vperm.xlane v1, v3;
	v5 =	vadd.s32 v10, v5;
	v10 =	vshrl.u32 v8, $0x1B;
	[tilespmem:v2+s17+$0xFFFFFBE0 ss:$0x1] =	vst.idx.msk $0xffff, v4  }
0x179: {  	v4 =	vperm.xlane v0, v5;
	[tilespmem:v2+s23+$0xFFFFFD10 ss:$0x1] =	vst.idx.msk $0xffff, v6;
	v6 =	vand.u32 $0x10, v10;
	v10 =	vld [tilespmem:s18+$0x460]  }
0x17a: {  	v5 =	vperm.xlane v1, v5;
	[tilespmem:v2+s23+$0xFFFFFD90 ss:$0x1] =	vst.idx.msk $0xffff, v3;
	v3 =	vshrl.u32 v7, $0x1B;
	v6 =	vadd.s32 v8, v6  }
0x17b: {  	[tilespmem:v2+s23+$0xFFFFF910 ss:$0x1] =	vst.idx.msk $0xffff, v4;
	v4 =	vld [tilespmem:s22+$0xFFFFFC90];
	v3 =	vand.u32 $0x10, v3;
	v8 =	vperm.xlane v0, v6  }
0x17c: {  	[tilespmem:v2+s23+$0xFFFFF990 ss:$0x1] =	vst.idx.msk $0xffff, v5;
	v3 =	vadd.s32 v7, v3;
	v5 =	vperm.xlane v1, v6;
	v6 =	vshrl.u32 v9, $0x1B  }
0x17d: {  	v7 =	vld [tilespmem:s22+$0xFFFFFC10];
	v11 =	vperm.xlane v0, v3;
	[tilespmem:v2+s20+$0xFFFFFE40 ss:$0x1] =	vst.idx.msk $0xffff, v8;
	v6 =	vand.u32 $0x10, v6  }
0x17e: {  	v3 =	vperm.xlane v1, v3;
	[tilespmem:v2+s20+$0xFFFFFEC0 ss:$0x1] =	vst.idx.msk $0xffff, v5;
	v5 =	vshrl.u32 v10, $0x1B;
	v6 =	vadd.s32 v9, v6  }
0x17f: {  	[tilespmem:v2+s20+$0xFFFFFA40 ss:$0x1] =	vst.idx.msk $0xffff, v11;
	v8 =	vld [tilespmem:s21+$0xC0];
	v5 =	vand.u32 $0x10, v5;
	v9 =	vperm.xlane v0, v6  }
0x180: {  	v11 =	vshrl.u32 v4, $0x1B;
	[tilespmem:v2+s20+$0xFFFFFAC0 ss:$0x1] =	vst.idx.msk $0xffff, v3;
	v3 =	vadd.s32 v10, v5;
	v5 =	vperm.xlane v1, v6  }
0x181: {  	v6 =	vand.u32 $0x10, v11;
	v10 =	vld [tilespmem:s21+$0x40];
	v11 =	vperm.xlane v0, v3;
	[tilespmem:v2+s17+$0xFFFFFF70 ss:$0x1] =	vst.idx.msk $0xffff, v9  }
0x182: {  	v3 =	vperm.xlane v1, v3;
	v9 =	vshrl.u32 v7, $0x1B;
	v4 =	vadd.s32 v4, v6;
	[tilespmem:v2+s17+$0xFFFFFFF0 ss:$0x1] =	vst.idx.msk $0xffff, v5  }
0x183: {  	v5 =	vand.u32 $0x10, v9;
	v6 =	vperm.xlane v0, v4;
	[tilespmem:v2+s17+$0xFFFFFB70 ss:$0x1] =	vst.idx.msk $0xffff, v11  }
0x184: {  	v4 =	vperm.xlane v1, v4;
	v9 =	vld [tilespmem:s18+$0x4F0];
	v5 =	vadd.s32 v7, v5;
	v7 =	vshrl.u32 v8, $0x1B;
	[tilespmem:v2+s17+$0xFFFFFBF0 ss:$0x1] =	vst.idx.msk $0xffff, v3  }
0x185: {  	v3 =	vperm.xlane v0, v5;
	[tilespmem:v2+s23+$0xFFFFFD20 ss:$0x1] =	vst.idx.msk $0xffff, v6;
	v6 =	vand.u32 $0x10, v7;
	v11 =	vld [tilespmem:s18+$0x470]  }
0x186: {  	s24 =	smul.u32 $0xAB, s19;
	v5 =	vperm.xlane v1, v5;
	[tilespmem:v2+s23+$0xFFFFFDA0 ss:$0x1] =	vst.idx.msk $0xffff, v4;
	v4 =	vshrl.u32 v10, $0x1B;
	v6 =	vadd.s32 v8, v6  }
0x187: {  	[tilespmem:v2+s23+$0xFFFFF920 ss:$0x1] =	vst.idx.msk $0xffff, v3;
	v3 =	vand.u32 $0x10, v4;
	v4 =	vperm.xlane v0, v6  }
0x188: {  	s24 =	sshrl.u32 s24, $0x9;
	v8 =	vld [tilespmem:s22+$0xFFFFFCA0];
	[tilespmem:v2+s23+$0xFFFFF9A0 ss:$0x1] =	vst.idx.msk $0xffff, v5;
	v3 =	vadd.s32 v10, v3;
	v5 =	vperm.xlane v1, v6  }
0x189: {  	s24 =	sand.u32 $0x7F, s24;
	v6 =	vshrl.u32 v9, $0x1B;
	v10 =	vperm.xlane v0, v3;
	[tilespmem:v2+s20+$0xFFFFFE50 ss:$0x1] =	vst.idx.msk $0xffff, v4  }
0x18a: {  	s24 =	smul.u32 $0x3, s24;
	v7 =	vld [tilespmem:s22+$0xFFFFFC20];
	v3 =	vperm.xlane v1, v3;
	v4 =	vand.u32 $0x10, v6;
	[tilespmem:v2+s20+$0xFFFFFED0 ss:$0x1] =	vst.idx.msk $0xffff, v5;
	v5 =	vshrl.u32 v11, $0x1B  }
0x18b: {  	v4 =	vadd.s32 v9, v4;
	[tilespmem:v2+s20+$0xFFFFFA50 ss:$0x1] =	vst.idx.msk $0xffff, v10;
	v5 =	vand.u32 $0x10, v5  }
0x18c: {  	s24 =	ssub.s32 s19, s24;
	v6 =	vperm.xlane v1, v4;
	[tilespmem:v2+s20+$0xFFFFFAD0 ss:$0x1] =	vst.idx.msk $0xffff, v3;
	v3 =	vadd.s32 v11, v5;
	v5 =	vld [tilespmem:s21+$0xD0]  }
0x18d: {  	s24 =	sand.u32 $0xFF, s24;
	v10 =	vperm.xlane v0, v4;
	v4 =	vshrl.u32 v8, $0x1B  }
0x18e: {  	s26 =	simm.s32 $0x4;
	s24 =	sshll.u32 s24, $0xD;
	v11 =	vand.u32 $0x10, v4;
	v4 =	vperm.xlane v0, v3;
	[tilespmem:v2+s17+$0x0 ss:$0x1] =	vst.idx.msk $0xffff, v6;
	v6 =	vld [tilespmem:s21+$0x50]  }
0x18f: {  	s25 =	smov.u32 s17;
	s28 =	sadd.s32 $0x100, s22;
	s24 =	sadd.s32 $0x19080, s24;
	v3 =	vperm.xlane v1, v3;
	v9 =	vshrl.u32 v7, $0x1B;
	v8 =	vadd.s32 v8, v11;
	[tilespmem:v2+s17+$0xFFFFFF80 ss:$0x1] =	vst.idx.msk $0xffff, v10  }
.LBB2_3:
0x190: {  	v10 =	vld [tilespmem:s28+$0xFFFFF880];
	v9 =	vand.u32 $0x10, v9;
	v11 =	vperm.xlane v0, v8;
	[tilespmem:v2+s25+$0xFFFFFB80 ss:$0x1] =	vst.idx.msk $0xffff, v4  }
0x191: {  	v8 =	vperm.xlane v1, v8;
	v4 =	vld [tilespmem:s28+$0xFFFFF800];
	v7 =	vadd.s32 v7, v9;
	v9 =	vshrl.u32 v5, $0x1B;
	[tilespmem:v2+s25+$0xFFFFFC00 ss:$0x1] =	vst.idx.msk $0xffff, v3;
	s25 =	smov.u32 s20;
	s20 =	smov.u32 s23  }
0x192: {  	v3 =	vperm.xlane v0, v7;
	v7 =	vperm.xlane v1, v7;
	[tilespmem:v2+s23+$0xFFFFFD30 ss:$0x1] =	vst.idx.msk $0xffff, v11;
	v9 =	vand.u32 $0x10, v9  }
0x193: {  	[tilespmem:v2+s23+$0xFFFFFDB0 ss:$0x1] =	vst.idx.msk $0xffff, v8;
	v8 =	vshrl.u32 v6, $0x1B;
	v5 =	vadd.s32 v5, v9  }
0x194: {  	[tilespmem:v2+s23+$0xFFFFF930 ss:$0x1] =	vst.idx.msk $0xffff, v3;
	v3 =	vld [tilespmem:s22+$0xFFFFFCB0];
	v8 =	vand.u32 $0x10, v8;
	v9 =	vperm.xlane v0, v5  }
0x195: {  	v5 =	vperm.xlane v1, v5;
	v11 =	vshrl.u32 v10, $0x1B;
	[tilespmem:v2+s23+$0xFFFFF9B0 ss:$0x1] =	vst.idx.msk $0xffff, v7;
	v6 =	vadd.s32 v6, v8  }
0x196: {  	v7 =	vshrl.u32 v4, $0x1B;
	v8 =	vand.u32 $0x10, v11;
	v11 =	vld [tilespmem:s22+$0xFFFFFC30];
	v12 =	vperm.xlane v0, v6;
	[tilespmem:v2+s25+$0xFFFFFE60 ss:$0x1] =	vst.idx.msk $0xffff, v9  }
0x197: {  	v6 =	vperm.xlane v1, v6;
	v7 =	vand.u32 $0x10, v7;
	v8 =	vadd.s32 v10, v8;
	[tilespmem:v2+s25+$0xFFFFFEE0 ss:$0x1] =	vst.idx.msk $0xffff, v5  }
0x198: {  	v4 =	vadd.s32 v4, v7;
	v5 =	vperm.xlane v0, v8;
	[tilespmem:v2+s25+$0xFFFFFA60 ss:$0x1] =	vst.idx.msk $0xffff, v12;
	v7 =	vld [tilespmem:s21+$0xE0]  }
0x199: {  	s23 =	sadd.s32 $0x800, s23;
	v8 =	vperm.xlane v1, v8;
	v9 =	vperm.xlane v0, v4;
	v10 =	vshrl.u32 v3, $0x1B;
	[tilespmem:v2+s25+$0xFFFFFAE0 ss:$0x1] =	vst.idx.msk $0xffff, v6  }
0x19a: {  	v4 =	vperm.xlane v1, v4;
	[tilespmem:v2+s23+$0xFFFFFC10 ss:$0x1] =	vst.idx.msk $0xffff, v5;
	v5 =	vand.u32 $0x10, v10;
	v6 =	vld [tilespmem:s21+$0x60]  }
0x19b: {  	[tilespmem:v2+s23+$0xFFFFFC90 ss:$0x1] =	vst.idx.msk $0xffff, v8;
	v8 =	vshrl.u32 v11, $0x1B;
	v3 =	vadd.s32 v3, v5  }
0x19c: {  	[tilespmem:v2+s23+$0xFFFFF810 ss:$0x1] =	vst.idx.msk $0xffff, v9;
	v5 =	vld [tilespmem:s28+$0xFFFFF890];
	v8 =	vand.u32 $0x10, v8;
	v9 =	vperm.xlane v0, v3  }
0x19d: {  	v3 =	vperm.xlane v1, v3;
	[tilespmem:v2+s23+$0xFFFFF890 ss:$0x1] =	vst.idx.msk $0xffff, v4;
	v4 =	vadd.s32 v11, v8;
	v8 =	vshrl.u32 v7, $0x1B  }
0x19e: {  	v10 =	vld [tilespmem:s28+$0xFFFFF810];
	v11 =	vperm.xlane v0, v4;
	v4 =	vperm.xlane v1, v4;
	[tilespmem:v2+s20+$0xFFFFFD40 ss:$0x1] =	vst.idx.msk $0xffff, v9;
	v8 =	vand.u32 $0x10, v8  }
0x19f: {  	[tilespmem:v2+s20+$0xFFFFFDC0 ss:$0x1] =	vst.idx.msk $0xffff, v3;
	v3 =	vshrl.u32 v6, $0x1B;
	v7 =	vadd.s32 v7, v8  }
0x1a0: {  	[tilespmem:v2+s20+$0xFFFFF940 ss:$0x1] =	vst.idx.msk $0xffff, v11;
	v8 =	vld [tilespmem:s22+$0xFFFFFCC0];
	v3 =	vand.u32 $0x10, v3;
	v9 =	vperm.xlane v0, v7  }
0x1a1: {  	v11 =	vshrl.u32 v5, $0x1B;
	[tilespmem:v2+s20+$0xFFFFF9C0 ss:$0x1] =	vst.idx.msk $0xffff, v4;
	v3 =	vadd.s32 v6, v3;
	v4 =	vperm.xlane v1, v7  }
0x1a2: {  	v6 =	vand.u32 $0x10, v11;
	v7 =	vld [tilespmem:s22+$0xFFFFFC40];
	v11 =	vperm.xlane v0, v3;
	v3 =	vperm.xlane v1, v3;
	[tilespmem:v2+s25+$0xFFFFFE70 ss:$0x1] =	vst.idx.msk $0xffff, v9  }
0x1a3: {  	v9 =	vshrl.u32 v10, $0x1B;
	v5 =	vadd.s32 v5, v6;
	[tilespmem:v2+s25+$0xFFFFFEF0 ss:$0x1] =	vst.idx.msk $0xffff, v4  }
0x1a4: {  	v4 =	vand.u32 $0x10, v9;
	v6 =	vperm.xlane v0, v5;
	[tilespmem:v2+s25+$0xFFFFFA70 ss:$0x1] =	vst.idx.msk $0xffff, v11;
	v9 =	vld [tilespmem:s21+$0xF0]  }
0x1a5: {  	v5 =	vperm.xlane v1, v5;
	v4 =	vadd.s32 v10, v4;
	v10 =	vshrl.u32 v8, $0x1B;
	[tilespmem:v2+s25+$0xFFFFFAF0 ss:$0x1] =	vst.idx.msk $0xffff, v3  }
0x1a6: {  	v3 =	vperm.xlane v0, v4;
	v4 =	vperm.xlane v1, v4;
	[tilespmem:v2+s23+$0xFFFFFC20 ss:$0x1] =	vst.idx.msk $0xffff, v6;
	v6 =	vand.u32 $0x10, v10;
	v10 =	vld [tilespmem:s21+$0x70]  }
0x1a7: {  	[tilespmem:v2+s23+$0xFFFFFCA0 ss:$0x1] =	vst.idx.msk $0xffff, v5;
	v5 =	vshrl.u32 v7, $0x1B;
	v6 =	vadd.s32 v8, v6  }
0x1a8: {  	[tilespmem:v2+s23+$0xFFFFF820 ss:$0x1] =	vst.idx.msk $0xffff, v3;
	v3 =	vld [tilespmem:s28+$0xFFFFF8A0];
	v5 =	vand.u32 $0x10, v5;
	v8 =	vperm.xlane v0, v6  }
0x1a9: {  	[tilespmem:v2+s23+$0xFFFFF8A0 ss:$0x1] =	vst.idx.msk $0xffff, v4;
	v4 =	vadd.s32 v7, v5;
	v5 =	vperm.xlane v1, v6;
	v6 =	vshrl.u32 v9, $0x1B  }
0x1aa: {  	v7 =	vld [tilespmem:s28+$0xFFFFF820];
	v11 =	vperm.xlane v0, v4;
	v4 =	vperm.xlane v1, v4;
	[tilespmem:v2+s20+$0xFFFFFD50 ss:$0x1] =	vst.idx.msk $0xffff, v8;
	v6 =	vand.u32 $0x10, v6  }
0x1ab: {  	[tilespmem:v2+s20+$0xFFFFFDD0 ss:$0x1] =	vst.idx.msk $0xffff, v5;
	v5 =	vshrl.u32 v10, $0x1B;
	v6 =	vadd.s32 v9, v6  }
0x1ac: {  	[tilespmem:v2+s20+$0xFFFFF950 ss:$0x1] =	vst.idx.msk $0xffff, v11;
	v8 =	vld [tilespmem:s22+$0xFFFFFCD0];
	v5 =	vand.u32 $0x10, v5;
	v9 =	vperm.xlane v0, v6  }
0x1ad: {  	v11 =	vshrl.u32 v3, $0x1B;
	[tilespmem:v2+s20+$0xFFFFF9D0 ss:$0x1] =	vst.idx.msk $0xffff, v4;
	v4 =	vadd.s32 v10, v5;
	v5 =	vperm.xlane v1, v6  }
0x1ae: {  	v6 =	vand.u32 $0x10, v11;
	v10 =	vld [tilespmem:s22+$0xFFFFFC50];
	v11 =	vperm.xlane v0, v4;
	v4 =	vperm.xlane v1, v4;
	[tilespmem:v2+s25+$0xFFFFFE80 ss:$0x1] =	vst.idx.msk $0xffff, v9  }
0x1af: {  	s26 =	sadd.s32 $0x2, s26;
	v9 =	vshrl.u32 v7, $0x1B;
	v3 =	vadd.s32 v3, v6;
	[tilespmem:v2+s25+$0xFFFFFF00 ss:$0x1] =	vst.idx.msk $0xffff, v5  }
0x1b0: {  	p0 =	slt.u32 s26, $0x6;
	v5 =	vand.u32 $0x10, v9;
	v6 =	vperm.xlane v0, v3;
	[tilespmem:v2+s25+$0xFFFFFA80 ss:$0x1] =	vst.idx.msk $0xffff, v11;
	v9 =	vld [tilespmem:s21+$0x480]  }
0x1b1: {  	v3 =	vperm.xlane v1, v3;
	v5 =	vadd.s32 v7, v5;
	v7 =	vshrl.u32 v8, $0x1B;
	[tilespmem:v2+s25+$0xFFFFFB00 ss:$0x1] =	vst.idx.msk $0xffff, v4  }
0x1b2: {  	v4 =	vperm.xlane v0, v5;
	v5 =	vperm.xlane v1, v5;
	[tilespmem:v2+s23+$0xFFFFFC30 ss:$0x1] =	vst.idx.msk $0xffff, v6;
	v6 =	vand.u32 $0x10, v7;
	v7 =	vld [tilespmem:s21+$0x400]  }
0x1b3: {  	[tilespmem:v2+s23+$0xFFFFFCB0 ss:$0x1] =	vst.idx.msk $0xffff, v3;
	v3 =	vshrl.u32 v10, $0x1B;
	v6 =	vadd.s32 v8, v6  }
0x1b4: {  	[tilespmem:v2+s23+$0xFFFFF830 ss:$0x1] =	vst.idx.msk $0xffff, v4;
	v4 =	vld [tilespmem:s28+$0xFFFFF8B0];
	v3 =	vand.u32 $0x10, v3;
	v8 =	vperm.xlane v0, v6  }
0x1b5: {  	[tilespmem:v2+s23+$0xFFFFF8B0 ss:$0x1] =	vst.idx.msk $0xffff, v5;
	v3 =	vadd.s32 v10, v3;
	v5 =	vperm.xlane v1, v6;
	v6 =	vshrl.u32 v9, $0x1B  }
0x1b6: {  	v10 =	vld [tilespmem:s28+$0xFFFFF830];
	v11 =	vperm.xlane v0, v3;
	v3 =	vperm.xlane v1, v3;
	[tilespmem:v2+s20+$0xFFFFFD60 ss:$0x1] =	vst.idx.msk $0xffff, v8;
	v6 =	vand.u32 $0x10, v6  }
0x1b7: {  	[tilespmem:v2+s20+$0xFFFFFDE0 ss:$0x1] =	vst.idx.msk $0xffff, v5;
	v5 =	vshrl.u32 v7, $0x1B;
	v6 =	vadd.s32 v9, v6  }
0x1b8: {  	[tilespmem:v2+s20+$0xFFFFF960 ss:$0x1] =	vst.idx.msk $0xffff, v11;
	v8 =	vld [tilespmem:s22+$0xFFFFFCE0];
	v5 =	vand.u32 $0x10, v5;
	v9 =	vperm.xlane v0, v6  }
0x1b9: {  	v11 =	vshrl.u32 v4, $0x1B;
	[tilespmem:v2+s20+$0xFFFFF9E0 ss:$0x1] =	vst.idx.msk $0xffff, v3;
	v3 =	vadd.s32 v7, v5;
	v5 =	vperm.xlane v1, v6  }
0x1ba: {  	v6 =	vand.u32 $0x10, v11;
	v7 =	vld [tilespmem:s22+$0xFFFFFC60];
	v11 =	vperm.xlane v0, v3;
	v3 =	vperm.xlane v1, v3;
	[tilespmem:v2+s25+$0xFFFFFF10 ss:$0x1] =	vst.idx.msk $0xffff, v9  }
0x1bb: {  	v9 =	vshrl.u32 v10, $0x1B;
	v4 =	vadd.s32 v4, v6;
	[tilespmem:v2+s25+$0xFFFFFF90 ss:$0x1] =	vst.idx.msk $0xffff, v5  }
0x1bc: {  	v5 =	vand.u32 $0x10, v9;
	v6 =	vperm.xlane v0, v4;
	[tilespmem:v2+s25+$0xFFFFFB10 ss:$0x1] =	vst.idx.msk $0xffff, v11;
	v9 =	vld [tilespmem:s21+$0x490]  }
0x1bd: {  	v4 =	vperm.xlane v1, v4;
	v5 =	vadd.s32 v10, v5;
	v10 =	vshrl.u32 v8, $0x1B;
	[tilespmem:v2+s25+$0xFFFFFB90 ss:$0x1] =	vst.idx.msk $0xffff, v3  }
0x1be: {  	v3 =	vperm.xlane v0, v5;
	v5 =	vperm.xlane v1, v5;
	[tilespmem:v2+s23+$0xFFFFFC40 ss:$0x1] =	vst.idx.msk $0xffff, v6;
	v6 =	vand.u32 $0x10, v10;
	v10 =	vld [tilespmem:s21+$0x410]  }
0x1bf: {  	[tilespmem:v2+s23+$0xFFFFFCC0 ss:$0x1] =	vst.idx.msk $0xffff, v4;
	v4 =	vshrl.u32 v7, $0x1B;
	v6 =	vadd.s32 v8, v6  }
0x1c0: {  	[tilespmem:v2+s23+$0xFFFFF840 ss:$0x1] =	vst.idx.msk $0xffff, v3;
	v3 =	vld [tilespmem:s28+$0xFFFFF8C0];
	v4 =	vand.u32 $0x10, v4;
	v8 =	vperm.xlane v0, v6  }
0x1c1: {  	[tilespmem:v2+s23+$0xFFFFF8C0 ss:$0x1] =	vst.idx.msk $0xffff, v5;
	v4 =	vadd.s32 v7, v4;
	v5 =	vperm.xlane v1, v6;
	v6 =	vshrl.u32 v9, $0x1B  }
0x1c2: {  	v7 =	vld [tilespmem:s28+$0xFFFFF840];
	v11 =	vperm.xlane v0, v4;
	v4 =	vperm.xlane v1, v4;
	[tilespmem:v2+s20+$0xFFFFFD70 ss:$0x1] =	vst.idx.msk $0xffff, v8;
	v6 =	vand.u32 $0x10, v6  }
0x1c3: {  	[tilespmem:v2+s20+$0xFFFFFDF0 ss:$0x1] =	vst.idx.msk $0xffff, v5;
	v5 =	vshrl.u32 v10, $0x1B;
	v6 =	vadd.s32 v9, v6  }
0x1c4: {  	[tilespmem:v2+s20+$0xFFFFF970 ss:$0x1] =	vst.idx.msk $0xffff, v11;
	v8 =	vld [tilespmem:s22+$0xFFFFFCF0];
	v5 =	vand.u32 $0x10, v5;
	v9 =	vperm.xlane v0, v6  }
0x1c5: {  	v11 =	vshrl.u32 v3, $0x1B;
	[tilespmem:v2+s20+$0xFFFFF9F0 ss:$0x1] =	vst.idx.msk $0xffff, v4;
	v4 =	vadd.s32 v10, v5;
	v5 =	vperm.xlane v1, v6  }
0x1c6: {  	v6 =	vand.u32 $0x10, v11;
	v10 =	vld [tilespmem:s22+$0xFFFFFC70];
	v11 =	vperm.xlane v0, v4;
	v4 =	vperm.xlane v1, v4;
	[tilespmem:v2+s25+$0xFFFFFF20 ss:$0x1] =	vst.idx.msk $0xffff, v9  }
0x1c7: {  	v9 =	vshrl.u32 v7, $0x1B;
	v3 =	vadd.s32 v3, v6;
	[tilespmem:v2+s25+$0xFFFFFFA0 ss:$0x1] =	vst.idx.msk $0xffff, v5  }
0x1c8: {  	v5 =	vand.u32 $0x10, v9;
	v6 =	vperm.xlane v0, v3;
	[tilespmem:v2+s25+$0xFFFFFB20 ss:$0x1] =	vst.idx.msk $0xffff, v11;
	v9 =	vld [tilespmem:s21+$0x4A0]  }
0x1c9: {  	v3 =	vperm.xlane v1, v3;
	v5 =	vadd.s32 v7, v5;
	v7 =	vshrl.u32 v8, $0x1B;
	[tilespmem:v2+s25+$0xFFFFFBA0 ss:$0x1] =	vst.idx.msk $0xffff, v4  }
0x1ca: {  	v4 =	vperm.xlane v0, v5;
	v5 =	vperm.xlane v1, v5;
	[tilespmem:v2+s23+$0xFFFFFC50 ss:$0x1] =	vst.idx.msk $0xffff, v6;
	v6 =	vand.u32 $0x10, v7;
	v7 =	vld [tilespmem:s21+$0x420]  }
0x1cb: {  	[tilespmem:v2+s23+$0xFFFFFCD0 ss:$0x1] =	vst.idx.msk $0xffff, v3;
	v3 =	vshrl.u32 v10, $0x1B;
	v6 =	vadd.s32 v8, v6  }
0x1cc: {  	[tilespmem:v2+s23+$0xFFFFF850 ss:$0x1] =	vst.idx.msk $0xffff, v4;
	v4 =	vld [tilespmem:s28+$0xFFFFF8D0];
	v3 =	vand.u32 $0x10, v3;
	v8 =	vperm.xlane v0, v6  }
0x1cd: {  	[tilespmem:v2+s23+$0xFFFFF8D0 ss:$0x1] =	vst.idx.msk $0xffff, v5;
	v3 =	vadd.s32 v10, v3;
	v5 =	vperm.xlane v1, v6;
	v6 =	vshrl.u32 v9, $0x1B  }
0x1ce: {  	v10 =	vld [tilespmem:s28+$0xFFFFF850];
	v11 =	vperm.xlane v0, v3;
	v3 =	vperm.xlane v1, v3;
	[tilespmem:v2+s20+$0xFFFFFD80 ss:$0x1] =	vst.idx.msk $0xffff, v8;
	v6 =	vand.u32 $0x10, v6  }
0x1cf: {  	[tilespmem:v2+s20+$0xFFFFFE00 ss:$0x1] =	vst.idx.msk $0xffff, v5;
	v5 =	vshrl.u32 v7, $0x1B;
	v6 =	vadd.s32 v9, v6  }
0x1d0: {  	[tilespmem:v2+s20+$0xFFFFF980 ss:$0x1] =	vst.idx.msk $0xffff, v11;
	v8 =	vld [tilespmem:s22+$0x80];
	v5 =	vand.u32 $0x10, v5;
	v9 =	vperm.xlane v0, v6  }
0x1d1: {  	v11 =	vshrl.u32 v4, $0x1B;
	[tilespmem:v2+s20+$0xFFFFFA00 ss:$0x1] =	vst.idx.msk $0xffff, v3;
	v3 =	vadd.s32 v7, v5;
	v5 =	vperm.xlane v1, v6  }
0x1d2: {  	v6 =	vand.u32 $0x10, v11;
	v7 =	vld [tilespmem:s22+$0x0];
	v11 =	vperm.xlane v0, v3;
	v3 =	vperm.xlane v1, v3;
	[tilespmem:v2+s25+$0xFFFFFF30 ss:$0x1] =	vst.idx.msk $0xffff, v9  }
0x1d3: {  	v9 =	vshrl.u32 v10, $0x1B;
	v4 =	vadd.s32 v4, v6;
	[tilespmem:v2+s25+$0xFFFFFFB0 ss:$0x1] =	vst.idx.msk $0xffff, v5  }
0x1d4: {  	v5 =	vand.u32 $0x10, v9;
	v6 =	vperm.xlane v0, v4;
	[tilespmem:v2+s25+$0xFFFFFB30 ss:$0x1] =	vst.idx.msk $0xffff, v11;
	v9 =	vld [tilespmem:s21+$0x4B0]  }
0x1d5: {  	v4 =	vperm.xlane v1, v4;
	v5 =	vadd.s32 v10, v5;
	v10 =	vshrl.u32 v8, $0x1B;
	[tilespmem:v2+s25+$0xFFFFFBB0 ss:$0x1] =	vst.idx.msk $0xffff, v3  }
0x1d6: {  	v3 =	vperm.xlane v0, v5;
	v5 =	vperm.xlane v1, v5;
	[tilespmem:v2+s23+$0xFFFFFC60 ss:$0x1] =	vst.idx.msk $0xffff, v6;
	v6 =	vand.u32 $0x10, v10;
	v10 =	vld [tilespmem:s21+$0x430]  }
0x1d7: {  	[tilespmem:v2+s23+$0xFFFFFCE0 ss:$0x1] =	vst.idx.msk $0xffff, v4;
	v4 =	vshrl.u32 v7, $0x1B;
	v6 =	vadd.s32 v8, v6  }
0x1d8: {  	[tilespmem:v2+s23+$0xFFFFF860 ss:$0x1] =	vst.idx.msk $0xffff, v3;
	v3 =	vld [tilespmem:s28+$0xFFFFF8E0];
	v4 =	vand.u32 $0x10, v4;
	v8 =	vperm.xlane v0, v6  }
0x1d9: {  	[tilespmem:v2+s23+$0xFFFFF8E0 ss:$0x1] =	vst.idx.msk $0xffff, v5;
	v4 =	vadd.s32 v7, v4;
	v5 =	vperm.xlane v1, v6;
	v6 =	vshrl.u32 v9, $0x1B  }
0x1da: {  	v7 =	vld [tilespmem:s28+$0xFFFFF860];
	v11 =	vperm.xlane v0, v4;
	v4 =	vperm.xlane v1, v4;
	[tilespmem:v2+s20+$0xFFFFFE10 ss:$0x1] =	vst.idx.msk $0xffff, v8;
	v6 =	vand.u32 $0x10, v6  }
0x1db: {  	[tilespmem:v2+s20+$0xFFFFFE90 ss:$0x1] =	vst.idx.msk $0xffff, v5;
	v5 =	vshrl.u32 v10, $0x1B;
	v6 =	vadd.s32 v9, v6  }
0x1dc: {  	[tilespmem:v2+s20+$0xFFFFFA10 ss:$0x1] =	vst.idx.msk $0xffff, v11;
	v8 =	vld [tilespmem:s22+$0x90];
	v5 =	vand.u32 $0x10, v5;
	v9 =	vperm.xlane v0, v6  }
0x1dd: {  	v11 =	vshrl.u32 v3, $0x1B;
	[tilespmem:v2+s20+$0xFFFFFA90 ss:$0x1] =	vst.idx.msk $0xffff, v4;
	v4 =	vadd.s32 v10, v5;
	v5 =	vperm.xlane v1, v6  }
0x1de: {  	v6 =	vand.u32 $0x10, v11;
	v10 =	vld [tilespmem:s22+$0x10];
	v11 =	vperm.xlane v0, v4;
	v4 =	vperm.xlane v1, v4;
	[tilespmem:v2+s25+$0xFFFFFF40 ss:$0x1] =	vst.idx.msk $0xffff, v9  }
0x1df: {  	v9 =	vshrl.u32 v7, $0x1B;
	v3 =	vadd.s32 v3, v6;
	[tilespmem:v2+s25+$0xFFFFFFC0 ss:$0x1] =	vst.idx.msk $0xffff, v5  }
0x1e0: {  	v5 =	vand.u32 $0x10, v9;
	v6 =	vperm.xlane v0, v3;
	[tilespmem:v2+s25+$0xFFFFFB40 ss:$0x1] =	vst.idx.msk $0xffff, v11;
	v9 =	vld [tilespmem:s21+$0x4C0]  }
0x1e1: {  	v3 =	vperm.xlane v1, v3;
	v5 =	vadd.s32 v7, v5;
	v7 =	vshrl.u32 v8, $0x1B;
	[tilespmem:v2+s25+$0xFFFFFBC0 ss:$0x1] =	vst.idx.msk $0xffff, v4  }
0x1e2: {  	v4 =	vperm.xlane v0, v5;
	v5 =	vperm.xlane v1, v5;
	[tilespmem:v2+s23+$0xFFFFFC70 ss:$0x1] =	vst.idx.msk $0xffff, v6;
	v6 =	vand.u32 $0x10, v7;
	v7 =	vld [tilespmem:s21+$0x440]  }
0x1e3: {  	[tilespmem:v2+s23+$0xFFFFFCF0 ss:$0x1] =	vst.idx.msk $0xffff, v3;
	v3 =	vshrl.u32 v10, $0x1B;
	v6 =	vadd.s32 v8, v6  }
0x1e4: {  	[tilespmem:v2+s23+$0xFFFFF870 ss:$0x1] =	vst.idx.msk $0xffff, v4;
	v4 =	vld [tilespmem:s28+$0xFFFFF8F0];
	v3 =	vand.u32 $0x10, v3;
	v8 =	vperm.xlane v0, v6  }
0x1e5: {  	[tilespmem:v2+s23+$0xFFFFF8F0 ss:$0x1] =	vst.idx.msk $0xffff, v5;
	v3 =	vadd.s32 v10, v3;
	v5 =	vperm.xlane v1, v6;
	v6 =	vshrl.u32 v9, $0x1B  }
0x1e6: {  	v10 =	vld [tilespmem:s28+$0xFFFFF870];
	v11 =	vperm.xlane v0, v3;
	v3 =	vperm.xlane v1, v3;
	[tilespmem:v2+s20+$0xFFFFFE20 ss:$0x1] =	vst.idx.msk $0xffff, v8;
	v6 =	vand.u32 $0x10, v6  }
0x1e7: {  	[tilespmem:v2+s20+$0xFFFFFEA0 ss:$0x1] =	vst.idx.msk $0xffff, v5;
	v5 =	vshrl.u32 v7, $0x1B;
	v6 =	vadd.s32 v9, v6  }
0x1e8: {  	[tilespmem:v2+s20+$0xFFFFFA20 ss:$0x1] =	vst.idx.msk $0xffff, v11;
	v8 =	vld [tilespmem:s22+$0xA0];
	v5 =	vand.u32 $0x10, v5;
	v9 =	vperm.xlane v0, v6  }
0x1e9: {  	v11 =	vshrl.u32 v4, $0x1B;
	[tilespmem:v2+s20+$0xFFFFFAA0 ss:$0x1] =	vst.idx.msk $0xffff, v3;
	v3 =	vadd.s32 v7, v5;
	v5 =	vperm.xlane v1, v6  }
0x1ea: {  	v6 =	vand.u32 $0x10, v11;
	v7 =	vld [tilespmem:s22+$0x20];
	v11 =	vperm.xlane v0, v3;
	v3 =	vperm.xlane v1, v3;
	[tilespmem:v2+s25+$0xFFFFFF50 ss:$0x1] =	vst.idx.msk $0xffff, v9  }
0x1eb: {  	v9 =	vshrl.u32 v10, $0x1B;
	v4 =	vadd.s32 v4, v6;
	[tilespmem:v2+s25+$0xFFFFFFD0 ss:$0x1] =	vst.idx.msk $0xffff, v5  }
0x1ec: {  	v5 =	vand.u32 $0x10, v9;
	v6 =	vperm.xlane v0, v4;
	[tilespmem:v2+s25+$0xFFFFFB50 ss:$0x1] =	vst.idx.msk $0xffff, v11;
	v9 =	vld [tilespmem:s21+$0x4D0]  }
0x1ed: {  	v4 =	vperm.xlane v1, v4;
	v5 =	vadd.s32 v10, v5;
	v10 =	vshrl.u32 v8, $0x1B;
	[tilespmem:v2+s25+$0xFFFFFBD0 ss:$0x1] =	vst.idx.msk $0xffff, v3  }
0x1ee: {  	v3 =	vperm.xlane v0, v5;
	v5 =	vperm.xlane v1, v5;
	[tilespmem:v2+s23+$0xFFFFFC80 ss:$0x1] =	vst.idx.msk $0xffff, v6;
	v6 =	vand.u32 $0x10, v10;
	v10 =	vld [tilespmem:s21+$0x450]  }
0x1ef: {  	[tilespmem:v2+s23+$0xFFFFFD00 ss:$0x1] =	vst.idx.msk $0xffff, v4;
	v4 =	vshrl.u32 v7, $0x1B;
	v6 =	vadd.s32 v8, v6  }
0x1f0: {  	[tilespmem:v2+s23+$0xFFFFF880 ss:$0x1] =	vst.idx.msk $0xffff, v3;
	v3 =	vld [tilespmem:s28+$0xFFFFFC80];
	v4 =	vand.u32 $0x10, v4;
	v8 =	vperm.xlane v0, v6  }
0x1f1: {  	[tilespmem:v2+s23+$0xFFFFF900 ss:$0x1] =	vst.idx.msk $0xffff, v5;
	v4 =	vadd.s32 v7, v4;
	v5 =	vperm.xlane v1, v6;
	v6 =	vshrl.u32 v9, $0x1B  }
0x1f2: {  	v7 =	vld [tilespmem:s28+$0xFFFFFC00];
	v11 =	vperm.xlane v0, v4;
	v4 =	vperm.xlane v1, v4;
	[tilespmem:v2+s20+$0xFFFFFE30 ss:$0x1] =	vst.idx.msk $0xffff, v8;
	v6 =	vand.u32 $0x10, v6  }
0x1f3: {  	[tilespmem:v2+s20+$0xFFFFFEB0 ss:$0x1] =	vst.idx.msk $0xffff, v5;
	v5 =	vshrl.u32 v10, $0x1B;
	v6 =	vadd.s32 v9, v6  }
0x1f4: {  	[tilespmem:v2+s20+$0xFFFFFA30 ss:$0x1] =	vst.idx.msk $0xffff, v11;
	v8 =	vld [tilespmem:s22+$0xB0];
	v5 =	vand.u32 $0x10, v5;
	v9 =	vperm.xlane v0, v6  }
0x1f5: {  	v11 =	vshrl.u32 v3, $0x1B;
	[tilespmem:v2+s20+$0xFFFFFAB0 ss:$0x1] =	vst.idx.msk $0xffff, v4;
	v4 =	vadd.s32 v10, v5;
	v5 =	vperm.xlane v1, v6  }
0x1f6: {  	v6 =	vand.u32 $0x10, v11;
	v10 =	vld [tilespmem:s22+$0x30];
	v11 =	vperm.xlane v0, v4;
	v4 =	vperm.xlane v1, v4;
	[tilespmem:v2+s25+$0xFFFFFF60 ss:$0x1] =	vst.idx.msk $0xffff, v9  }
0x1f7: {  	v9 =	vshrl.u32 v7, $0x1B;
	v3 =	vadd.s32 v3, v6;
	[tilespmem:v2+s25+$0xFFFFFFE0 ss:$0x1] =	vst.idx.msk $0xffff, v5  }
0x1f8: {  	v5 =	vand.u32 $0x10, v9;
	v6 =	vperm.xlane v0, v3;
	[tilespmem:v2+s25+$0xFFFFFB60 ss:$0x1] =	vst.idx.msk $0xffff, v11;
	v9 =	vld [tilespmem:s21+$0x4E0]  }
0x1f9: {  	v3 =	vperm.xlane v1, v3;
	v5 =	vadd.s32 v7, v5;
	v7 =	vshrl.u32 v8, $0x1B;
	[tilespmem:v2+s25+$0xFFFFFBE0 ss:$0x1] =	vst.idx.msk $0xffff, v4  }
0x1fa: {  	v4 =	vperm.xlane v0, v5;
	v5 =	vperm.xlane v1, v5;
	[tilespmem:v2+s23+$0xFFFFFD10 ss:$0x1] =	vst.idx.msk $0xffff, v6;
	v6 =	vand.u32 $0x10, v7;
	v7 =	vld [tilespmem:s21+$0x460]  }
0x1fb: {  	[tilespmem:v2+s23+$0xFFFFFD90 ss:$0x1] =	vst.idx.msk $0xffff, v3;
	v3 =	vshrl.u32 v10, $0x1B;
	v6 =	vadd.s32 v8, v6  }
0x1fc: {  	[tilespmem:v2+s23+$0xFFFFF910 ss:$0x1] =	vst.idx.msk $0xffff, v4;
	v4 =	vld [tilespmem:s28+$0xFFFFFC90];
	v3 =	vand.u32 $0x10, v3;
	v8 =	vperm.xlane v0, v6  }
0x1fd: {  	[tilespmem:v2+s23+$0xFFFFF990 ss:$0x1] =	vst.idx.msk $0xffff, v5;
	v3 =	vadd.s32 v10, v3;
	v5 =	vperm.xlane v1, v6;
	v6 =	vshrl.u32 v9, $0x1B  }
0x1fe: {  	v10 =	vld [tilespmem:s28+$0xFFFFFC10];
	v11 =	vperm.xlane v0, v3;
	v3 =	vperm.xlane v1, v3;
	[tilespmem:v2+s20+$0xFFFFFE40 ss:$0x1] =	vst.idx.msk $0xffff, v8;
	v6 =	vand.u32 $0x10, v6  }
0x1ff: {  	[tilespmem:v2+s20+$0xFFFFFEC0 ss:$0x1] =	vst.idx.msk $0xffff, v5;
	v5 =	vshrl.u32 v7, $0x1B;
	v6 =	vadd.s32 v9, v6  }
0x200: {  	[tilespmem:v2+s20+$0xFFFFFA40 ss:$0x1] =	vst.idx.msk $0xffff, v11;
	v8 =	vld [tilespmem:s22+$0xC0];
	v5 =	vand.u32 $0x10, v5;
	v9 =	vperm.xlane v0, v6  }
0x201: {  	v11 =	vshrl.u32 v4, $0x1B;
	[tilespmem:v2+s20+$0xFFFFFAC0 ss:$0x1] =	vst.idx.msk $0xffff, v3;
	v3 =	vadd.s32 v7, v5;
	v5 =	vperm.xlane v1, v6  }
0x202: {  	v6 =	vand.u32 $0x10, v11;
	v7 =	vld [tilespmem:s22+$0x40];
	v11 =	vperm.xlane v0, v3;
	v3 =	vperm.xlane v1, v3;
	[tilespmem:v2+s25+$0xFFFFFF70 ss:$0x1] =	vst.idx.msk $0xffff, v9  }
0x203: {  	v9 =	vshrl.u32 v10, $0x1B;
	v4 =	vadd.s32 v4, v6;
	[tilespmem:v2+s25+$0xFFFFFFF0 ss:$0x1] =	vst.idx.msk $0xffff, v5  }
0x204: {  	v5 =	vand.u32 $0x10, v9;
	v6 =	vperm.xlane v0, v4;
	[tilespmem:v2+s25+$0xFFFFFB70 ss:$0x1] =	vst.idx.msk $0xffff, v11;
	v9 =	vld [tilespmem:s21+$0x4F0]  }
0x205: {  	v4 =	vperm.xlane v1, v4;
	v5 =	vadd.s32 v10, v5;
	v10 =	vshrl.u32 v8, $0x1B;
	[tilespmem:v2+s25+$0xFFFFFBF0 ss:$0x1] =	vst.idx.msk $0xffff, v3  }
0x206: {  	v3 =	vperm.xlane v0, v5;
	v5 =	vperm.xlane v1, v5;
	[tilespmem:v2+s23+$0xFFFFFD20 ss:$0x1] =	vst.idx.msk $0xffff, v6;
	v6 =	vand.u32 $0x10, v10;
	v10 =	vld [tilespmem:s21+$0x470];
	s21 =	smov.u32 s22;
	s22 =	smov.u32 s28  }
0x207: {  	[tilespmem:v2+s23+$0xFFFFFDA0 ss:$0x1] =	vst.idx.msk $0xffff, v4;
	v4 =	vshrl.u32 v7, $0x1B;
	v6 =	vadd.s32 v8, v6  }
0x208: {  	[tilespmem:v2+s23+$0xFFFFF920 ss:$0x1] =	vst.idx.msk $0xffff, v3;
	v8 =	vld [tilespmem:s28+$0xFFFFFCA0];
	v3 =	vand.u32 $0x10, v4;
	v4 =	vperm.xlane v0, v6  }
0x209: {  	[tilespmem:v2+s23+$0xFFFFF9A0 ss:$0x1] =	vst.idx.msk $0xffff, v5;
	v3 =	vadd.s32 v7, v3;
	v5 =	vperm.xlane v1, v6;
	v6 =	vshrl.u32 v9, $0x1B  }
0x20a: {  	v7 =	vld [tilespmem:s28+$0xFFFFFC20];
	v11 =	vperm.xlane v0, v3;
	v3 =	vperm.xlane v1, v3;
	[tilespmem:v2+s20+$0xFFFFFE50 ss:$0x1] =	vst.idx.msk $0xffff, v4;
	v4 =	vand.u32 $0x10, v6  }
.Ltmp0:
0x20b: {  	[tilespmem:v2+s20+$0xFFFFFED0 ss:$0x1] =	vst.idx.msk $0xffff, v5;
	v6 =	vshrl.u32 v10, $0x1B;
	v4 =	vadd.s32 v9, v4;
	(pc) =	sbr.rel @p0 .LBB2_3-.Ltmp0, $4  }
0x20c: {  	[tilespmem:v2+s20+$0xFFFFFA50 ss:$0x1] =	vst.idx.msk $0xffff, v11;
	v5 =	vld [tilespmem:s21+$0xD0];
	v6 =	vand.u32 $0x10, v6;
	v11 =	vperm.xlane v0, v4;
	v9 =	vperm.xlane v1, v4  }
0x20d: {  	v4 =	vshrl.u32 v8, $0x1B;
	[tilespmem:v2+s20+$0xFFFFFAD0 ss:$0x1] =	vst.idx.msk $0xffff, v3;
	v3 =	vadd.s32 v10, v6  }
0x20e: {  	v10 =	vand.u32 $0x10, v4;
	v6 =	vld [tilespmem:s21+$0x50];
	v4 =	vperm.xlane v0, v3;
	v3 =	vperm.xlane v1, v3;
	[tilespmem:v2+s25+$0x0 ss:$0x1] =	vst.idx.msk $0xffff, v9  }
0x20f: {  	s28 =	sadd.s32 $0x100, s28;
	v9 =	vshrl.u32 v7, $0x1B;
	v8 =	vadd.s32 v8, v10;
	[tilespmem:v2+s25+$0xFFFFFF80 ss:$0x1] =	vst.idx.msk $0xffff, v11  }
0x210: {  	_ =	sdelay $0x1  }
0x211: {  	v9 =	vand.u32 $0x10, v9;
	v10 =	vperm.xlane v0, v8  }
0x212: {  	v57 =	vperm.xlane v1, v8;
	v7 =	vadd.s32 v7, v9  }
0x213: {  	v9 =	vperm.xlane v0, v7;
	[tilespmem:v2+s23+$0xFFFFFD30 ss:$0x1] =	vst.idx.msk $0xffff, v10  }
0x214: {  	v7 =	vperm.xlane v1, v7;
	[tilespmem:v2+s23+$0xFFFFFDB0 ss:$0x1] =	vst.idx.msk $0xffff, v57  }
0x215: {  	[tilespmem:v2+s23+$0xFFFFF930 ss:$0x1] =	vst.idx.msk $0xffff, v9;
	v8 =	vld [tilespmem:s22+$0xFFFFFCB0]  }
0x216: {  	[tilespmem:v2+s23+$0xFFFFF9B0 ss:$0x1] =	vst.idx.msk $0xffff, v7  }
0x217: {  	v7 =	vld [tilespmem:s22+$0xFFFFFC30];
	_ =	sdelay $0x2  }
0x218: {  	v58 =	vshrl.u32 v8, $0x1B  }
0x219: {  	v9 =	vand.u32 $0x10, v58  }
0x21a: {  	v59 =	vshrl.u32 v7, $0x1B;
	v8 =	vadd.s32 v8, v9  }
0x21b: {  	v60 =	vand.u32 $0x10, v59;
	v61 =	vperm.xlane v0, v8  }
0x21c: {  	v8 =	vperm.xlane v1, v8;
	v7 =	vadd.s32 v7, v60  }
0x21d: {  	v9 =	vperm.xlane v0, v7;
	[tilespmem:v2+s23+$0xFFFFFD40 ss:$0x1] =	vst.idx.msk $0xffff, v61  }
0x21e: {  	v7 =	vperm.xlane v1, v7;
	[tilespmem:v2+s23+$0xFFFFFDC0 ss:$0x1] =	vst.idx.msk $0xffff, v8  }
0x21f: {  	[tilespmem:v2+s23+$0xFFFFF940 ss:$0x1] =	vst.idx.msk $0xffff, v9;
	v8 =	vld [tilespmem:s22+$0xFFFFFCC0]  }
0x220: {  	[tilespmem:v2+s23+$0xFFFFF9C0 ss:$0x1] =	vst.idx.msk $0xffff, v7  }
0x221: {  	v7 =	vld [tilespmem:s22+$0xFFFFFC40];
	_ =	sdelay $0x2  }
0x222: {  	v62 =	vshrl.u32 v8, $0x1B  }
0x223: {  	v9 =	vand.u32 $0x10, v62  }
0x224: {  	v63 =	vshrl.u32 v7, $0x1B;
	v8 =	vadd.s32 v8, v9  }
0x225: {  	v12 =	vand.u32 $0x10, v63;
	v13 =	vperm.xlane v0, v8  }
0x226: {  	v8 =	vperm.xlane v1, v8;
	v7 =	vadd.s32 v7, v12  }
0x227: {  	v9 =	vperm.xlane v0, v7;
	[tilespmem:v2+s23+$0xFFFFFD50 ss:$0x1] =	vst.idx.msk $0xffff, v13  }
0x228: {  	v7 =	vperm.xlane v1, v7;
	[tilespmem:v2+s23+$0xFFFFFDD0 ss:$0x1] =	vst.idx.msk $0xffff, v8  }
0x229: {  	[tilespmem:v2+s23+$0xFFFFF950 ss:$0x1] =	vst.idx.msk $0xffff, v9;
	v8 =	vld [tilespmem:s22+$0xFFFFFCD0]  }
0x22a: {  	[tilespmem:v2+s23+$0xFFFFF9D0 ss:$0x1] =	vst.idx.msk $0xffff, v7  }
0x22b: {  	v7 =	vld [tilespmem:s22+$0xFFFFFC50];
	_ =	sdelay $0x2  }
0x22c: {  	v14 =	vshrl.u32 v8, $0x1B  }
0x22d: {  	v9 =	vand.u32 $0x10, v14  }
0x22e: {  	v15 =	vshrl.u32 v7, $0x1B;
	v8 =	vadd.s32 v8, v9  }
0x22f: {  	v16 =	vand.u32 $0x10, v15;
	v17 =	vperm.xlane v0, v8  }
0x230: {  	v8 =	vperm.xlane v1, v8;
	v7 =	vadd.s32 v7, v16  }
0x231: {  	v9 =	vperm.xlane v0, v7;
	[tilespmem:v2+s23+$0xFFFFFD60 ss:$0x1] =	vst.idx.msk $0xffff, v17  }
0x232: {  	v7 =	vperm.xlane v1, v7;
	[tilespmem:v2+s23+$0xFFFFFDE0 ss:$0x1] =	vst.idx.msk $0xffff, v8  }
0x233: {  	[tilespmem:v2+s23+$0xFFFFF960 ss:$0x1] =	vst.idx.msk $0xffff, v9;
	v8 =	vld [tilespmem:s22+$0xFFFFFCE0]  }
0x234: {  	[tilespmem:v2+s23+$0xFFFFF9E0 ss:$0x1] =	vst.idx.msk $0xffff, v7  }
0x235: {  	v7 =	vld [tilespmem:s22+$0xFFFFFC60];
	_ =	sdelay $0x2  }
0x236: {  	v18 =	vshrl.u32 v8, $0x1B  }
0x237: {  	v9 =	vand.u32 $0x10, v18  }
0x238: {  	v19 =	vshrl.u32 v7, $0x1B;
	v8 =	vadd.s32 v8, v9  }
0x239: {  	v20 =	vand.u32 $0x10, v19;
	v21 =	vperm.xlane v0, v8  }
0x23a: {  	v8 =	vperm.xlane v1, v8;
	v7 =	vadd.s32 v7, v20  }
0x23b: {  	v9 =	vperm.xlane v0, v7;
	[tilespmem:v2+s23+$0xFFFFFD70 ss:$0x1] =	vst.idx.msk $0xffff, v21  }
0x23c: {  	v7 =	vperm.xlane v1, v7;
	[tilespmem:v2+s23+$0xFFFFFDF0 ss:$0x1] =	vst.idx.msk $0xffff, v8  }
0x23d: {  	[tilespmem:v2+s23+$0xFFFFF970 ss:$0x1] =	vst.idx.msk $0xffff, v9;
	v8 =	vld [tilespmem:s22+$0xFFFFFCF0]  }
0x23e: {  	[tilespmem:v2+s23+$0xFFFFF9F0 ss:$0x1] =	vst.idx.msk $0xffff, v7  }
0x23f: {  	v7 =	vld [tilespmem:s22+$0xFFFFFC70];
	_ =	sdelay $0x2  }
0x240: {  	v22 =	vshrl.u32 v8, $0x1B  }
0x241: {  	v9 =	vand.u32 $0x10, v22  }
0x242: {  	v23 =	vshrl.u32 v7, $0x1B;
	v8 =	vadd.s32 v8, v9  }
0x243: {  	v24 =	vand.u32 $0x10, v23;
	v25 =	vperm.xlane v0, v8  }
0x244: {  	v8 =	vperm.xlane v1, v8;
	v7 =	vadd.s32 v7, v24  }
0x245: {  	v9 =	vperm.xlane v0, v7;
	[tilespmem:v2+s23+$0xFFFFFD80 ss:$0x1] =	vst.idx.msk $0xffff, v25  }
0x246: {  	v7 =	vperm.xlane v1, v7;
	[tilespmem:v2+s23+$0xFFFFFE00 ss:$0x1] =	vst.idx.msk $0xffff, v8  }
0x247: {  	[tilespmem:v2+s23+$0xFFFFF980 ss:$0x1] =	vst.idx.msk $0xffff, v9;
	v8 =	vld [tilespmem:s22+$0x80]  }
0x248: {  	[tilespmem:v2+s23+$0xFFFFFA00 ss:$0x1] =	vst.idx.msk $0xffff, v7  }
0x249: {  	v7 =	vld [tilespmem:s22+$0x0];
	_ =	sdelay $0x2  }
0x24a: {  	v26 =	vshrl.u32 v8, $0x1B  }
0x24b: {  	v9 =	vand.u32 $0x10, v26  }
0x24c: {  	v27 =	vshrl.u32 v7, $0x1B;
	v8 =	vadd.s32 v8, v9  }
0x24d: {  	v28 =	vand.u32 $0x10, v27;
	v29 =	vperm.xlane v0, v8  }
0x24e: {  	v8 =	vperm.xlane v1, v8;
	v7 =	vadd.s32 v7, v28  }
0x24f: {  	v9 =	vperm.xlane v0, v7;
	[tilespmem:v2+s23+$0xFFFFFE10 ss:$0x1] =	vst.idx.msk $0xffff, v29  }
0x250: {  	v7 =	vperm.xlane v1, v7;
	[tilespmem:v2+s23+$0xFFFFFE90 ss:$0x1] =	vst.idx.msk $0xffff, v8  }
0x251: {  	[tilespmem:v2+s23+$0xFFFFFA10 ss:$0x1] =	vst.idx.msk $0xffff, v9;
	v8 =	vld [tilespmem:s22+$0x90]  }
0x252: {  	[tilespmem:v2+s23+$0xFFFFFA90 ss:$0x1] =	vst.idx.msk $0xffff, v7  }
0x253: {  	v7 =	vld [tilespmem:s22+$0x10];
	_ =	sdelay $0x2  }
0x254: {  	v30 =	vshrl.u32 v8, $0x1B  }
0x255: {  	v9 =	vand.u32 $0x10, v30  }
0x256: {  	v31 =	vshrl.u32 v7, $0x1B;
	v8 =	vadd.s32 v8, v9  }
0x257: {  	v32 =	vand.u32 $0x10, v31;
	v33 =	vperm.xlane v0, v8  }
0x258: {  	v8 =	vperm.xlane v1, v8;
	v7 =	vadd.s32 v7, v32  }
0x259: {  	v9 =	vperm.xlane v0, v7;
	[tilespmem:v2+s23+$0xFFFFFE20 ss:$0x1] =	vst.idx.msk $0xffff, v33  }
0x25a: {  	v7 =	vperm.xlane v1, v7;
	[tilespmem:v2+s23+$0xFFFFFEA0 ss:$0x1] =	vst.idx.msk $0xffff, v8  }
0x25b: {  	[tilespmem:v2+s23+$0xFFFFFA20 ss:$0x1] =	vst.idx.msk $0xffff, v9;
	v8 =	vld [tilespmem:s22+$0xA0]  }
0x25c: {  	[tilespmem:v2+s23+$0xFFFFFAA0 ss:$0x1] =	vst.idx.msk $0xffff, v7  }
0x25d: {  	v7 =	vld [tilespmem:s22+$0x20];
	_ =	sdelay $0x2  }
0x25e: {  	v34 =	vshrl.u32 v8, $0x1B  }
0x25f: {  	v9 =	vand.u32 $0x10, v34  }
0x260: {  	v35 =	vshrl.u32 v7, $0x1B;
	v8 =	vadd.s32 v8, v9  }
0x261: {  	v36 =	vand.u32 $0x10, v35;
	v37 =	vperm.xlane v0, v8  }
0x262: {  	v8 =	vperm.xlane v1, v8;
	v7 =	vadd.s32 v7, v36  }
0x263: {  	v9 =	vperm.xlane v0, v7;
	[tilespmem:v2+s23+$0xFFFFFE30 ss:$0x1] =	vst.idx.msk $0xffff, v37  }
0x264: {  	v7 =	vperm.xlane v1, v7;
	[tilespmem:v2+s23+$0xFFFFFEB0 ss:$0x1] =	vst.idx.msk $0xffff, v8  }
0x265: {  	[tilespmem:v2+s23+$0xFFFFFA30 ss:$0x1] =	vst.idx.msk $0xffff, v9;
	v8 =	vld [tilespmem:s22+$0xB0]  }
0x266: {  	[tilespmem:v2+s23+$0xFFFFFAB0 ss:$0x1] =	vst.idx.msk $0xffff, v7  }
0x267: {  	v7 =	vld [tilespmem:s22+$0x30];
	_ =	sdelay $0x2  }
0x268: {  	v38 =	vshrl.u32 v8, $0x1B  }
0x269: {  	v9 =	vand.u32 $0x10, v38  }
0x26a: {  	v39 =	vshrl.u32 v7, $0x1B;
	v8 =	vadd.s32 v8, v9  }
0x26b: {  	v40 =	vand.u32 $0x10, v39;
	v41 =	vperm.xlane v0, v8  }
0x26c: {  	v8 =	vperm.xlane v1, v8;
	v7 =	vadd.s32 v7, v40  }
0x26d: {  	v9 =	vperm.xlane v0, v7;
	[tilespmem:v2+s23+$0xFFFFFE40 ss:$0x1] =	vst.idx.msk $0xffff, v41  }
0x26e: {  	v7 =	vperm.xlane v1, v7;
	[tilespmem:v2+s23+$0xFFFFFEC0 ss:$0x1] =	vst.idx.msk $0xffff, v8  }
0x26f: {  	[tilespmem:v2+s23+$0xFFFFFA40 ss:$0x1] =	vst.idx.msk $0xffff, v9;
	v8 =	vld [tilespmem:s22+$0xC0]  }
0x270: {  	[tilespmem:v2+s23+$0xFFFFFAC0 ss:$0x1] =	vst.idx.msk $0xffff, v7  }
0x271: {  	v7 =	vld [tilespmem:s22+$0x40];
	_ =	sdelay $0x2  }
0x272: {  	v42 =	vshrl.u32 v8, $0x1B  }
0x273: {  	v9 =	vand.u32 $0x10, v42  }
0x274: {  	v43 =	vshrl.u32 v7, $0x1B;
	v8 =	vadd.s32 v8, v9  }
0x275: {  	v44 =	vand.u32 $0x10, v43;
	v45 =	vperm.xlane v0, v8  }
0x276: {  	v8 =	vperm.xlane v1, v8;
	v7 =	vadd.s32 v7, v44  }
0x277: {  	v9 =	vperm.xlane v0, v7;
	[tilespmem:v2+s23+$0xFFFFFE50 ss:$0x1] =	vst.idx.msk $0xffff, v45  }
0x278: {  	v7 =	vperm.xlane v1, v7;
	[tilespmem:v2+s23+$0xFFFFFED0 ss:$0x1] =	vst.idx.msk $0xffff, v8  }
0x279: {  	[tilespmem:v2+s23+$0xFFFFFA50 ss:$0x1] =	vst.idx.msk $0xffff, v9;
	v8 =	vld [tilespmem:s22+$0xD0]  }
0x27a: {  	v46 =	vshrl.u32 v5, $0x1B;
	[tilespmem:v2+s23+$0xFFFFFAD0 ss:$0x1] =	vst.idx.msk $0xffff, v7  }
0x27b: {  	v47 =	vand.u32 $0x10, v46;
	v48 =	vld [tilespmem:s22+$0x50]  }
0x27c: {  	v49 =	vshrl.u32 v6, $0x1B;
	v50 =	vadd.s32 v5, v47  }
0x27d: {  	v51 =	vand.u32 $0x10, v49;
	v52 =	vperm.xlane v0, v50  }
0x27e: {  	v5 =	vperm.xlane v1, v50;
	v53 =	vadd.s32 v6, v51;
	v54 =	vshrl.u32 v8, $0x1B  }
0x27f: {  	[tilespmem:v2+s20+$0xFFFFFE60 ss:$0x1] =	vst.idx.msk $0xffff, v52;
	v55 =	vperm.xlane v0, v53;
	v7 =	vand.u32 $0x10, v54  }
0x280: {  	v6 =	vperm.xlane v1, v53;
	[tilespmem:v2+s20+$0xFFFFFEE0 ss:$0x1] =	vst.idx.msk $0xffff, v5;
	v56 =	vshrl.u32 v48, $0x1B;
	v7 =	vadd.s32 v8, v7  }
0x281: {  	[tilespmem:v2+s20+$0xFFFFFA60 ss:$0x1] =	vst.idx.msk $0xffff, v55;
	v57 =	vld [tilespmem:s21+$0xE0];
	v5 =	vand.u32 $0x10, v56;
	v58 =	vperm.xlane v0, v7  }
0x282: {  	[tilespmem:v2+s20+$0xFFFFFAE0 ss:$0x1] =	vst.idx.msk $0xffff, v6;
	v59 =	vperm.xlane v1, v7;
	v5 =	vadd.s32 v48, v5  }
0x283: {  	v60 =	vld [tilespmem:s21+$0x60];
	v9 =	vperm.xlane v0, v5;
	[tilespmem:v2+s23+$0xFFFFFE60 ss:$0x1] =	vst.idx.msk $0xffff, v58  }
0x284: {  	v5 =	vperm.xlane v1, v5;
	[tilespmem:v2+s23+$0xFFFFFEE0 ss:$0x1] =	vst.idx.msk $0xffff, v59  }
0x285: {  	[tilespmem:v2+s23+$0xFFFFFA60 ss:$0x1] =	vst.idx.msk $0xffff, v9;
	v6 =	vld [tilespmem:s22+$0xE0]  }
0x286: {  	v61 =	vshrl.u32 v57, $0x1B;
	[tilespmem:v2+s23+$0xFFFFFAE0 ss:$0x1] =	vst.idx.msk $0xffff, v5  }
0x287: {  	v62 =	vand.u32 $0x10, v61;
	v63 =	vld [tilespmem:s22+$0x60]  }
0x288: {  	v12 =	vshrl.u32 v60, $0x1B;
	v5 =	vadd.s32 v57, v62  }
0x289: {  	v13 =	vand.u32 $0x10, v12;
	v14 =	vperm.xlane v0, v5  }
0x28a: {  	v7 =	vadd.s32 v60, v13;
	v5 =	vperm.xlane v1, v5;
	v15 =	vshrl.u32 v6, $0x1B  }
0x28b: {  	v16 =	vperm.xlane v0, v7;
	[tilespmem:v2+s20+$0xFFFFFE70 ss:$0x1] =	vst.idx.msk $0xffff, v14;
	v8 =	vand.u32 $0x10, v15  }
0x28c: {  	v7 =	vperm.xlane v1, v7;
	[tilespmem:v2+s20+$0xFFFFFEF0 ss:$0x1] =	vst.idx.msk $0xffff, v5;
	v17 =	vshrl.u32 v63, $0x1B;
	v6 =	vadd.s32 v6, v8  }
0x28d: {  	[tilespmem:v2+s20+$0xFFFFFA70 ss:$0x1] =	vst.idx.msk $0xffff, v16;
	v18 =	vld [tilespmem:s21+$0xF0];
	v5 =	vand.u32 $0x10, v17;
	v19 =	vperm.xlane v0, v6  }
0x28e: {  	[tilespmem:v2+s20+$0xFFFFFAF0 ss:$0x1] =	vst.idx.msk $0xffff, v7;
	v6 =	vperm.xlane v1, v6;
	v5 =	vadd.s32 v63, v5  }
0x28f: {  	v7 =	vld [tilespmem:s21+$0x70];
	v9 =	vperm.xlane v0, v5;
	[tilespmem:v2+s23+$0xFFFFFE70 ss:$0x1] =	vst.idx.msk $0xffff, v19  }
0x290: {  	v5 =	vperm.xlane v1, v5;
	[tilespmem:v2+s23+$0xFFFFFEF0 ss:$0x1] =	vst.idx.msk $0xffff, v6  }
0x291: {  	[tilespmem:v2+s23+$0xFFFFFA70 ss:$0x1] =	vst.idx.msk $0xffff, v9;
	v6 =	vld [tilespmem:s22+$0xF0]  }
0x292: {  	v20 =	vshrl.u32 v18, $0x1B;
	[tilespmem:v2+s23+$0xFFFFFAF0 ss:$0x1] =	vst.idx.msk $0xffff, v5  }
0x293: {  	v21 =	vand.u32 $0x10, v20;
	v22 =	vld [tilespmem:s22+$0x70]  }
0x294: {  	v23 =	vshrl.u32 v7, $0x1B;
	v5 =	vadd.s32 v18, v21  }
0x295: {  	v24 =	vand.u32 $0x10, v23;
	v25 =	vperm.xlane v0, v5  }
0x296: {  	v7 =	vadd.s32 v7, v24;
	v5 =	vperm.xlane v1, v5;
	v26 =	vshrl.u32 v6, $0x1B  }
0x297: {  	v27 =	vperm.xlane v0, v7;
	[tilespmem:v2+s20+$0xFFFFFE80 ss:$0x1] =	vst.idx.msk $0xffff, v25;
	v8 =	vand.u32 $0x10, v26  }
0x298: {  	v7 =	vperm.xlane v1, v7;
	[tilespmem:v2+s20+$0xFFFFFF00 ss:$0x1] =	vst.idx.msk $0xffff, v5;
	v28 =	vshrl.u32 v22, $0x1B;
	v6 =	vadd.s32 v6, v8  }
0x299: {  	[tilespmem:v2+s20+$0xFFFFFA80 ss:$0x1] =	vst.idx.msk $0xffff, v27;
	v29 =	vld [tilespmem:s21+$0x480];
	v5 =	vand.u32 $0x10, v28;
	v30 =	vperm.xlane v0, v6  }
0x29a: {  	[tilespmem:v2+s20+$0xFFFFFB00 ss:$0x1] =	vst.idx.msk $0xffff, v7;
	v6 =	vperm.xlane v1, v6;
	v5 =	vadd.s32 v22, v5  }
0x29b: {  	v7 =	vld [tilespmem:s21+$0x400];
	v9 =	vperm.xlane v0, v5;
	[tilespmem:v2+s23+$0xFFFFFE80 ss:$0x1] =	vst.idx.msk $0xffff, v30  }
0x29c: {  	v5 =	vperm.xlane v1, v5;
	[tilespmem:v2+s23+$0xFFFFFF00 ss:$0x1] =	vst.idx.msk $0xffff, v6  }
0x29d: {  	[tilespmem:v2+s23+$0xFFFFFA80 ss:$0x1] =	vst.idx.msk $0xffff, v9;
	v6 =	vld [tilespmem:s22+$0x480]  }
0x29e: {  	v31 =	vshrl.u32 v29, $0x1B;
	[tilespmem:v2+s23+$0xFFFFFB00 ss:$0x1] =	vst.idx.msk $0xffff, v5  }
0x29f: {  	v32 =	vand.u32 $0x10, v31;
	v33 =	vld [tilespmem:s22+$0x400]  }
0x2a0: {  	v34 =	vshrl.u32 v7, $0x1B;
	v5 =	vadd.s32 v29, v32  }
0x2a1: {  	v35 =	vand.u32 $0x10, v34;
	v36 =	vperm.xlane v0, v5  }
0x2a2: {  	v7 =	vadd.s32 v7, v35;
	v5 =	vperm.xlane v1, v5;
	v37 =	vshrl.u32 v6, $0x1B  }
0x2a3: {  	v38 =	vperm.xlane v0, v7;
	[tilespmem:v2+s20+$0xFFFFFF10 ss:$0x1] =	vst.idx.msk $0xffff, v36;
	v8 =	vand.u32 $0x10, v37  }
0x2a4: {  	v7 =	vperm.xlane v1, v7;
	[tilespmem:v2+s20+$0xFFFFFF90 ss:$0x1] =	vst.idx.msk $0xffff, v5;
	v39 =	vshrl.u32 v33, $0x1B;
	v6 =	vadd.s32 v6, v8  }
0x2a5: {  	[tilespmem:v2+s20+$0xFFFFFB10 ss:$0x1] =	vst.idx.msk $0xffff, v38;
	v40 =	vld [tilespmem:s21+$0x490];
	v5 =	vand.u32 $0x10, v39;
	v41 =	vperm.xlane v0, v6  }
0x2a6: {  	[tilespmem:v2+s20+$0xFFFFFB90 ss:$0x1] =	vst.idx.msk $0xffff, v7;
	v6 =	vperm.xlane v1, v6;
	v5 =	vadd.s32 v33, v5  }
0x2a7: {  	v7 =	vld [tilespmem:s21+$0x410];
	v9 =	vperm.xlane v0, v5;
	[tilespmem:v2+s23+$0xFFFFFF10 ss:$0x1] =	vst.idx.msk $0xffff, v41  }
0x2a8: {  	v5 =	vperm.xlane v1, v5;
	[tilespmem:v2+s23+$0xFFFFFF90 ss:$0x1] =	vst.idx.msk $0xffff, v6  }
0x2a9: {  	[tilespmem:v2+s23+$0xFFFFFB10 ss:$0x1] =	vst.idx.msk $0xffff, v9;
	v6 =	vld [tilespmem:s22+$0x490]  }
0x2aa: {  	v42 =	vshrl.u32 v40, $0x1B;
	[tilespmem:v2+s23+$0xFFFFFB90 ss:$0x1] =	vst.idx.msk $0xffff, v5  }
0x2ab: {  	v43 =	vand.u32 $0x10, v42;
	v44 =	vld [tilespmem:s22+$0x410]  }
0x2ac: {  	v45 =	vshrl.u32 v7, $0x1B;
	v5 =	vadd.s32 v40, v43  }
0x2ad: {  	v46 =	vand.u32 $0x10, v45;
	v47 =	vperm.xlane v0, v5  }
0x2ae: {  	v7 =	vadd.s32 v7, v46;
	v5 =	vperm.xlane v1, v5;
	v48 =	vshrl.u32 v6, $0x1B  }
0x2af: {  	v49 =	vperm.xlane v0, v7;
	[tilespmem:v2+s20+$0xFFFFFF20 ss:$0x1] =	vst.idx.msk $0xffff, v47;
	v8 =	vand.u32 $0x10, v48  }
0x2b0: {  	v7 =	vperm.xlane v1, v7;
	[tilespmem:v2+s20+$0xFFFFFFA0 ss:$0x1] =	vst.idx.msk $0xffff, v5;
	v50 =	vshrl.u32 v44, $0x1B;
	v6 =	vadd.s32 v6, v8  }
0x2b1: {  	[tilespmem:v2+s20+$0xFFFFFB20 ss:$0x1] =	vst.idx.msk $0xffff, v49;
	v51 =	vld [tilespmem:s21+$0x4A0];
	v5 =	vand.u32 $0x10, v50;
	v52 =	vperm.xlane v0, v6  }
0x2b2: {  	[tilespmem:v2+s20+$0xFFFFFBA0 ss:$0x1] =	vst.idx.msk $0xffff, v7;
	v6 =	vperm.xlane v1, v6;
	v5 =	vadd.s32 v44, v5  }
0x2b3: {  	v7 =	vld [tilespmem:s21+$0x420];
	v9 =	vperm.xlane v0, v5;
	[tilespmem:v2+s23+$0xFFFFFF20 ss:$0x1] =	vst.idx.msk $0xffff, v52  }
0x2b4: {  	v5 =	vperm.xlane v1, v5;
	[tilespmem:v2+s23+$0xFFFFFFA0 ss:$0x1] =	vst.idx.msk $0xffff, v6  }
0x2b5: {  	[tilespmem:v2+s23+$0xFFFFFB20 ss:$0x1] =	vst.idx.msk $0xffff, v9;
	v6 =	vld [tilespmem:s22+$0x4A0]  }
0x2b6: {  	v53 =	vshrl.u32 v51, $0x1B;
	[tilespmem:v2+s23+$0xFFFFFBA0 ss:$0x1] =	vst.idx.msk $0xffff, v5  }
0x2b7: {  	v54 =	vand.u32 $0x10, v53;
	v55 =	vld [tilespmem:s22+$0x420]  }
0x2b8: {  	v56 =	vshrl.u32 v7, $0x1B;
	v5 =	vadd.s32 v51, v54  }
0x2b9: {  	v57 =	vand.u32 $0x10, v56;
	v58 =	vperm.xlane v0, v5  }
0x2ba: {  	v7 =	vadd.s32 v7, v57;
	v5 =	vperm.xlane v1, v5;
	v59 =	vshrl.u32 v6, $0x1B  }
0x2bb: {  	v60 =	vperm.xlane v0, v7;
	[tilespmem:v2+s20+$0xFFFFFF30 ss:$0x1] =	vst.idx.msk $0xffff, v58;
	v8 =	vand.u32 $0x10, v59  }
0x2bc: {  	v7 =	vperm.xlane v1, v7;
	[tilespmem:v2+s20+$0xFFFFFFB0 ss:$0x1] =	vst.idx.msk $0xffff, v5;
	v61 =	vshrl.u32 v55, $0x1B;
	v6 =	vadd.s32 v6, v8  }
0x2bd: {  	[tilespmem:v2+s20+$0xFFFFFB30 ss:$0x1] =	vst.idx.msk $0xffff, v60;
	v62 =	vld [tilespmem:s21+$0x4B0];
	v5 =	vand.u32 $0x10, v61;
	v63 =	vperm.xlane v0, v6  }
0x2be: {  	[tilespmem:v2+s20+$0xFFFFFBB0 ss:$0x1] =	vst.idx.msk $0xffff, v7;
	v6 =	vperm.xlane v1, v6;
	v5 =	vadd.s32 v55, v5  }
0x2bf: {  	v7 =	vld [tilespmem:s21+$0x430];
	v9 =	vperm.xlane v0, v5;
	[tilespmem:v2+s23+$0xFFFFFF30 ss:$0x1] =	vst.idx.msk $0xffff, v63  }
0x2c0: {  	v5 =	vperm.xlane v1, v5;
	[tilespmem:v2+s23+$0xFFFFFFB0 ss:$0x1] =	vst.idx.msk $0xffff, v6  }
0x2c1: {  	[tilespmem:v2+s23+$0xFFFFFB30 ss:$0x1] =	vst.idx.msk $0xffff, v9;
	v6 =	vld [tilespmem:s22+$0x4B0]  }
0x2c2: {  	v12 =	vshrl.u32 v62, $0x1B;
	[tilespmem:v2+s23+$0xFFFFFBB0 ss:$0x1] =	vst.idx.msk $0xffff, v5  }
0x2c3: {  	v13 =	vand.u32 $0x10, v12;
	v14 =	vld [tilespmem:s22+$0x430]  }
0x2c4: {  	v15 =	vshrl.u32 v7, $0x1B;
	v5 =	vadd.s32 v62, v13  }
0x2c5: {  	v16 =	vand.u32 $0x10, v15;
	v17 =	vperm.xlane v0, v5  }
0x2c6: {  	v7 =	vadd.s32 v7, v16;
	v5 =	vperm.xlane v1, v5;
	v18 =	vshrl.u32 v6, $0x1B  }
0x2c7: {  	v19 =	vperm.xlane v0, v7;
	[tilespmem:v2+s20+$0xFFFFFF40 ss:$0x1] =	vst.idx.msk $0xffff, v17;
	v8 =	vand.u32 $0x10, v18  }
0x2c8: {  	v7 =	vperm.xlane v1, v7;
	[tilespmem:v2+s20+$0xFFFFFFC0 ss:$0x1] =	vst.idx.msk $0xffff, v5;
	v20 =	vshrl.u32 v14, $0x1B;
	v6 =	vadd.s32 v6, v8  }
0x2c9: {  	[tilespmem:v2+s20+$0xFFFFFB40 ss:$0x1] =	vst.idx.msk $0xffff, v19;
	v21 =	vld [tilespmem:s21+$0x4C0];
	v5 =	vand.u32 $0x10, v20;
	v22 =	vperm.xlane v0, v6  }
0x2ca: {  	[tilespmem:v2+s20+$0xFFFFFBC0 ss:$0x1] =	vst.idx.msk $0xffff, v7;
	v6 =	vperm.xlane v1, v6;
	v5 =	vadd.s32 v14, v5  }
0x2cb: {  	v7 =	vld [tilespmem:s21+$0x440];
	v9 =	vperm.xlane v0, v5;
	[tilespmem:v2+s23+$0xFFFFFF40 ss:$0x1] =	vst.idx.msk $0xffff, v22  }
0x2cc: {  	v5 =	vperm.xlane v1, v5;
	[tilespmem:v2+s23+$0xFFFFFFC0 ss:$0x1] =	vst.idx.msk $0xffff, v6  }
0x2cd: {  	[tilespmem:v2+s23+$0xFFFFFB40 ss:$0x1] =	vst.idx.msk $0xffff, v9;
	v6 =	vld [tilespmem:s22+$0x4C0]  }
0x2ce: {  	v23 =	vshrl.u32 v21, $0x1B;
	[tilespmem:v2+s23+$0xFFFFFBC0 ss:$0x1] =	vst.idx.msk $0xffff, v5  }
0x2cf: {  	v24 =	vand.u32 $0x10, v23;
	v25 =	vld [tilespmem:s22+$0x440]  }
0x2d0: {  	v26 =	vshrl.u32 v7, $0x1B;
	v5 =	vadd.s32 v21, v24  }
0x2d1: {  	v27 =	vand.u32 $0x10, v26;
	v28 =	vperm.xlane v0, v5  }
0x2d2: {  	v7 =	vadd.s32 v7, v27;
	v5 =	vperm.xlane v1, v5;
	v29 =	vshrl.u32 v6, $0x1B  }
0x2d3: {  	v30 =	vperm.xlane v0, v7;
	[tilespmem:v2+s20+$0xFFFFFF50 ss:$0x1] =	vst.idx.msk $0xffff, v28;
	v8 =	vand.u32 $0x10, v29  }
0x2d4: {  	v7 =	vperm.xlane v1, v7;
	[tilespmem:v2+s20+$0xFFFFFFD0 ss:$0x1] =	vst.idx.msk $0xffff, v5;
	v31 =	vshrl.u32 v25, $0x1B;
	v6 =	vadd.s32 v6, v8  }
0x2d5: {  	[tilespmem:v2+s20+$0xFFFFFB50 ss:$0x1] =	vst.idx.msk $0xffff, v30;
	v32 =	vld [tilespmem:s21+$0x4D0];
	v5 =	vand.u32 $0x10, v31;
	v33 =	vperm.xlane v0, v6  }
0x2d6: {  	[tilespmem:v2+s20+$0xFFFFFBD0 ss:$0x1] =	vst.idx.msk $0xffff, v7;
	v6 =	vperm.xlane v1, v6;
	v5 =	vadd.s32 v25, v5  }
0x2d7: {  	v7 =	vld [tilespmem:s21+$0x450];
	v9 =	vperm.xlane v0, v5;
	[tilespmem:v2+s23+$0xFFFFFF50 ss:$0x1] =	vst.idx.msk $0xffff, v33  }
0x2d8: {  	v5 =	vperm.xlane v1, v5;
	[tilespmem:v2+s23+$0xFFFFFFD0 ss:$0x1] =	vst.idx.msk $0xffff, v6  }
0x2d9: {  	[tilespmem:v2+s23+$0xFFFFFB50 ss:$0x1] =	vst.idx.msk $0xffff, v9;
	v6 =	vld [tilespmem:s22+$0x4D0]  }
0x2da: {  	v34 =	vshrl.u32 v32, $0x1B;
	[tilespmem:v2+s23+$0xFFFFFBD0 ss:$0x1] =	vst.idx.msk $0xffff, v5  }
0x2db: {  	v35 =	vand.u32 $0x10, v34;
	v36 =	vld [tilespmem:s22+$0x450]  }
0x2dc: {  	v37 =	vshrl.u32 v7, $0x1B;
	v5 =	vadd.s32 v32, v35  }
0x2dd: {  	v38 =	vand.u32 $0x10, v37;
	v39 =	vperm.xlane v0, v5  }
0x2de: {  	v7 =	vadd.s32 v7, v38;
	v5 =	vperm.xlane v1, v5;
	v40 =	vshrl.u32 v6, $0x1B  }
0x2df: {  	v41 =	vperm.xlane v0, v7;
	[tilespmem:v2+s20+$0xFFFFFF60 ss:$0x1] =	vst.idx.msk $0xffff, v39;
	v8 =	vand.u32 $0x10, v40  }
0x2e0: {  	v7 =	vperm.xlane v1, v7;
	[tilespmem:v2+s20+$0xFFFFFFE0 ss:$0x1] =	vst.idx.msk $0xffff, v5;
	v42 =	vshrl.u32 v36, $0x1B;
	v6 =	vadd.s32 v6, v8  }
0x2e1: {  	[tilespmem:v2+s20+$0xFFFFFB60 ss:$0x1] =	vst.idx.msk $0xffff, v41;
	v43 =	vld [tilespmem:s21+$0x4E0];
	v5 =	vand.u32 $0x10, v42;
	v44 =	vperm.xlane v0, v6  }
0x2e2: {  	[tilespmem:v2+s20+$0xFFFFFBE0 ss:$0x1] =	vst.idx.msk $0xffff, v7;
	v6 =	vperm.xlane v1, v6;
	v5 =	vadd.s32 v36, v5  }
0x2e3: {  	v7 =	vld [tilespmem:s21+$0x460];
	v9 =	vperm.xlane v0, v5;
	[tilespmem:v2+s23+$0xFFFFFF60 ss:$0x1] =	vst.idx.msk $0xffff, v44  }
0x2e4: {  	v5 =	vperm.xlane v1, v5;
	[tilespmem:v2+s23+$0xFFFFFFE0 ss:$0x1] =	vst.idx.msk $0xffff, v6  }
0x2e5: {  	[tilespmem:v2+s23+$0xFFFFFB60 ss:$0x1] =	vst.idx.msk $0xffff, v9;
	v6 =	vld [tilespmem:s22+$0x4E0]  }
0x2e6: {  	v45 =	vshrl.u32 v43, $0x1B;
	[tilespmem:v2+s23+$0xFFFFFBE0 ss:$0x1] =	vst.idx.msk $0xffff, v5  }
0x2e7: {  	v46 =	vand.u32 $0x10, v45;
	v47 =	vld [tilespmem:s22+$0x460]  }
0x2e8: {  	v48 =	vshrl.u32 v7, $0x1B;
	v5 =	vadd.s32 v43, v46  }
0x2e9: {  	v49 =	vand.u32 $0x10, v48;
	v50 =	vperm.xlane v0, v5  }
0x2ea: {  	v7 =	vadd.s32 v7, v49;
	v5 =	vperm.xlane v1, v5;
	v51 =	vshrl.u32 v6, $0x1B  }
0x2eb: {  	v52 =	vperm.xlane v0, v7;
	[tilespmem:v2+s20+$0xFFFFFF70 ss:$0x1] =	vst.idx.msk $0xffff, v50;
	v8 =	vand.u32 $0x10, v51  }
0x2ec: {  	v7 =	vperm.xlane v1, v7;
	[tilespmem:v2+s20+$0xFFFFFFF0 ss:$0x1] =	vst.idx.msk $0xffff, v5;
	v53 =	vshrl.u32 v47, $0x1B;
	v6 =	vadd.s32 v6, v8  }
0x2ed: {  	[tilespmem:v2+s20+$0xFFFFFB70 ss:$0x1] =	vst.idx.msk $0xffff, v52;
	v54 =	vld [tilespmem:s21+$0x4F0];
	v5 =	vand.u32 $0x10, v53;
	v55 =	vperm.xlane v0, v6  }
0x2ee: {  	[tilespmem:v2+s20+$0xFFFFFBF0 ss:$0x1] =	vst.idx.msk $0xffff, v7;
	v6 =	vperm.xlane v1, v6;
	v5 =	vadd.s32 v47, v5  }
0x2ef: {  	v7 =	vld [tilespmem:s21+$0x470];
	v9 =	vperm.xlane v0, v5;
	[tilespmem:v2+s23+$0xFFFFFF70 ss:$0x1] =	vst.idx.msk $0xffff, v55  }
0x2f0: {  	v5 =	vperm.xlane v1, v5;
	[tilespmem:v2+s23+$0xFFFFFFF0 ss:$0x1] =	vst.idx.msk $0xffff, v6  }
0x2f1: {  	[tilespmem:v2+s23+$0xFFFFFB70 ss:$0x1] =	vst.idx.msk $0xffff, v9;
	v6 =	vld [tilespmem:s22+$0x4F0]  }
0x2f2: {  	v56 =	vshrl.u32 v54, $0x1B;
	[tilespmem:v2+s23+$0xFFFFFBF0 ss:$0x1] =	vst.idx.msk $0xffff, v5  }
0x2f3: {  	v57 =	vand.u32 $0x10, v56;
	v58 =	vld [tilespmem:s22+$0x470]  }
0x2f4: {  	v59 =	vshrl.u32 v7, $0x1B;
	v5 =	vadd.s32 v54, v57  }
0x2f5: {  	[tilespmem:v2+s25+$0xFFFFFB80 ss:$0x1] =	vst.idx.msk $0xffff, v4;
	v60 =	vand.u32 $0x10, v59;
	v8 =	vperm.xlane v1, v5  }
0x2f6: {  	[tilespmem:v2+s25+$0xFFFFFC00 ss:$0x1] =	vst.idx.msk $0xffff, v3;
	v4 =	vadd.s32 v7, v60;
	v3 =	vperm.xlane v0, v5;
	v61 =	vshrl.u32 v6, $0x1B  }
0x2f7: {  	v7 =	vperm.xlane v0, v4;
	[tilespmem:v2+s20+$0x0 ss:$0x1] =	vst.idx.msk $0xffff, v8;
	v5 =	vand.u32 $0x10, v61  }
0x2f8: {  	v4 =	vperm.xlane v1, v4;
	[tilespmem:v2+s20+$0xFFFFFF80 ss:$0x1] =	vst.idx.msk $0xffff, v3;
	v3 =	vshrl.u32 v58, $0x1B;
	v5 =	vadd.s32 v6, v5  }
0x2f9: {  	s30 =	sadd.s32 s5, s19;
	s19 =	sadd.s32 $0x1, s19;
	[tilespmem:v2+s20+$0xFFFFFB80 ss:$0x1] =	vst.idx.msk $0xffff, v7;
	v3 =	vand.u32 $0x10, v3;
	v6 =	vperm.xlane v1, v5  }
0x2fa: {  	p0 =	sne.s32 s19, $0x19;
	[tilespmem:v2+s20+$0xFFFFFC00 ss:$0x1] =	vst.idx.msk $0xffff, v4;
	v62 =	vperm.xlane v0, v5;
	v3 =	vadd.s32 v58, v3  }
.Ltmp1:
0x2fb: {  	s31 =	sshll.u32 s30, $0x7;
	v63 =	vperm.xlane v0, v3;
	[tilespmem:v2+s23+$0x0 ss:$0x1] =	vst.idx.msk $0xffff, v6;
	(pc) =	sbr.rel @p0 .LBB2_2-.Ltmp1, $4  }
0x2fc: {  	s21 =	sand.u32 $0xF80, s31;
	s20 =	sshll.u32 s30, $0xA;
	v3 =	vperm.xlane v1, v3;
	[tilespmem:v2+s23+$0xFFFFFF80 ss:$0x1] =	vst.idx.msk $0xffff, v62  }
0x2fd: {  	s21 =	sadd.s32 s2, s21;
	s20 =	sand.u32 $0xFFF8000, s20;
	[tilespmem:v2+s23+$0xFFFFFB80 ss:$0x1] =	vst.idx.msk $0xffff, v63  }
0x2fe: {  	s17 =	sadd.s32 $0x2000, s17;
	s18 =	sadd.s32 $0x1000, s18;
	s20 =	sadd.s32 s20, s21;
	[tilespmem:v2+s23+$0xFFFFFC00 ss:$0x1] =	vst.idx.msk $0xffff, v3  }
0x2ff: {  	[hbm4b:s20+s13] =	stream.strided.scatter [tilespmem:s24], [sflag:$0x2], $0x2000, s14, s13, $0x38;
	[tilespmem:$0x1F080] =	vst v63  }
0x300: {  	_ =	swait.ge [sflag:s15], $0x2000  }
0x301: {  	[sflag:s15] =	ssyncset.done $0x0  }
0x302: {  	s16 =	sadd.s32 $0x1, s16;
	[sflag:s15] =	ssyncadd.s32 $0xFFFFE000  }
0x303: {  	p0 =	sne.s32 s16, s8;
	_ =	swait.ge [sflag:s15], $0x2000  }
.Ltmp2:
0x304: {  	[sflag:s15] =	ssyncset.done $0x0;
	(pc) =	sbr.rel @p0 .LBB2_1-.Ltmp2, $4  }
0x305: {  	[sflag:s15] =	ssyncadd.s32 $0xFFFFE000  }
0x306: {  	_ =	swait.ge [sflag:s15], $0x2000  }
0x307: {  	[sflag:s15] =	ssyncset.done $0x0  }
0x308: {  	[sflag:s15] =	ssyncadd.s32 $0xFFFFE000  }
0x309: {  	_ =	sfence.sel $0x180000  }
0x30a: {  	[bflag:$0x0] =	sbarrier.arrive $0xFFFF  }
0x30b: {  	p0 =	sne.s32 s0, $0x0;
	_ =	strace $0x90000047  }
0x30c: {  	s0 =	sadd.s32 @!p0 $0x100000, s1;
	[bflag:$0x2] =	sbarrier.arrive $0xFFFF  }
0x30d: {  	[sflag:s0] =	ssyncadd.tile.s32 @!p0 $0x1;
	_ =	shalt  }
.Lfunc_end2:
_tile_overlayer_lowered:
.L_overlay_start_2:
0x30e: {  	(tag) =	ssettag $0x2  }
0x30f: {  	s0 =	rddreg [dreg:$0x0];
	s2 =	stileid.u32  }
0x310: {  	s1 =	rddreg [dreg:$0x1];
	p0 =	sne.s32 s2, $0x0  }
0x311: {  	s3 =	rddreg [dreg:$0x2];
	[bflag:$0x3] =	sbarrier.arrive $0xFFFF;
	s2 =	simm.s32 @!p0 $0x1C03  }
0x312: {  	[timem:s3], [sflag:s2] =	dma.local @!p0 [hbm:s0], s1  }
0x313: {  	s0 =	simm.s32 @!p0 $0x3  }
0x314: {  	_ =	swait.ge @!p0 [sflag:s0], s1  }
0x315: {  	s1 =	ssub.s32 @!p0 $0x0, s1;
	[sflag:s0] =	ssyncset.done @!p0 $0x0  }
0x316: {  	[sflag:s0] =	ssyncadd.s32 @!p0 s1  }
0x317: {  	[bflag:$0x3] =	sbarrier.arrive $0xFFFF  }
0x318: {  	_ =	shalt  }

</sc_bundles>
